<compile_context>
chip_gen: v7x
topology: tpu7x:2x2x1
jax: 0.10.2.dev20260603
libtpu: 0.0.44.dev20260713+nightly
codegen_flags: <defaults>
</compile_context>

<pallas_src>
import functools

import jax
import jax.numpy as jnp
from jax import lax
from jax.experimental import pallas as pl
from jax.experimental.pallas import tpu as pltpu
from jax.experimental.pallas import tpu_sc as plsc

_N, _E, _D, _R, _OUT = 10000, 320000, 128, 64, 128
_NC, _NS, _L = 2, 16, 16
_NW = _NC * _NS
_CH = 128
_NR = _E // _CH
_RB = _NR // _NW
_XT = _NR - _RB * _NW
_NP = _RB + 1
_NT_IO = 10
_RPT = _N // _NT_IO


def _prep_body(x_ref, wr_ref, pd_ref, ps_ref):
    w_sum = jnp.sum(wr_ref[...], axis=2)
    wa = w_sum[:, :_D]
    wb = w_sum[:, _D:]
    x = x_ref[...]
    nt = (((1,), (1,)), ((), ()))
    pd_ref[...] = lax.dot_general(x, wa, nt, preferred_element_type=jnp.float32)
    ps_ref[...] = lax.dot_general(x, wb, nt, preferred_element_type=jnp.float32)


_prep = pl.pallas_call(
    _prep_body,
    out_shape=[
        jax.ShapeDtypeStruct((_N, _R), jnp.float32),
        jax.ShapeDtypeStruct((_N, _R), jnp.float32),
    ],
)


_mesh = plsc.VectorSubcoreMesh(core_axis_name="c", subcore_axis_name="s")


@functools.partial(
    pl.kernel,
    out_type=(
        jax.ShapeDtypeStruct((_NC, _N, _D), jnp.float32),
        jax.ShapeDtypeStruct((_NC, _N), jnp.float32),
    ),
    mesh=_mesh,
    scratch_types=[
        pltpu.VMEM((32, _CH), jnp.int32),
        pltpu.VMEM((32, _CH), jnp.int32),
        pltpu.VMEM((32, _CH), jnp.int32),
        pltpu.VMEM((32,), jnp.int32),
        pltpu.VMEM((2 * _CH,), jnp.int32),
        pltpu.VMEM((2 * _CH,), jnp.int32),
        pltpu.VMEM((2 * _CH,), jnp.float32),
        pltpu.VMEM((2 * _CH,), jnp.float32),
        pltpu.VMEM((2 * _CH, _D), jnp.float32),
        pltpu.VMEM((2 * _CH,), jnp.float32),
        pltpu.VMEM_SHARED((_N, _D), jnp.float32),
        pltpu.VMEM_SHARED((_N,), jnp.float32),
        pltpu.SemaphoreType.DMA((2,)),
        pltpu.SemaphoreType.DMA((2,)),
        pltpu.SemaphoreType.DMA((2,)),
    ],
)
def _sc_edges(dst_hbm, src_hbm, rel_hbm, pd_hbm, ps_hbm, x_hbm, zs_hbm, zc_hbm,
              sums_out, cnts_out,
              dstv, srcv, relv, rows2, i1, i2, g1, g2, xs2, cv,
              acc_sh, cnt_sh,
              seme, semg, sems):
    cid = lax.axis_index("c")
    sid = lax.axis_index("s")
    wid = sid * _NC + cid

    rstart = wid * _RB + jnp.minimum(wid, _XT)
    nrows = jnp.where(wid < _XT, _RB + 1, _RB)

    @pl.when(sid == 0)
    def _():
        pltpu.sync_copy(zs_hbm, acc_sh)
        pltpu.sync_copy(zc_hbm, cnt_sh)

    plsc.subcore_barrier()

    def _erow(j4):
        return pl.multiple_of(8 * j4, 8)

    def _boff(b):
        return pl.multiple_of(b * _CH, _CH)

    def _loop(j, c):
        sj = j
        dj = j - 1
        pj = j - 2

        @pl.when(sj < _NP)
        def _():
            se = lax.rem(sj, 2)
            s4 = lax.rem(sj, 4)
            grow = jnp.minimum(rstart + sj, _NR - 1)
            ro = pl.multiple_of(16 * se, 16)
            rows2[pl.ds(ro, _L)] = jnp.zeros((_L,), jnp.int32) + grow
            idx1 = rows2.at[pl.ds(ro, 1)]
            eo = _erow(s4)
            pltpu.async_copy(dst_hbm.at[idx1], dstv.at[pl.ds(eo, 1)], seme.at[se])
            pltpu.async_copy(src_hbm.at[idx1], srcv.at[pl.ds(eo, 1)], seme.at[se])
            pltpu.async_copy(rel_hbm.at[idx1], relv.at[pl.ds(eo, 1)], seme.at[se])

        @pl.when(jnp.logical_and(dj >= 0, dj < _NP))
        def _():
            de = lax.rem(dj, 2)
            d4 = lax.rem(dj, 4)
            ro = pl.multiple_of(16 * de, 16)
            eo = _erow(d4)
            pltpu.make_async_copy(dst_hbm.at[rows2.at[pl.ds(ro, 1)]],
                                  dstv.at[pl.ds(eo, 1)], seme.at[de]).wait()
            pltpu.make_async_copy(src_hbm.at[rows2.at[pl.ds(ro, 1)]],
                                  srcv.at[pl.ds(eo, 1)], seme.at[de]).wait()
            pltpu.make_async_copy(rel_hbm.at[rows2.at[pl.ds(ro, 1)]],
                                  relv.at[pl.ds(eo, 1)], seme.at[de]).wait()
            @pl.when(dj >= 2)
            def _():
                pltpu.make_async_copy(xs2.at[pl.ds(_boff(de), _CH)],
                                      acc_sh.at[dstv.at[0]], sems.at[de]).wait()
                pltpu.make_async_copy(cv.at[pl.ds(_boff(de), _CH)],
                                      cnt_sh.at[dstv.at[0]], sems.at[de]).wait()
            bo = _boff(de)
            for k in range(_CH // _L):
                sl = pl.ds(k * _L, _L)
                d = dstv[8 * d4, sl]
                sv = srcv[8 * d4, sl]
                r = relv[8 * d4, sl]
                i1[pl.ds(bo + k * _L, _L)] = d * _R + r
                i2[pl.ds(bo + k * _L, _L)] = sv * _R + r
            pltpu.async_copy(pd_hbm.at[i1.at[pl.ds(bo, _CH)]],
                             g1.at[pl.ds(bo, _CH)], semg.at[de])
            pltpu.async_copy(ps_hbm.at[i2.at[pl.ds(bo, _CH)]],
                             g2.at[pl.ds(bo, _CH)], semg.at[de])
            pltpu.async_copy(x_hbm.at[srcv.at[8 * d4]],
                             xs2.at[pl.ds(bo, _CH)], semg.at[de])

        @pl.when(pj >= 0)
        def _():
            pe = lax.rem(pj, 2)
            p4 = lax.rem(pj, 4)
            bo = _boff(pe)
            pltpu.make_async_copy(pd_hbm.at[i1.at[pl.ds(bo, _CH)]],
                                  g1.at[pl.ds(bo, _CH)], semg.at[pe]).wait()
            pltpu.make_async_copy(ps_hbm.at[i2.at[pl.ds(bo, _CH)]],
                                  g2.at[pl.ds(bo, _CH)], semg.at[pe]).wait()
            pltpu.make_async_copy(x_hbm.at[srcv.at[0]],
                                  xs2.at[pl.ds(bo, _CH)], semg.at[pe]).wait()

            m = jnp.where(pj < nrows, 1.0, 0.0)
            for k in range(_CH // _L):
                sl = pl.ds(bo + k * _L, _L)
                t = g1[sl] + g2[sl]
                g1[sl] = m / (1.0 + jnp.exp(-t))
                cv[sl] = jnp.zeros((_L,), jnp.float32) + m

            def _scale(k, cc):
                gv = g1[pl.ds(bo + k * _L, _L)]
                for i in range(_L):
                    ge = gv[i]
                    e = bo + k * _L + i
                    for v in range(_D // _L):
                        sl = pl.ds(v * _L, _L)
                        xs2[e, sl] = xs2[e, sl] * ge
                return cc
            lax.fori_loop(0, _CH // _L, _scale, 0)

            pltpu.async_copy(xs2.at[pl.ds(bo, _CH)],
                             acc_sh.at[dstv.at[8 * p4]], sems.at[pe], add=True)
            pltpu.async_copy(cv.at[pl.ds(bo, _CH)],
                             cnt_sh.at[dstv.at[8 * p4]], sems.at[pe], add=True)
        return c

    lax.fori_loop(0, _NP + 2, _loop, 0)

    for b in range(2):
        pltpu.make_async_copy(xs2.at[pl.ds(b * _CH, _CH)],
                              acc_sh.at[dstv.at[0]], sems.at[b]).wait()
        pltpu.make_async_copy(cv.at[pl.ds(b * _CH, _CH)],
                              cnt_sh.at[dstv.at[0]], sems.at[b]).wait()

    plsc.subcore_barrier()

    @pl.when(sid < _NT_IO)
    def _():
        pltpu.sync_copy(acc_sh.at[pl.ds(sid * _RPT, _RPT)],
                        sums_out.at[cid, pl.ds(sid * _RPT, _RPT)])

    @pl.when(sid == 0)
    def _():
        pltpu.sync_copy(cnt_sh, cnts_out.at[cid])


def _final_body(x_ref, sums_ref, cnts_ref, w1_ref, w2_ref, b_ref, o_ref):
    s = sums_ref[0] + sums_ref[1]
    c = cnts_ref[0] + cnts_ref[1]
    agg = s / jnp.maximum(c, 1.0)
    x = x_ref[...]
    nt = (((1,), (1,)), ((), ()))
    out = (lax.dot_general(x, w1_ref[...], nt, preferred_element_type=jnp.float32)
           + lax.dot_general(agg, w2_ref[...], nt, preferred_element_type=jnp.float32)
           + b_ref[...])
    o_ref[...] = jnp.where(out >= 0, out, 0.01 * out)


_final = pl.pallas_call(
    _final_body,
    out_shape=jax.ShapeDtypeStruct((_N, _OUT), jnp.float32),
)


def kernel(x, adj_list, adj_relation, W_r, lin_w, lin_b):
    dst = adj_list[0]
    src = adj_list[1]
    pd, ps = _prep(x, W_r)
    sums, cnts = _sc_edges(
        dst.reshape(_NR, _CH),
        src.reshape(_NR, _CH),
        adj_relation.reshape(_NR, _CH),
        pd.reshape(-1),
        ps.reshape(-1),
        x,
        jnp.zeros((_N, _D), jnp.float32),
        jnp.zeros((_N,), jnp.float32),
    )
    return _final(
        x,
        sums,
        cnts.reshape(_NC, _N, 1),
        lin_w[:, :_D],
        lin_w[:, _D:],
        lin_b.reshape(1, _OUT),
    )

# --- scband reference (transcript-rebuilt; emitter-appended) ---
"""Pipeline reference for scband-graph-conv-layer-2413771620668 (READ-ONLY COPY).

The authoritative reference and input builder live on the scoring server;
editing this copy changes nothing except your own understanding.
"""

import jax, jax.numpy as jnp
import numpy as np
import math

N, E, D, R, OUT = 10000, 320000, 128, 64, 128

def setup_inputs(seed: int = 0) -> dict:
    key = jax.random.key(seed)
    ks = jax.random.split(key, 6)
    x = jax.random.normal(ks[0], (N, D), dtype=jnp.float32)
    adj_list = jax.random.randint(ks[1], (2, E), 0, N, dtype=jnp.int32)
    adj_relation = jax.random.randint(ks[2], (E,), 0, R, dtype=jnp.int32)
    # W_r: xavier_uniform on [R, 2D, D] (torch fan_in = 2D*D, fan_out = R*D)
    fan_in = 2 * D * D
    fan_out = R * D
    bound = math.sqrt(6.0 / (fan_in + fan_out))
    W_r = jax.random.uniform(ks[3], (R, 2 * D, D), minval=-bound, maxval=bound, dtype=jnp.float32)
    # nn.Linear(2D, OUT) default init: U(-1/sqrt(fan_in), 1/sqrt(fan_in))
    lb = 1.0 / math.sqrt(2 * D)
    lin_w = jax.random.uniform(ks[4], (OUT, 2 * D), minval=-lb, maxval=lb, dtype=jnp.float32)
    lin_b = jax.random.uniform(ks[5], (OUT,), minval=-lb, maxval=lb, dtype=jnp.float32)
    return {"x": x, "adj_list": adj_list, "adj_relation": adj_relation, "W_r": W_r, "lin_w": lin_w, "lin_b": lin_b}

def reference(x, adj_list, adj_relation, W_r, lin_w, lin_b):
    n_nodes = x.shape[0]
    dst = adj_list[0]
    src = adj_list[1]
    x_dst = x[dst]                                  # gather [E, D]
    x_src = x[src]                                  # gather [E, D]
    concat = jnp.concatenate([x_dst, x_src], axis=-1)  # [E, 2D]
    # gate scalar per edge = sigmoid(sum_d(concat @ W_r[rel])).
    # Exact identity: sum over output dim of (c @ W) == c . W.sum(axis=1),
    # so gather row-sums of W_r per edge instead of materializing [E,2D,D].
    W_sum = W_r.sum(axis=2)                          # [R, 2D]
    gate_logit = jnp.sum(concat * W_sum[adj_relation], axis=-1, keepdims=True)  # [E, 1]
    gate = jax.nn.sigmoid(gate_logit)
    weighted = x_src * gate                          # [E, D]
    sums = jax.ops.segment_sum(weighted, dst, num_segments=n_nodes)  # scatter-add
    counts = jax.ops.segment_sum(jnp.ones((weighted.shape[0],), dtype=x.dtype), dst, num_segments=n_nodes)
    aggregated = sums / jnp.maximum(counts, 1.0)[:, None]  # mean; isolated nodes stay 0
    combined = jnp.concatenate([x, aggregated], axis=-1)    # [N, 2D]
    out = combined @ lin_w.T + lin_b
    return jnp.where(out >= 0, out, 0.01 * out)  # LeakyReLU(0.01)

if __name__ == "__main__":
    import jax
    _d = setup_inputs()
    print(jax.jit(kernel)(*tuple(_d.values())))

</pallas_src>

<mosaic_0001>
#map = affine_map<(d0, d1) -> (0, 0)>
#map1 = affine_map<(d0, d1) -> (0)>
#map2 = affine_map<(d0, d1) -> (0, 0, 0)>
module attributes {stable_mosaic.version = 14 : i64} {
  func.func @_sc_edges(%arg0: i32, %arg1: i32, %arg2: memref<2500x128xi32, #tpu.memory_space<hbm>>, %arg3: memref<2500x128xi32, #tpu.memory_space<hbm>>, %arg4: memref<2500x128xi32, #tpu.memory_space<hbm>>, %arg5: memref<640000xf32, #tpu.memory_space<hbm>>, %arg6: memref<640000xf32, #tpu.memory_space<hbm>>, %arg7: memref<10000x128xf32, #tpu.memory_space<hbm>>, %arg8: memref<10000x128xf32, #tpu.memory_space<hbm>>, %arg9: memref<10000xf32, #tpu.memory_space<hbm>>, %arg10: memref<2x10000x128xf32, #tpu.memory_space<hbm>>, %arg11: memref<2x10000xf32, #tpu.memory_space<hbm>>, %arg12: memref<32x128xi32, #tpu.memory_space<vmem>>, %arg13: memref<32x128xi32, #tpu.memory_space<vmem>>, %arg14: memref<32x128xi32, #tpu.memory_space<vmem>>, %arg15: memref<32xi32, #tpu.memory_space<vmem>>, %arg16: memref<256xi32, #tpu.memory_space<vmem>>, %arg17: memref<256xi32, #tpu.memory_space<vmem>>, %arg18: memref<256xf32, #tpu.memory_space<vmem>>, %arg19: memref<256xf32, #tpu.memory_space<vmem>>, %arg20: memref<256x128xf32, #tpu.memory_space<vmem>>, %arg21: memref<256xf32, #tpu.memory_space<vmem>>, %arg22: memref<10000x128xf32, #tpu.memory_space<vmem_shared>>, %arg23: memref<10000xf32, #tpu.memory_space<vmem_shared>>, %arg24: memref<2x!tpu.dma_semaphore, #tpu.memory_space<semaphore_mem>>, %arg25: memref<2x!tpu.dma_semaphore, #tpu.memory_space<semaphore_mem>>, %arg26: memref<2x!tpu.dma_semaphore, #tpu.memory_space<semaphore_mem>>) attributes {dimension_semantics = [#tpu.dimension_semantics<core_parallel>, #tpu.dimension_semantics<subcore_parallel>], iteration_bounds = array<i64: 2, 16>, scalar_prefetch = 0 : i64, scratch_operands = 15 : i64, tpu.core_type = #tpu.core_type<sc_vector_subcore>, window_params = [{transform_indices = #map}, {transform_indices = #map}, {transform_indices = #map}, {transform_indices = #map1}, {transform_indices = #map1}, {transform_indices = #map}, {transform_indices = #map}, {transform_indices = #map1}, {transform_indices = #map2}, {transform_indices = #map}]} {
    %mul3A = arith.constant 2 : i32
    %mul3A_0 = arith.muli %arg1, %mul3A : i32
    %add3A = arith.addi %mul3A_0, %arg0 : i32
    %mul3A_1 = arith.constant 78 : i32
    %mul3A_2 = arith.muli %add3A, %mul3A_1 : i32
    %min3A = arith.constant 4 : i32
    %min3A_3 = arith.minsi %add3A, %min3A : i32
    %add3A_4 = arith.addi %mul3A_2, %min3A_3 : i32
    %lt3A = arith.constant 4 : i32
    %lt3A_5 = arith.cmpi slt, %add3A, %lt3A : i32
    %jit3A = arith.constant 79 : i32
    %jit3A_6 = arith.constant 78 : i32
    %select_n3A = arith.select %lt3A_5, %jit3A, %jit3A_6 : i32
    %eq3A = arith.constant 0 : i32
    %eq3A_7 = arith.cmpi eq, %arg1, %eq3A : i32
    %convert_element_type3A = arith.extui %eq3A_7 : i1 to i32
    %cond3A = arith.constant 0 : i32
    %cond3A_8 = arith.cmpi ne, %convert_element_type3A, %cond3A : i32
    scf.if %cond3A_8 {
      "tpu.region"() ({
        %run_scoped3A = tpu.sem_alloc : memref<!tpu.dma_semaphore, #tpu.memory_space<semaphore_mem>>
        tpu.enqueue_dma source(%arg8 : memref<10000x128xf32, #tpu.memory_space<hbm>>) target(%arg22 : memref<10000x128xf32, #tpu.memory_space<vmem_shared>>) target_semaphore(%run_scoped3A : memref<!tpu.dma_semaphore, #tpu.memory_space<semaphore_mem>>)
        tpu.wait_dma2 semaphore(%run_scoped3A : memref<!tpu.dma_semaphore, #tpu.memory_space<semaphore_mem>>) src(%arg8 : memref<10000x128xf32, #tpu.memory_space<hbm>>) dst(%arg22 : memref<10000x128xf32, #tpu.memory_space<vmem_shared>>)
        tpu.yield
      }) : () -> ()
      "tpu.region"() ({
        %run_scoped3A = tpu.sem_alloc : memref<!tpu.dma_semaphore, #tpu.memory_space<semaphore_mem>>
        tpu.enqueue_dma source(%arg9 : memref<10000xf32, #tpu.memory_space<hbm>>) target(%arg23 : memref<10000xf32, #tpu.memory_space<vmem_shared>>) target_semaphore(%run_scoped3A : memref<!tpu.dma_semaphore, #tpu.memory_space<semaphore_mem>>)
        tpu.wait_dma2 semaphore(%run_scoped3A : memref<!tpu.dma_semaphore, #tpu.memory_space<semaphore_mem>>) src(%arg9 : memref<10000xf32, #tpu.memory_space<hbm>>) dst(%arg23 : memref<10000xf32, #tpu.memory_space<vmem_shared>>)
        tpu.yield
      }) : () -> ()
    } else {
    }
    %barrier3A = arith.constant 0 : index
    tpu.barrier barrier_id(%barrier3A)
    %scan3A = arith.constant 0 : i32
    %scan3A_9 = arith.constant 0 : i32
    %scan3A_10 = arith.constant 81 : i32
    %scan3A_11 = arith.addi %scan3A_9, %scan3A_10 : i32
    %scan3A_12 = arith.constant 1 : i32
    scf.for %scan3A_72 = %scan3A_9 to %scan3A_11 step %scan3A_12  : i32 {
      %sub3A = arith.constant 1 : i32
      %sub3A_73 = arith.subi %scan3A_72, %sub3A : i32
      %sub3A_74 = arith.constant 2 : i32
      %sub3A_75 = arith.subi %scan3A_72, %sub3A_74 : i32
      %lt3A_76 = arith.constant 79 : i32
      %lt3A_77 = arith.cmpi slt, %scan3A_72, %lt3A_76 : i32
      %convert_element_type3A_78 = arith.extui %lt3A_77 : i1 to i32
      %cond3A_79 = arith.constant 0 : i32
      %cond3A_80 = arith.cmpi ne, %convert_element_type3A_78, %cond3A_79 : i32
      scf.if %cond3A_80 {
        %rem3A = arith.constant 2 : i32
        %rem3A_92 = arith.remsi %scan3A_72, %rem3A : i32
        %rem3A_93 = arith.constant 4 : i32
        %rem3A_94 = arith.remsi %scan3A_72, %rem3A_93 : i32
        %add3A_95 = arith.addi %add3A_4, %scan3A_72 : i32
        %min3A_96 = arith.constant 2499 : i32
        %min3A_97 = arith.minsi %add3A_95, %min3A_96 : i32
        %mul3A_98 = arith.constant 16 : i32
        %mul3A_99 = arith.muli %mul3A_98, %rem3A_92 : i32
        %multiple_of3A = tpu.assume_multiple %mul3A_99, 16 : i32
        %broadcast_in_dim3A = arith.constant 0 : i32
        %broadcast_in_dim3A_100 = vector.broadcast %broadcast_in_dim3A : i32 to vector<16xi32>
        %add3A_101 = vector.broadcast %min3A_97 : i32 to vector<16xi32>
        %add3A_102 = arith.addi %broadcast_in_dim3A_100, %add3A_101 : vector<16xi32>
        %swap3A = arith.index_cast %multiple_of3A : i32 to index
        %swap3A_103 = tpu.vector_load %arg15[%swap3A] {strides = array<i32>} : memref<32xi32, #tpu.memory_space<vmem>>, vector<16xi32>,
        %swap3A_104 = vector.shape_cast %swap3A_103 : vector<16xi32> to vector<16xi32>
        %swap3A_105 = vector.shape_cast %add3A_102 : vector<16xi32> to vector<16xi32>
        tpu.vector_store %arg15[%swap3A], %swap3A_105 {strides = array<i32>} : memref<32xi32, #tpu.memory_space<vmem>>, vector<16xi32>,
        %mul3A_106 = arith.constant 8 : i32
        %mul3A_107 = arith.muli %mul3A_106, %rem3A_94 : i32
        %multiple_of3A_108 = tpu.assume_multiple %mul3A_107, 8 : i32
        %dma_start3A = arith.constant 0 : i32
        %dma_start3A_109 = tpu.memref_slice %arg12[%multiple_of3A_108, %dma_start3A] : memref<32x128xi32, #tpu.memory_space<vmem>> -> memref<1x128xi32, #tpu.memory_space<vmem>>
        %dma_start3A_110 = tpu.memref_slice %arg15[%multiple_of3A] : memref<32xi32, #tpu.memory_space<vmem>> -> memref<1xi32, #tpu.memory_space<vmem>>
        %dma_start3A_111 = arith.constant 0 : i32
        %dma_start3A_112 = arith.constant 0 : i32
        %dma_start3A_113 = tpu.memref_slice %arg2[%dma_start3A_111, %dma_start3A_112] : memref<2500x128xi32, #tpu.memory_space<hbm>> -> memref<2500x128xi32, #tpu.memory_space<hbm>>
        %dma_start3A_114 = tpu.memref_slice %arg24[%rem3A_92] : memref<2x!tpu.dma_semaphore, #tpu.memory_space<semaphore_mem>> -> memref<1x!tpu.dma_semaphore, #tpu.memory_space<semaphore_mem>>
        %dma_start3A_115 = tpu.memref_squeeze %dma_start3A_114 : memref<1x!tpu.dma_semaphore, #tpu.memory_space<semaphore_mem>> -> memref<!tpu.dma_semaphore, #tpu.memory_space<semaphore_mem>>
        tpu.enqueue_indirect_dma source(%dma_start3A_113 : memref<2500x128xi32, #tpu.memory_space<hbm>>) target(%dma_start3A_109 : memref<1x128xi32, #tpu.memory_space<vmem>>) offsets(%dma_start3A_110 : memref<1xi32, #tpu.memory_space<vmem>>) semaphore(%dma_start3A_115 : memref<!tpu.dma_semaphore, #tpu.memory_space<semaphore_mem>>)
        %dma_start3A_116 = arith.constant 0 : i32
        %dma_start3A_117 = tpu.memref_slice %arg13[%multiple_of3A_108, %dma_start3A_116] : memref<32x128xi32, #tpu.memory_space<vmem>> -> memref<1x128xi32, #tpu.memory_space<vmem>>
        %dma_start3A_118 = tpu.memref_slice %arg15[%multiple_of3A] : memref<32xi32, #tpu.memory_space<vmem>> -> memref<1xi32, #tpu.memory_space<vmem>>
        %dma_start3A_119 = arith.constant 0 : i32
        %dma_start3A_120 = arith.constant 0 : i32
        %dma_start3A_121 = tpu.memref_slice %arg3[%dma_start3A_119, %dma_start3A_120] : memref<2500x128xi32, #tpu.memory_space<hbm>> -> memref<2500x128xi32, #tpu.memory_space<hbm>>
        %dma_start3A_122 = tpu.memref_slice %arg24[%rem3A_92] : memref<2x!tpu.dma_semaphore, #tpu.memory_space<semaphore_mem>> -> memref<1x!tpu.dma_semaphore, #tpu.memory_space<semaphore_mem>>
        %dma_start3A_123 = tpu.memref_squeeze %dma_start3A_122 : memref<1x!tpu.dma_semaphore, #tpu.memory_space<semaphore_mem>> -> memref<!tpu.dma_semaphore, #tpu.memory_space<semaphore_mem>>
        tpu.enqueue_indirect_dma source(%dma_start3A_121 : memref<2500x128xi32, #tpu.memory_space<hbm>>) target(%dma_start3A_117 : memref<1x128xi32, #tpu.memory_space<vmem>>) offsets(%dma_start3A_118 : memref<1xi32, #tpu.memory_space<vmem>>) semaphore(%dma_start3A_123 : memref<!tpu.dma_semaphore, #tpu.memory_space<semaphore_mem>>)
        %dma_start3A_124 = arith.constant 0 : i32
        %dma_start3A_125 = tpu.memref_slice %arg14[%multiple_of3A_108, %dma_start3A_124] : memref<32x128xi32, #tpu.memory_space<vmem>> -> memref<1x128xi32, #tpu.memory_space<vmem>>
        %dma_start3A_126 = tpu.memref_slice %arg15[%multiple_of3A] : memref<32xi32, #tpu.memory_space<vmem>> -> memref<1xi32, #tpu.memory_space<vmem>>
        %dma_start3A_127 = arith.constant 0 : i32
        %dma_start3A_128 = arith.constant 0 : i32
        %dma_start3A_129 = tpu.memref_slice %arg4[%dma_start3A_127, %dma_start3A_128] : memref<2500x128xi32, #tpu.memory_space<hbm>> -> memref<2500x128xi32, #tpu.memory_space<hbm>>
        %dma_start3A_130 = tpu.memref_slice %arg24[%rem3A_92] : memref<2x!tpu.dma_semaphore, #tpu.memory_space<semaphore_mem>> -> memref<1x!tpu.dma_semaphore, #tpu.memory_space<semaphore_mem>>
        %dma_start3A_131 = tpu.memref_squeeze %dma_start3A_130 : memref<1x!tpu.dma_semaphore, #tpu.memory_space<semaphore_mem>> -> memref<!tpu.dma_semaphore, #tpu.memory_space<semaphore_mem>>
        tpu.enqueue_indirect_dma source(%dma_start3A_129 : memref<2500x128xi32, #tpu.memory_space<hbm>>) target(%dma_start3A_125 : memref<1x128xi32, #tpu.memory_space<vmem>>) offsets(%dma_start3A_126 : memref<1xi32, #tpu.memory_space<vmem>>) semaphore(%dma_start3A_131 : memref<!tpu.dma_semaphore, #tpu.memory_space<semaphore_mem>>)
      } else {
      }
      %ge3A = arith.constant 0 : i32
      %ge3A_81 = arith.cmpi sge, %sub3A_73, %ge3A : i32
      %lt3A_82 = arith.constant 79 : i32
      %lt3A_83 = arith.cmpi slt, %sub3A_73, %lt3A_82 : i32
      %and3A = arith.andi %ge3A_81, %lt3A_83 : i1
      %convert_element_type3A_84 = arith.extui %and3A : i1 to i32
      %cond3A_85 = arith.constant 0 : i32
      %cond3A_86 = arith.cmpi ne, %convert_element_type3A_84, %cond3A_85 : i32
      scf.if %cond3A_86 {
        %rem3A = arith.constant 2 : i32
        %rem3A_92 = arith.remsi %sub3A_73, %rem3A : i32
        %rem3A_93 = arith.constant 4 : i32
        %rem3A_94 = arith.remsi %sub3A_73, %rem3A_93 : i32
        %mul3A_95 = arith.constant 16 : i32
        %mul3A_96 = arith.muli %mul3A_95, %rem3A_92 : i32
        %multiple_of3A = tpu.assume_multiple %mul3A_96, 16 : i32
        %mul3A_97 = arith.constant 8 : i32
        %mul3A_98 = arith.muli %mul3A_97, %rem3A_94 : i32
        %multiple_of3A_99 = tpu.assume_multiple %mul3A_98, 8 : i32
        %dma_wait3A_100 = arith.constant 0 : i32
        %dma_wait3A_101 = tpu.memref_slice %arg12[%multiple_of3A_99, %dma_wait3A_100] : memref<32x128xi32, #tpu.memory_space<vmem>> -> memref<1x128xi32, #tpu.memory_space<vmem>>
        %dma_wait3A_102 = tpu.memref_slice %arg15[%multiple_of3A] : memref<32xi32, #tpu.memory_space<vmem>> -> memref<1xi32, #tpu.memory_space<vmem>>
        %dma_wait3A_103 = arith.constant 0 : i32
        %dma_wait3A_104 = arith.constant 0 : i32
        %dma_wait3A_105 = tpu.memref_slice %arg2[%dma_wait3A_103, %dma_wait3A_104] : memref<2500x128xi32, #tpu.memory_space<hbm>> -> memref<2500x128xi32, #tpu.memory_space<hbm>>
        %dma_wait3A_106 = tpu.memref_slice %arg24[%rem3A_92] : memref<2x!tpu.dma_semaphore, #tpu.memory_space<semaphore_mem>> -> memref<1x!tpu.dma_semaphore, #tpu.memory_space<semaphore_mem>>
        %dma_wait3A_107 = tpu.memref_squeeze %dma_wait3A_106 : memref<1x!tpu.dma_semaphore, #tpu.memory_space<semaphore_mem>> -> memref<!tpu.dma_semaphore, #tpu.memory_space<semaphore_mem>>
        tpu.wait_indirect_dma semaphore(%dma_wait3A_107 : memref<!tpu.dma_semaphore, #tpu.memory_space<semaphore_mem>>) src(%dma_wait3A_105 : memref<2500x128xi32, #tpu.memory_space<hbm>>) dst(%dma_wait3A_101 : memref<1x128xi32, #tpu.memory_space<vmem>>)
        %dma_wait3A_108 = arith.constant 0 : i32
        %dma_wait3A_109 = tpu.memref_slice %arg13[%multiple_of3A_99, %dma_wait3A_108] : memref<32x128xi32, #tpu.memory_space<vmem>> -> memref<1x128xi32, #tpu.memory_space<vmem>>
        %dma_wait3A_110 = tpu.memref_slice %arg15[%multiple_of3A] : memref<32xi32, #tpu.memory_space<vmem>> -> memref<1xi32, #tpu.memory_space<vmem>>
        %dma_wait3A_111 = arith.constant 0 : i32
        %dma_wait3A_112 = arith.constant 0 : i32
        %dma_wait3A_113 = tpu.memref_slice %arg3[%dma_wait3A_111, %dma_wait3A_112] : memref<2500x128xi32, #tpu.memory_space<hbm>> -> memref<2500x128xi32, #tpu.memory_space<hbm>>
        %dma_wait3A_114 = tpu.memref_slice %arg24[%rem3A_92] : memref<2x!tpu.dma_semaphore, #tpu.memory_space<semaphore_mem>> -> memref<1x!tpu.dma_semaphore, #tpu.memory_space<semaphore_mem>>
        %dma_wait3A_115 = tpu.memref_squeeze %dma_wait3A_114 : memref<1x!tpu.dma_semaphore, #tpu.memory_space<semaphore_mem>> -> memref<!tpu.dma_semaphore, #tpu.memory_space<semaphore_mem>>
        tpu.wait_indirect_dma semaphore(%dma_wait3A_115 : memref<!tpu.dma_semaphore, #tpu.memory_space<semaphore_mem>>) src(%dma_wait3A_113 : memref<2500x128xi32, #tpu.memory_space<hbm>>) dst(%dma_wait3A_109 : memref<1x128xi32, #tpu.memory_space<vmem>>)
        %dma_wait3A_116 = arith.constant 0 : i32
        %dma_wait3A_117 = tpu.memref_slice %arg14[%multiple_of3A_99, %dma_wait3A_116] : memref<32x128xi32, #tpu.memory_space<vmem>> -> memref<1x128xi32, #tpu.memory_space<vmem>>
        %dma_wait3A_118 = tpu.memref_slice %arg15[%multiple_of3A] : memref<32xi32, #tpu.memory_space<vmem>> -> memref<1xi32, #tpu.memory_space<vmem>>
        %dma_wait3A_119 = arith.constant 0 : i32
        %dma_wait3A_120 = arith.constant 0 : i32
        %dma_wait3A_121 = tpu.memref_slice %arg4[%dma_wait3A_119, %dma_wait3A_120] : memref<2500x128xi32, #tpu.memory_space<hbm>> -> memref<2500x128xi32, #tpu.memory_space<hbm>>
        %dma_wait3A_122 = tpu.memref_slice %arg24[%rem3A_92] : memref<2x!tpu.dma_semaphore, #tpu.memory_space<semaphore_mem>> -> memref<1x!tpu.dma_semaphore, #tpu.memory_space<semaphore_mem>>
        %dma_wait3A_123 = tpu.memref_squeeze %dma_wait3A_122 : memref<1x!tpu.dma_semaphore, #tpu.memory_space<semaphore_mem>> -> memref<!tpu.dma_semaphore, #tpu.memory_space<semaphore_mem>>
        tpu.wait_indirect_dma semaphore(%dma_wait3A_123 : memref<!tpu.dma_semaphore, #tpu.memory_space<semaphore_mem>>) src(%dma_wait3A_121 : memref<2500x128xi32, #tpu.memory_space<hbm>>) dst(%dma_wait3A_117 : memref<1x128xi32, #tpu.memory_space<vmem>>)
        %ge3A_124 = arith.constant 2 : i32
        %ge3A_125 = arith.cmpi sge, %sub3A_73, %ge3A_124 : i32
        %convert_element_type3A_126 = arith.extui %ge3A_125 : i1 to i32
        %cond3A_127 = arith.constant 0 : i32
        %cond3A_128 = arith.cmpi ne, %convert_element_type3A_126, %cond3A_127 : i32
        scf.if %cond3A_128 {
          %mul3A_457 = arith.constant 128 : i32
          %mul3A_458 = arith.muli %rem3A_92, %mul3A_457 : i32
          %multiple_of3A_459 = tpu.assume_multiple %mul3A_458, 128 : i32
          %dma_wait3A_460 = arith.constant 0 : i32
          %dma_wait3A_461 = arith.constant 0 : i32
          %dma_wait3A_462 = tpu.memref_slice %arg20[%multiple_of3A_459, %dma_wait3A_461] : memref<256x128xf32, #tpu.memory_space<vmem>> -> memref<128x128xf32, #tpu.memory_space<vmem>>
          %dma_wait3A_463 = arith.constant 0 : i32
          %dma_wait3A_464 = tpu.memref_slice %arg12[%dma_wait3A_460, %dma_wait3A_463] : memref<32x128xi32, #tpu.memory_space<vmem>> -> memref<1x128xi32, #tpu.memory_space<vmem>>
          %dma_wait3A_465 = tpu.memref_squeeze %dma_wait3A_464 : memref<1x128xi32, #tpu.memory_space<vmem>> -> memref<128xi32, #tpu.memory_space<vmem>>
          %dma_wait3A_466 = arith.constant 0 : i32
          %dma_wait3A_467 = arith.constant 0 : i32
          %dma_wait3A_468 = tpu.memref_slice %arg22[%dma_wait3A_466, %dma_wait3A_467] : memref<10000x128xf32, #tpu.memory_space<vmem_shared>> -> memref<10000x128xf32, #tpu.memory_space<vmem_shared>>
          %dma_wait3A_469 = tpu.memref_slice %arg26[%rem3A_92] : memref<2x!tpu.dma_semaphore, #tpu.memory_space<semaphore_mem>> -> memref<1x!tpu.dma_semaphore, #tpu.memory_space<semaphore_mem>>
          %dma_wait3A_470 = tpu.memref_squeeze %dma_wait3A_469 : memref<1x!tpu.dma_semaphore, #tpu.memory_space<semaphore_mem>> -> memref<!tpu.dma_semaphore, #tpu.memory_space<semaphore_mem>>
          tpu.wait_indirect_dma semaphore(%dma_wait3A_470 : memref<!tpu.dma_semaphore, #tpu.memory_space<semaphore_mem>>) src(%dma_wait3A_462 : memref<128x128xf32, #tpu.memory_space<vmem>>) dst(%dma_wait3A_468 : memref<10000x128xf32, #tpu.memory_space<vmem_shared>>)
          %mul3A_471 = arith.constant 128 : i32
          %mul3A_472 = arith.muli %rem3A_92, %mul3A_471 : i32
          %multiple_of3A_473 = tpu.assume_multiple %mul3A_472, 128 : i32
          %dma_wait3A_474 = arith.constant 0 : i32
          %dma_wait3A_475 = tpu.memref_slice %arg21[%multiple_of3A_473] : memref<256xf32, #tpu.memory_space<vmem>> -> memref<128xf32, #tpu.memory_space<vmem>>
          %dma_wait3A_476 = arith.constant 0 : i32
          %dma_wait3A_477 = tpu.memref_slice %arg12[%dma_wait3A_474, %dma_wait3A_476] : memref<32x128xi32, #tpu.memory_space<vmem>> -> memref<1x128xi32, #tpu.memory_space<vmem>>
          %dma_wait3A_478 = tpu.memref_squeeze %dma_wait3A_477 : memref<1x128xi32, #tpu.memory_space<vmem>> -> memref<128xi32, #tpu.memory_space<vmem>>
          %dma_wait3A_479 = arith.constant 0 : i32
          %dma_wait3A_480 = tpu.memref_slice %arg23[%dma_wait3A_479] : memref<10000xf32, #tpu.memory_space<vmem_shared>> -> memref<10000xf32, #tpu.memory_space<vmem_shared>>
          %dma_wait3A_481 = tpu.memref_slice %arg26[%rem3A_92] : memref<2x!tpu.dma_semaphore, #tpu.memory_space<semaphore_mem>> -> memref<1x!tpu.dma_semaphore, #tpu.memory_space<semaphore_mem>>
          %dma_wait3A_482 = tpu.memref_squeeze %dma_wait3A_481 : memref<1x!tpu.dma_semaphore, #tpu.memory_space<semaphore_mem>> -> memref<!tpu.dma_semaphore, #tpu.memory_space<semaphore_mem>>
          tpu.wait_indirect_dma semaphore(%dma_wait3A_482 : memref<!tpu.dma_semaphore, #tpu.memory_space<semaphore_mem>>) src(%dma_wait3A_475 : memref<128xf32, #tpu.memory_space<vmem>>) dst(%dma_wait3A_480 : memref<10000xf32, #tpu.memory_space<vmem_shared>>)
        } else {
        }
        %mul3A_129 = arith.constant 128 : i32
        %mul3A_130 = arith.muli %rem3A_92, %mul3A_129 : i32
        %multiple_of3A_131 = tpu.assume_multiple %mul3A_130, 128 : i32
        %mul3A_132 = arith.constant 8 : i32
        %mul3A_133 = arith.muli %mul3A_132, %rem3A_94 : i32
        %get3A = arith.index_cast %mul3A_133 : i32 to index
        %get3A_134 = arith.constant 0 : index
        %get3A_135 = tpu.vector_load %arg12[%get3A, %get3A_134] {strides = array<i32>} : memref<32x128xi32, #tpu.memory_space<vmem>>, vector<1x16xi32>,
        %get3A_136 = vector.shape_cast %get3A_135 : vector<1x16xi32> to vector<16xi32>
        %mul3A_137 = arith.constant 8 : i32
        %mul3A_138 = arith.muli %mul3A_137, %rem3A_94 : i32
        %get3A_139 = arith.index_cast %mul3A_138 : i32 to index
        %get3A_140 = arith.constant 0 : index
        %get3A_141 = tpu.vector_load %arg13[%get3A_139, %get3A_140] {strides = array<i32>} : memref<32x128xi32, #tpu.memory_space<vmem>>, vector<1x16xi32>,
        %get3A_142 = vector.shape_cast %get3A_141 : vector<1x16xi32> to vector<16xi32>
        %mul3A_143 = arith.constant 8 : i32
        %mul3A_144 = arith.muli %mul3A_143, %rem3A_94 : i32
        %get3A_145 = arith.index_cast %mul3A_144 : i32 to index
        %get3A_146 = arith.constant 0 : index
        %get3A_147 = tpu.vector_load %arg14[%get3A_145, %get3A_146] {strides = array<i32>} : memref<32x128xi32, #tpu.memory_space<vmem>>, vector<1x16xi32>,
        %get3A_148 = vector.shape_cast %get3A_147 : vector<1x16xi32> to vector<16xi32>
        %mul3A_149 = arith.constant 64 : i32
        %mul3A_150 = vector.broadcast %mul3A_149 : i32 to vector<16xi32>
        %mul3A_151 = arith.muli %get3A_136, %mul3A_150 : vector<16xi32>
        %add3A_152 = arith.addi %mul3A_151, %get3A_148 : vector<16xi32>
        %add3A_153 = arith.constant 0 : i32
        %add3A_154 = arith.addi %multiple_of3A_131, %add3A_153 : i32
        %swap3A = arith.index_cast %add3A_154 : i32 to index
        %swap3A_155 = tpu.vector_load %arg16[%swap3A] {strides = array<i32>} : memref<256xi32, #tpu.memory_space<vmem>>, vector<16xi32>,
        %swap3A_156 = vector.shape_cast %swap3A_155 : vector<16xi32> to vector<16xi32>
        %swap3A_157 = vector.shape_cast %add3A_152 : vector<16xi32> to vector<16xi32>
        tpu.vector_store %arg16[%swap3A], %swap3A_157 {strides = array<i32>} : memref<256xi32, #tpu.memory_space<vmem>>, vector<16xi32>,
        %mul3A_158 = arith.constant 64 : i32
        %mul3A_159 = vector.broadcast %mul3A_158 : i32 to vector<16xi32>
        %mul3A_160 = arith.muli %get3A_142, %mul3A_159 : vector<16xi32>
        %add3A_161 = arith.addi %mul3A_160, %get3A_148 : vector<16xi32>
        %add3A_162 = arith.constant 0 : i32
        %add3A_163 = arith.addi %multiple_of3A_131, %add3A_162 : i32
        %swap3A_164 = arith.index_cast %add3A_163 : i32 to index
        %swap3A_165 = tpu.vector_load %arg17[%swap3A_164] {strides = array<i32>} : memref<256xi32, #tpu.memory_space<vmem>>, vector<16xi32>,
        %swap3A_166 = vector.shape_cast %swap3A_165 : vector<16xi32> to vector<16xi32>
        %swap3A_167 = vector.shape_cast %add3A_161 : vector<16xi32> to vector<16xi32>
        tpu.vector_store %arg17[%swap3A_164], %swap3A_167 {strides = array<i32>} : memref<256xi32, #tpu.memory_space<vmem>>, vector<16xi32>,
        %mul3A_168 = arith.constant 8 : i32
        %mul3A_169 = arith.muli %mul3A_168, %rem3A_94 : i32
        %get3A_170 = arith.index_cast %mul3A_169 : i32 to index
        %get3A_171 = arith.constant 16 : index
        %get3A_172 = tpu.vector_load %arg12[%get3A_170, %get3A_171] {strides = array<i32>} : memref<32x128xi32, #tpu.memory_space<vmem>>, vector<1x16xi32>,
        %get3A_173 = vector.shape_cast %get3A_172 : vector<1x16xi32> to vector<16xi32>
        %mul3A_174 = arith.constant 8 : i32
        %mul3A_175 = arith.muli %mul3A_174, %rem3A_94 : i32
        %get3A_176 = arith.index_cast %mul3A_175 : i32 to index
        %get3A_177 = arith.constant 16 : index
        %get3A_178 = tpu.vector_load %arg13[%get3A_176, %get3A_177] {strides = array<i32>} : memref<32x128xi32, #tpu.memory_space<vmem>>, vector<1x16xi32>,
        %get3A_179 = vector.shape_cast %get3A_178 : vector<1x16xi32> to vector<16xi32>
        %mul3A_180 = arith.constant 8 : i32
        %mul3A_181 = arith.muli %mul3A_180, %rem3A_94 : i32
        %get3A_182 = arith.index_cast %mul3A_181 : i32 to index
        %get3A_183 = arith.constant 16 : index
        %get3A_184 = tpu.vector_load %arg14[%get3A_182, %get3A_183] {strides = array<i32>} : memref<32x128xi32, #tpu.memory_space<vmem>>, vector<1x16xi32>,
        %get3A_185 = vector.shape_cast %get3A_184 : vector<1x16xi32> to vector<16xi32>
        %mul3A_186 = arith.constant 64 : i32
        %mul3A_187 = vector.broadcast %mul3A_186 : i32 to vector<16xi32>
        %mul3A_188 = arith.muli %get3A_173, %mul3A_187 : vector<16xi32>
        %add3A_189 = arith.addi %mul3A_188, %get3A_185 : vector<16xi32>
        %add3A_190 = arith.constant 16 : i32
        %add3A_191 = arith.addi %multiple_of3A_131, %add3A_190 : i32
        %swap3A_192 = arith.index_cast %add3A_191 : i32 to index
        %swap3A_193 = tpu.vector_load %arg16[%swap3A_192] {strides = array<i32>} : memref<256xi32, #tpu.memory_space<vmem>>, vector<16xi32>,
        %swap3A_194 = vector.shape_cast %swap3A_193 : vector<16xi32> to vector<16xi32>
        %swap3A_195 = vector.shape_cast %add3A_189 : vector<16xi32> to vector<16xi32>
        tpu.vector_store %arg16[%swap3A_192], %swap3A_195 {strides = array<i32>} : memref<256xi32, #tpu.memory_space<vmem>>, vector<16xi32>,
        %mul3A_196 = arith.constant 64 : i32
        %mul3A_197 = vector.broadcast %mul3A_196 : i32 to vector<16xi32>
        %mul3A_198 = arith.muli %get3A_179, %mul3A_197 : vector<16xi32>
        %add3A_199 = arith.addi %mul3A_198, %get3A_185 : vector<16xi32>
        %add3A_200 = arith.constant 16 : i32
        %add3A_201 = arith.addi %multiple_of3A_131, %add3A_200 : i32
        %swap3A_202 = arith.index_cast %add3A_201 : i32 to index
        %swap3A_203 = tpu.vector_load %arg17[%swap3A_202] {strides = array<i32>} : memref<256xi32, #tpu.memory_space<vmem>>, vector<16xi32>,
        %swap3A_204 = vector.shape_cast %swap3A_203 : vector<16xi32> to vector<16xi32>
        %swap3A_205 = vector.shape_cast %add3A_199 : vector<16xi32> to vector<16xi32>
        tpu.vector_store %arg17[%swap3A_202], %swap3A_205 {strides = array<i32>} : memref<256xi32, #tpu.memory_space<vmem>>, vector<16xi32>,
        %mul3A_206 = arith.constant 8 : i32
        %mul3A_207 = arith.muli %mul3A_206, %rem3A_94 : i32
        %get3A_208 = arith.index_cast %mul3A_207 : i32 to index
        %get3A_209 = arith.constant 32 : index
        %get3A_210 = tpu.vector_load %arg12[%get3A_208, %get3A_209] {strides = array<i32>} : memref<32x128xi32, #tpu.memory_space<vmem>>, vector<1x16xi32>,
        %get3A_211 = vector.shape_cast %get3A_210 : vector<1x16xi32> to vector<16xi32>
        %mul3A_212 = arith.constant 8 : i32
        %mul3A_213 = arith.muli %mul3A_212, %rem3A_94 : i32
        %get3A_214 = arith.index_cast %mul3A_213 : i32 to index
        %get3A_215 = arith.constant 32 : index
        %get3A_216 = tpu.vector_load %arg13[%get3A_214, %get3A_215] {strides = array<i32>} : memref<32x128xi32, #tpu.memory_space<vmem>>, vector<1x16xi32>,
        %get3A_217 = vector.shape_cast %get3A_216 : vector<1x16xi32> to vector<16xi32>
        %mul3A_218 = arith.constant 8 : i32
        %mul3A_219 = arith.muli %mul3A_218, %rem3A_94 : i32
        %get3A_220 = arith.index_cast %mul3A_219 : i32 to index
        %get3A_221 = arith.constant 32 : index
        %get3A_222 = tpu.vector_load %arg14[%get3A_220, %get3A_221] {strides = array<i32>} : memref<32x128xi32, #tpu.memory_space<vmem>>, vector<1x16xi32>,
        %get3A_223 = vector.shape_cast %get3A_222 : vector<1x16xi32> to vector<16xi32>
        %mul3A_224 = arith.constant 64 : i32
        %mul3A_225 = vector.broadcast %mul3A_224 : i32 to vector<16xi32>
        %mul3A_226 = arith.muli %get3A_211, %mul3A_225 : vector<16xi32>
        %add3A_227 = arith.addi %mul3A_226, %get3A_223 : vector<16xi32>
        %add3A_228 = arith.constant 32 : i32
        %add3A_229 = arith.addi %multiple_of3A_131, %add3A_228 : i32
        %swap3A_230 = arith.index_cast %add3A_229 : i32 to index
        %swap3A_231 = tpu.vector_load %arg16[%swap3A_230] {strides = array<i32>} : memref<256xi32, #tpu.memory_space<vmem>>, vector<16xi32>,
        %swap3A_232 = vector.shape_cast %swap3A_231 : vector<16xi32> to vector<16xi32>
        %swap3A_233 = vector.shape_cast %add3A_227 : vector<16xi32> to vector<16xi32>
        tpu.vector_store %arg16[%swap3A_230], %swap3A_233 {strides = array<i32>} : memref<256xi32, #tpu.memory_space<vmem>>, vector<16xi32>,
        %mul3A_234 = arith.constant 64 : i32
        %mul3A_235 = vector.broadcast %mul3A_234 : i32 to vector<16xi32>
        %mul3A_236 = arith.muli %get3A_217, %mul3A_235 : vector<16xi32>
        %add3A_237 = arith.addi %mul3A_236, %get3A_223 : vector<16xi32>
        %add3A_238 = arith.constant 32 : i32
        %add3A_239 = arith.addi %multiple_of3A_131, %add3A_238 : i32
        %swap3A_240 = arith.index_cast %add3A_239 : i32 to index
        %swap3A_241 = tpu.vector_load %arg17[%swap3A_240] {strides = array<i32>} : memref<256xi32, #tpu.memory_space<vmem>>, vector<16xi32>,
        %swap3A_242 = vector.shape_cast %swap3A_241 : vector<16xi32> to vector<16xi32>
        %swap3A_243 = vector.shape_cast %add3A_237 : vector<16xi32> to vector<16xi32>
        tpu.vector_store %arg17[%swap3A_240], %swap3A_243 {strides = array<i32>} : memref<256xi32, #tpu.memory_space<vmem>>, vector<16xi32>,
        %mul3A_244 = arith.constant 8 : i32
        %mul3A_245 = arith.muli %mul3A_244, %rem3A_94 : i32
        %get3A_246 = arith.index_cast %mul3A_245 : i32 to index
        %get3A_247 = arith.constant 48 : index
        %get3A_248 = tpu.vector_load %arg12[%get3A_246, %get3A_247] {strides = array<i32>} : memref<32x128xi32, #tpu.memory_space<vmem>>, vector<1x16xi32>,
        %get3A_249 = vector.shape_cast %get3A_248 : vector<1x16xi32> to vector<16xi32>
        %mul3A_250 = arith.constant 8 : i32
        %mul3A_251 = arith.muli %mul3A_250, %rem3A_94 : i32
        %get3A_252 = arith.index_cast %mul3A_251 : i32 to index
        %get3A_253 = arith.constant 48 : index
        %get3A_254 = tpu.vector_load %arg13[%get3A_252, %get3A_253] {strides = array<i32>} : memref<32x128xi32, #tpu.memory_space<vmem>>, vector<1x16xi32>,
        %get3A_255 = vector.shape_cast %get3A_254 : vector<1x16xi32> to vector<16xi32>
        %mul3A_256 = arith.constant 8 : i32
        %mul3A_257 = arith.muli %mul3A_256, %rem3A_94 : i32
        %get3A_258 = arith.index_cast %mul3A_257 : i32 to index
        %get3A_259 = arith.constant 48 : index
        %get3A_260 = tpu.vector_load %arg14[%get3A_258, %get3A_259] {strides = array<i32>} : memref<32x128xi32, #tpu.memory_space<vmem>>, vector<1x16xi32>,
        %get3A_261 = vector.shape_cast %get3A_260 : vector<1x16xi32> to vector<16xi32>
        %mul3A_262 = arith.constant 64 : i32
        %mul3A_263 = vector.broadcast %mul3A_262 : i32 to vector<16xi32>
        %mul3A_264 = arith.muli %get3A_249, %mul3A_263 : vector<16xi32>
        %add3A_265 = arith.addi %mul3A_264, %get3A_261 : vector<16xi32>
        %add3A_266 = arith.constant 48 : i32
        %add3A_267 = arith.addi %multiple_of3A_131, %add3A_266 : i32
        %swap3A_268 = arith.index_cast %add3A_267 : i32 to index
        %swap3A_269 = tpu.vector_load %arg16[%swap3A_268] {strides = array<i32>} : memref<256xi32, #tpu.memory_space<vmem>>, vector<16xi32>,
        %swap3A_270 = vector.shape_cast %swap3A_269 : vector<16xi32> to vector<16xi32>
        %swap3A_271 = vector.shape_cast %add3A_265 : vector<16xi32> to vector<16xi32>
        tpu.vector_store %arg16[%swap3A_268], %swap3A_271 {strides = array<i32>} : memref<256xi32, #tpu.memory_space<vmem>>, vector<16xi32>,
        %mul3A_272 = arith.constant 64 : i32
        %mul3A_273 = vector.broadcast %mul3A_272 : i32 to vector<16xi32>
        %mul3A_274 = arith.muli %get3A_255, %mul3A_273 : vector<16xi32>
        %add3A_275 = arith.addi %mul3A_274, %get3A_261 : vector<16xi32>
        %add3A_276 = arith.constant 48 : i32
        %add3A_277 = arith.addi %multiple_of3A_131, %add3A_276 : i32
        %swap3A_278 = arith.index_cast %add3A_277 : i32 to index
        %swap3A_279 = tpu.vector_load %arg17[%swap3A_278] {strides = array<i32>} : memref<256xi32, #tpu.memory_space<vmem>>, vector<16xi32>,
        %swap3A_280 = vector.shape_cast %swap3A_279 : vector<16xi32> to vector<16xi32>
        %swap3A_281 = vector.shape_cast %add3A_275 : vector<16xi32> to vector<16xi32>
        tpu.vector_store %arg17[%swap3A_278], %swap3A_281 {strides = array<i32>} : memref<256xi32, #tpu.memory_space<vmem>>, vector<16xi32>,
        %mul3A_282 = arith.constant 8 : i32
        %mul3A_283 = arith.muli %mul3A_282, %rem3A_94 : i32
        %get3A_284 = arith.index_cast %mul3A_283 : i32 to index
        %get3A_285 = arith.constant 64 : index
        %get3A_286 = tpu.vector_load %arg12[%get3A_284, %get3A_285] {strides = array<i32>} : memref<32x128xi32, #tpu.memory_space<vmem>>, vector<1x16xi32>,
        %get3A_287 = vector.shape_cast %get3A_286 : vector<1x16xi32> to vector<16xi32>
        %mul3A_288 = arith.constant 8 : i32
        %mul3A_289 = arith.muli %mul3A_288, %rem3A_94 : i32
        %get3A_290 = arith.index_cast %mul3A_289 : i32 to index
        %get3A_291 = arith.constant 64 : index
        %get3A_292 = tpu.vector_load %arg13[%get3A_290, %get3A_291] {strides = array<i32>} : memref<32x128xi32, #tpu.memory_space<vmem>>, vector<1x16xi32>,
        %get3A_293 = vector.shape_cast %get3A_292 : vector<1x16xi32> to vector<16xi32>
        %mul3A_294 = arith.constant 8 : i32
        %mul3A_295 = arith.muli %mul3A_294, %rem3A_94 : i32
        %get3A_296 = arith.index_cast %mul3A_295 : i32 to index
        %get3A_297 = arith.constant 64 : index
        %get3A_298 = tpu.vector_load %arg14[%get3A_296, %get3A_297] {strides = array<i32>} : memref<32x128xi32, #tpu.memory_space<vmem>>, vector<1x16xi32>,
        %get3A_299 = vector.shape_cast %get3A_298 : vector<1x16xi32> to vector<16xi32>
        %mul3A_300 = arith.constant 64 : i32
        %mul3A_301 = vector.broadcast %mul3A_300 : i32 to vector<16xi32>
        %mul3A_302 = arith.muli %get3A_287, %mul3A_301 : vector<16xi32>
        %add3A_303 = arith.addi %mul3A_302, %get3A_299 : vector<16xi32>
        %add3A_304 = arith.constant 64 : i32
        %add3A_305 = arith.addi %multiple_of3A_131, %add3A_304 : i32
        %swap3A_306 = arith.index_cast %add3A_305 : i32 to index
        %swap3A_307 = tpu.vector_load %arg16[%swap3A_306] {strides = array<i32>} : memref<256xi32, #tpu.memory_space<vmem>>, vector<16xi32>,
        %swap3A_308 = vector.shape_cast %swap3A_307 : vector<16xi32> to vector<16xi32>
        %swap3A_309 = vector.shape_cast %add3A_303 : vector<16xi32> to vector<16xi32>
        tpu.vector_store %arg16[%swap3A_306], %swap3A_309 {strides = array<i32>} : memref<256xi32, #tpu.memory_space<vmem>>, vector<16xi32>,
        %mul3A_310 = arith.constant 64 : i32
        %mul3A_311 = vector.broadcast %mul3A_310 : i32 to vector<16xi32>
        %mul3A_312 = arith.muli %get3A_293, %mul3A_311 : vector<16xi32>
        %add3A_313 = arith.addi %mul3A_312, %get3A_299 : vector<16xi32>
        %add3A_314 = arith.constant 64 : i32
        %add3A_315 = arith.addi %multiple_of3A_131, %add3A_314 : i32
        %swap3A_316 = arith.index_cast %add3A_315 : i32 to index
        %swap3A_317 = tpu.vector_load %arg17[%swap3A_316] {strides = array<i32>} : memref<256xi32, #tpu.memory_space<vmem>>, vector<16xi32>,
        %swap3A_318 = vector.shape_cast %swap3A_317 : vector<16xi32> to vector<16xi32>
        %swap3A_319 = vector.shape_cast %add3A_313 : vector<16xi32> to vector<16xi32>
        tpu.vector_store %arg17[%swap3A_316], %swap3A_319 {strides = array<i32>} : memref<256xi32, #tpu.memory_space<vmem>>, vector<16xi32>,
        %mul3A_320 = arith.constant 8 : i32
        %mul3A_321 = arith.muli %mul3A_320, %rem3A_94 : i32
        %get3A_322 = arith.index_cast %mul3A_321 : i32 to index
        %get3A_323 = arith.constant 80 : index
        %get3A_324 = tpu.vector_load %arg12[%get3A_322, %get3A_323] {strides = array<i32>} : memref<32x128xi32, #tpu.memory_space<vmem>>, vector<1x16xi32>,
        %get3A_325 = vector.shape_cast %get3A_324 : vector<1x16xi32> to vector<16xi32>
        %mul3A_326 = arith.constant 8 : i32
        %mul3A_327 = arith.muli %mul3A_326, %rem3A_94 : i32
        %get3A_328 = arith.index_cast %mul3A_327 : i32 to index
        %get3A_329 = arith.constant 80 : index
        %get3A_330 = tpu.vector_load %arg13[%get3A_328, %get3A_329] {strides = array<i32>} : memref<32x128xi32, #tpu.memory_space<vmem>>, vector<1x16xi32>,
        %get3A_331 = vector.shape_cast %get3A_330 : vector<1x16xi32> to vector<16xi32>
        %mul3A_332 = arith.constant 8 : i32
        %mul3A_333 = arith.muli %mul3A_332, %rem3A_94 : i32
        %get3A_334 = arith.index_cast %mul3A_333 : i32 to index
        %get3A_335 = arith.constant 80 : index
        %get3A_336 = tpu.vector_load %arg14[%get3A_334, %get3A_335] {strides = array<i32>} : memref<32x128xi32, #tpu.memory_space<vmem>>, vector<1x16xi32>,
        %get3A_337 = vector.shape_cast %get3A_336 : vector<1x16xi32> to vector<16xi32>
        %mul3A_338 = arith.constant 64 : i32
        %mul3A_339 = vector.broadcast %mul3A_338 : i32 to vector<16xi32>
        %mul3A_340 = arith.muli %get3A_325, %mul3A_339 : vector<16xi32>
        %add3A_341 = arith.addi %mul3A_340, %get3A_337 : vector<16xi32>
        %add3A_342 = arith.constant 80 : i32
        %add3A_343 = arith.addi %multiple_of3A_131, %add3A_342 : i32
        %swap3A_344 = arith.index_cast %add3A_343 : i32 to index
        %swap3A_345 = tpu.vector_load %arg16[%swap3A_344] {strides = array<i32>} : memref<256xi32, #tpu.memory_space<vmem>>, vector<16xi32>,
        %swap3A_346 = vector.shape_cast %swap3A_345 : vector<16xi32> to vector<16xi32>
        %swap3A_347 = vector.shape_cast %add3A_341 : vector<16xi32> to vector<16xi32>
        tpu.vector_store %arg16[%swap3A_344], %swap3A_347 {strides = array<i32>} : memref<256xi32, #tpu.memory_space<vmem>>, vector<16xi32>,
        %mul3A_348 = arith.constant 64 : i32
        %mul3A_349 = vector.broadcast %mul3A_348 : i32 to vector<16xi32>
        %mul3A_350 = arith.muli %get3A_331, %mul3A_349 : vector<16xi32>
        %add3A_351 = arith.addi %mul3A_350, %get3A_337 : vector<16xi32>
        %add3A_352 = arith.constant 80 : i32
        %add3A_353 = arith.addi %multiple_of3A_131, %add3A_352 : i32
        %swap3A_354 = arith.index_cast %add3A_353 : i32 to index
        %swap3A_355 = tpu.vector_load %arg17[%swap3A_354] {strides = array<i32>} : memref<256xi32, #tpu.memory_space<vmem>>, vector<16xi32>,
        %swap3A_356 = vector.shape_cast %swap3A_355 : vector<16xi32> to vector<16xi32>
        %swap3A_357 = vector.shape_cast %add3A_351 : vector<16xi32> to vector<16xi32>
        tpu.vector_store %arg17[%swap3A_354], %swap3A_357 {strides = array<i32>} : memref<256xi32, #tpu.memory_space<vmem>>, vector<16xi32>,
        %mul3A_358 = arith.constant 8 : i32
        %mul3A_359 = arith.muli %mul3A_358, %rem3A_94 : i32
        %get3A_360 = arith.index_cast %mul3A_359 : i32 to index
        %get3A_361 = arith.constant 96 : index
        %get3A_362 = tpu.vector_load %arg12[%get3A_360, %get3A_361] {strides = array<i32>} : memref<32x128xi32, #tpu.memory_space<vmem>>, vector<1x16xi32>,
        %get3A_363 = vector.shape_cast %get3A_362 : vector<1x16xi32> to vector<16xi32>
        %mul3A_364 = arith.constant 8 : i32
        %mul3A_365 = arith.muli %mul3A_364, %rem3A_94 : i32
        %get3A_366 = arith.index_cast %mul3A_365 : i32 to index
        %get3A_367 = arith.constant 96 : index
        %get3A_368 = tpu.vector_load %arg13[%get3A_366, %get3A_367] {strides = array<i32>} : memref<32x128xi32, #tpu.memory_space<vmem>>, vector<1x16xi32>,
        %get3A_369 = vector.shape_cast %get3A_368 : vector<1x16xi32> to vector<16xi32>
        %mul3A_370 = arith.constant 8 : i32
        %mul3A_371 = arith.muli %mul3A_370, %rem3A_94 : i32
        %get3A_372 = arith.index_cast %mul3A_371 : i32 to index
        %get3A_373 = arith.constant 96 : index
        %get3A_374 = tpu.vector_load %arg14[%get3A_372, %get3A_373] {strides = array<i32>} : memref<32x128xi32, #tpu.memory_space<vmem>>, vector<1x16xi32>,
        %get3A_375 = vector.shape_cast %get3A_374 : vector<1x16xi32> to vector<16xi32>
        %mul3A_376 = arith.constant 64 : i32
        %mul3A_377 = vector.broadcast %mul3A_376 : i32 to vector<16xi32>
        %mul3A_378 = arith.muli %get3A_363, %mul3A_377 : vector<16xi32>
        %add3A_379 = arith.addi %mul3A_378, %get3A_375 : vector<16xi32>
        %add3A_380 = arith.constant 96 : i32
        %add3A_381 = arith.addi %multiple_of3A_131, %add3A_380 : i32
        %swap3A_382 = arith.index_cast %add3A_381 : i32 to index
        %swap3A_383 = tpu.vector_load %arg16[%swap3A_382] {strides = array<i32>} : memref<256xi32, #tpu.memory_space<vmem>>, vector<16xi32>,
        %swap3A_384 = vector.shape_cast %swap3A_383 : vector<16xi32> to vector<16xi32>
        %swap3A_385 = vector.shape_cast %add3A_379 : vector<16xi32> to vector<16xi32>
        tpu.vector_store %arg16[%swap3A_382], %swap3A_385 {strides = array<i32>} : memref<256xi32, #tpu.memory_space<vmem>>, vector<16xi32>,
        %mul3A_386 = arith.constant 64 : i32
        %mul3A_387 = vector.broadcast %mul3A_386 : i32 to vector<16xi32>
        %mul3A_388 = arith.muli %get3A_369, %mul3A_387 : vector<16xi32>
        %add3A_389 = arith.addi %mul3A_388, %get3A_375 : vector<16xi32>
        %add3A_390 = arith.constant 96 : i32
        %add3A_391 = arith.addi %multiple_of3A_131, %add3A_390 : i32
        %swap3A_392 = arith.index_cast %add3A_391 : i32 to index
        %swap3A_393 = tpu.vector_load %arg17[%swap3A_392] {strides = array<i32>} : memref<256xi32, #tpu.memory_space<vmem>>, vector<16xi32>,
        %swap3A_394 = vector.shape_cast %swap3A_393 : vector<16xi32> to vector<16xi32>
        %swap3A_395 = vector.shape_cast %add3A_389 : vector<16xi32> to vector<16xi32>
        tpu.vector_store %arg17[%swap3A_392], %swap3A_395 {strides = array<i32>} : memref<256xi32, #tpu.memory_space<vmem>>, vector<16xi32>,
        %mul3A_396 = arith.constant 8 : i32
        %mul3A_397 = arith.muli %mul3A_396, %rem3A_94 : i32
        %get3A_398 = arith.index_cast %mul3A_397 : i32 to index
        %get3A_399 = arith.constant 112 : index
        %get3A_400 = tpu.vector_load %arg12[%get3A_398, %get3A_399] {strides = array<i32>} : memref<32x128xi32, #tpu.memory_space<vmem>>, vector<1x16xi32>,
        %get3A_401 = vector.shape_cast %get3A_400 : vector<1x16xi32> to vector<16xi32>
        %mul3A_402 = arith.constant 8 : i32
        %mul3A_403 = arith.muli %mul3A_402, %rem3A_94 : i32
        %get3A_404 = arith.index_cast %mul3A_403 : i32 to index
        %get3A_405 = arith.constant 112 : index
        %get3A_406 = tpu.vector_load %arg13[%get3A_404, %get3A_405] {strides = array<i32>} : memref<32x128xi32, #tpu.memory_space<vmem>>, vector<1x16xi32>,
        %get3A_407 = vector.shape_cast %get3A_406 : vector<1x16xi32> to vector<16xi32>
        %mul3A_408 = arith.constant 8 : i32
        %mul3A_409 = arith.muli %mul3A_408, %rem3A_94 : i32
        %get3A_410 = arith.index_cast %mul3A_409 : i32 to index
        %get3A_411 = arith.constant 112 : index
        %get3A_412 = tpu.vector_load %arg14[%get3A_410, %get3A_411] {strides = array<i32>} : memref<32x128xi32, #tpu.memory_space<vmem>>, vector<1x16xi32>,
        %get3A_413 = vector.shape_cast %get3A_412 : vector<1x16xi32> to vector<16xi32>
        %mul3A_414 = arith.constant 64 : i32
        %mul3A_415 = vector.broadcast %mul3A_414 : i32 to vector<16xi32>
        %mul3A_416 = arith.muli %get3A_401, %mul3A_415 : vector<16xi32>
        %add3A_417 = arith.addi %mul3A_416, %get3A_413 : vector<16xi32>
        %add3A_418 = arith.constant 112 : i32
        %add3A_419 = arith.addi %multiple_of3A_131, %add3A_418 : i32
        %swap3A_420 = arith.index_cast %add3A_419 : i32 to index
        %swap3A_421 = tpu.vector_load %arg16[%swap3A_420] {strides = array<i32>} : memref<256xi32, #tpu.memory_space<vmem>>, vector<16xi32>,
        %swap3A_422 = vector.shape_cast %swap3A_421 : vector<16xi32> to vector<16xi32>
        %swap3A_423 = vector.shape_cast %add3A_417 : vector<16xi32> to vector<16xi32>
        tpu.vector_store %arg16[%swap3A_420], %swap3A_423 {strides = array<i32>} : memref<256xi32, #tpu.memory_space<vmem>>, vector<16xi32>,
        %mul3A_424 = arith.constant 64 : i32
        %mul3A_425 = vector.broadcast %mul3A_424 : i32 to vector<16xi32>
        %mul3A_426 = arith.muli %get3A_407, %mul3A_425 : vector<16xi32>
        %add3A_427 = arith.addi %mul3A_426, %get3A_413 : vector<16xi32>
        %add3A_428 = arith.constant 112 : i32
        %add3A_429 = arith.addi %multiple_of3A_131, %add3A_428 : i32
        %swap3A_430 = arith.index_cast %add3A_429 : i32 to index
        %swap3A_431 = tpu.vector_load %arg17[%swap3A_430] {strides = array<i32>} : memref<256xi32, #tpu.memory_space<vmem>>, vector<16xi32>,
        %swap3A_432 = vector.shape_cast %swap3A_431 : vector<16xi32> to vector<16xi32>
        %swap3A_433 = vector.shape_cast %add3A_427 : vector<16xi32> to vector<16xi32>
        tpu.vector_store %arg17[%swap3A_430], %swap3A_433 {strides = array<i32>} : memref<256xi32, #tpu.memory_space<vmem>>, vector<16xi32>,
        %dma_start3A = tpu.memref_slice %arg18[%multiple_of3A_131] : memref<256xf32, #tpu.memory_space<vmem>> -> memref<128xf32, #tpu.memory_space<vmem>>
        %dma_start3A_434 = tpu.memref_slice %arg16[%multiple_of3A_131] : memref<256xi32, #tpu.memory_space<vmem>> -> memref<128xi32, #tpu.memory_space<vmem>>
        %dma_start3A_435 = arith.constant 0 : i32
        %dma_start3A_436 = tpu.memref_slice %arg5[%dma_start3A_435] : memref<640000xf32, #tpu.memory_space<hbm>> -> memref<640000xf32, #tpu.memory_space<hbm>>
        %dma_start3A_437 = tpu.memref_slice %arg25[%rem3A_92] : memref<2x!tpu.dma_semaphore, #tpu.memory_space<semaphore_mem>> -> memref<1x!tpu.dma_semaphore, #tpu.memory_space<semaphore_mem>>
        %dma_start3A_438 = tpu.memref_squeeze %dma_start3A_437 : memref<1x!tpu.dma_semaphore, #tpu.memory_space<semaphore_mem>> -> memref<!tpu.dma_semaphore, #tpu.memory_space<semaphore_mem>>
        tpu.enqueue_indirect_dma source(%dma_start3A_436 : memref<640000xf32, #tpu.memory_space<hbm>>) target(%dma_start3A : memref<128xf32, #tpu.memory_space<vmem>>) offsets(%dma_start3A_434 : memref<128xi32, #tpu.memory_space<vmem>>) semaphore(%dma_start3A_438 : memref<!tpu.dma_semaphore, #tpu.memory_space<semaphore_mem>>)
        %dma_start3A_439 = tpu.memref_slice %arg19[%multiple_of3A_131] : memref<256xf32, #tpu.memory_space<vmem>> -> memref<128xf32, #tpu.memory_space<vmem>>
        %dma_start3A_440 = tpu.memref_slice %arg17[%multiple_of3A_131] : memref<256xi32, #tpu.memory_space<vmem>> -> memref<128xi32, #tpu.memory_space<vmem>>
        %dma_start3A_441 = arith.constant 0 : i32
        %dma_start3A_442 = tpu.memref_slice %arg6[%dma_start3A_441] : memref<640000xf32, #tpu.memory_space<hbm>> -> memref<640000xf32, #tpu.memory_space<hbm>>
        %dma_start3A_443 = tpu.memref_slice %arg25[%rem3A_92] : memref<2x!tpu.dma_semaphore, #tpu.memory_space<semaphore_mem>> -> memref<1x!tpu.dma_semaphore, #tpu.memory_space<semaphore_mem>>
        %dma_start3A_444 = tpu.memref_squeeze %dma_start3A_443 : memref<1x!tpu.dma_semaphore, #tpu.memory_space<semaphore_mem>> -> memref<!tpu.dma_semaphore, #tpu.memory_space<semaphore_mem>>
        tpu.enqueue_indirect_dma source(%dma_start3A_442 : memref<640000xf32, #tpu.memory_space<hbm>>) target(%dma_start3A_439 : memref<128xf32, #tpu.memory_space<vmem>>) offsets(%dma_start3A_440 : memref<128xi32, #tpu.memory_space<vmem>>) semaphore(%dma_start3A_444 : memref<!tpu.dma_semaphore, #tpu.memory_space<semaphore_mem>>)
        %mul3A_445 = arith.constant 8 : i32
        %mul3A_446 = arith.muli %mul3A_445, %rem3A_94 : i32
        %dma_start3A_447 = arith.constant 0 : i32
        %dma_start3A_448 = tpu.memref_slice %arg20[%multiple_of3A_131, %dma_start3A_447] : memref<256x128xf32, #tpu.memory_space<vmem>> -> memref<128x128xf32, #tpu.memory_space<vmem>>
        %dma_start3A_449 = arith.constant 0 : i32
        %dma_start3A_450 = tpu.memref_slice %arg13[%mul3A_446, %dma_start3A_449] : memref<32x128xi32, #tpu.memory_space<vmem>> -> memref<1x128xi32, #tpu.memory_space<vmem>>
        %dma_start3A_451 = tpu.memref_squeeze %dma_start3A_450 : memref<1x128xi32, #tpu.memory_space<vmem>> -> memref<128xi32, #tpu.memory_space<vmem>>
        %dma_start3A_452 = arith.constant 0 : i32
        %dma_start3A_453 = arith.constant 0 : i32
        %dma_start3A_454 = tpu.memref_slice %arg7[%dma_start3A_452, %dma_start3A_453] : memref<10000x128xf32, #tpu.memory_space<hbm>> -> memref<10000x128xf32, #tpu.memory_space<hbm>>
        %dma_start3A_455 = tpu.memref_slice %arg25[%rem3A_92] : memref<2x!tpu.dma_semaphore, #tpu.memory_space<semaphore_mem>> -> memref<1x!tpu.dma_semaphore, #tpu.memory_space<semaphore_mem>>
        %dma_start3A_456 = tpu.memref_squeeze %dma_start3A_455 : memref<1x!tpu.dma_semaphore, #tpu.memory_space<semaphore_mem>> -> memref<!tpu.dma_semaphore, #tpu.memory_space<semaphore_mem>>
        tpu.enqueue_indirect_dma source(%dma_start3A_454 : memref<10000x128xf32, #tpu.memory_space<hbm>>) target(%dma_start3A_448 : memref<128x128xf32, #tpu.memory_space<vmem>>) offsets(%dma_start3A_451 : memref<128xi32, #tpu.memory_space<vmem>>) semaphore(%dma_start3A_456 : memref<!tpu.dma_semaphore, #tpu.memory_space<semaphore_mem>>)
      } else {
      }
      %ge3A_87 = arith.constant 0 : i32
      %ge3A_88 = arith.cmpi sge, %sub3A_75, %ge3A_87 : i32
      %convert_element_type3A_89 = arith.extui %ge3A_88 : i1 to i32
      %cond3A_90 = arith.constant 0 : i32
      %cond3A_91 = arith.cmpi ne, %convert_element_type3A_89, %cond3A_90 : i32
      scf.if %cond3A_91 {
        %rem3A = arith.constant 2 : i32
        %rem3A_92 = arith.remsi %sub3A_75, %rem3A : i32
        %rem3A_93 = arith.constant 4 : i32
        %rem3A_94 = arith.remsi %sub3A_75, %rem3A_93 : i32
        %mul3A_95 = arith.constant 128 : i32
        %mul3A_96 = arith.muli %rem3A_92, %mul3A_95 : i32
        %multiple_of3A = tpu.assume_multiple %mul3A_96, 128 : i32
        %dma_wait3A_97 = tpu.memref_slice %arg18[%multiple_of3A] : memref<256xf32, #tpu.memory_space<vmem>> -> memref<128xf32, #tpu.memory_space<vmem>>
        %dma_wait3A_98 = tpu.memref_slice %arg16[%multiple_of3A] : memref<256xi32, #tpu.memory_space<vmem>> -> memref<128xi32, #tpu.memory_space<vmem>>
        %dma_wait3A_99 = arith.constant 0 : i32
        %dma_wait3A_100 = tpu.memref_slice %arg5[%dma_wait3A_99] : memref<640000xf32, #tpu.memory_space<hbm>> -> memref<640000xf32, #tpu.memory_space<hbm>>
        %dma_wait3A_101 = tpu.memref_slice %arg25[%rem3A_92] : memref<2x!tpu.dma_semaphore, #tpu.memory_space<semaphore_mem>> -> memref<1x!tpu.dma_semaphore, #tpu.memory_space<semaphore_mem>>
        %dma_wait3A_102 = tpu.memref_squeeze %dma_wait3A_101 : memref<1x!tpu.dma_semaphore, #tpu.memory_space<semaphore_mem>> -> memref<!tpu.dma_semaphore, #tpu.memory_space<semaphore_mem>>
        tpu.wait_indirect_dma semaphore(%dma_wait3A_102 : memref<!tpu.dma_semaphore, #tpu.memory_space<semaphore_mem>>) src(%dma_wait3A_100 : memref<640000xf32, #tpu.memory_space<hbm>>) dst(%dma_wait3A_97 : memref<128xf32, #tpu.memory_space<vmem>>)
        %dma_wait3A_103 = tpu.memref_slice %arg19[%multiple_of3A] : memref<256xf32, #tpu.memory_space<vmem>> -> memref<128xf32, #tpu.memory_space<vmem>>
        %dma_wait3A_104 = tpu.memref_slice %arg17[%multiple_of3A] : memref<256xi32, #tpu.memory_space<vmem>> -> memref<128xi32, #tpu.memory_space<vmem>>
        %dma_wait3A_105 = arith.constant 0 : i32
        %dma_wait3A_106 = tpu.memref_slice %arg6[%dma_wait3A_105] : memref<640000xf32, #tpu.memory_space<hbm>> -> memref<640000xf32, #tpu.memory_space<hbm>>
        %dma_wait3A_107 = tpu.memref_slice %arg25[%rem3A_92] : memref<2x!tpu.dma_semaphore, #tpu.memory_space<semaphore_mem>> -> memref<1x!tpu.dma_semaphore, #tpu.memory_space<semaphore_mem>>
        %dma_wait3A_108 = tpu.memref_squeeze %dma_wait3A_107 : memref<1x!tpu.dma_semaphore, #tpu.memory_space<semaphore_mem>> -> memref<!tpu.dma_semaphore, #tpu.memory_space<semaphore_mem>>
        tpu.wait_indirect_dma semaphore(%dma_wait3A_108 : memref<!tpu.dma_semaphore, #tpu.memory_space<semaphore_mem>>) src(%dma_wait3A_106 : memref<640000xf32, #tpu.memory_space<hbm>>) dst(%dma_wait3A_103 : memref<128xf32, #tpu.memory_space<vmem>>)
        %dma_wait3A_109 = arith.constant 0 : i32
        %dma_wait3A_110 = arith.constant 0 : i32
        %dma_wait3A_111 = tpu.memref_slice %arg20[%multiple_of3A, %dma_wait3A_110] : memref<256x128xf32, #tpu.memory_space<vmem>> -> memref<128x128xf32, #tpu.memory_space<vmem>>
        %dma_wait3A_112 = arith.constant 0 : i32
        %dma_wait3A_113 = tpu.memref_slice %arg13[%dma_wait3A_109, %dma_wait3A_112] : memref<32x128xi32, #tpu.memory_space<vmem>> -> memref<1x128xi32, #tpu.memory_space<vmem>>
        %dma_wait3A_114 = tpu.memref_squeeze %dma_wait3A_113 : memref<1x128xi32, #tpu.memory_space<vmem>> -> memref<128xi32, #tpu.memory_space<vmem>>
        %dma_wait3A_115 = arith.constant 0 : i32
        %dma_wait3A_116 = arith.constant 0 : i32
        %dma_wait3A_117 = tpu.memref_slice %arg7[%dma_wait3A_115, %dma_wait3A_116] : memref<10000x128xf32, #tpu.memory_space<hbm>> -> memref<10000x128xf32, #tpu.memory_space<hbm>>
        %dma_wait3A_118 = tpu.memref_slice %arg25[%rem3A_92] : memref<2x!tpu.dma_semaphore, #tpu.memory_space<semaphore_mem>> -> memref<1x!tpu.dma_semaphore, #tpu.memory_space<semaphore_mem>>
        %dma_wait3A_119 = tpu.memref_squeeze %dma_wait3A_118 : memref<1x!tpu.dma_semaphore, #tpu.memory_space<semaphore_mem>> -> memref<!tpu.dma_semaphore, #tpu.memory_space<semaphore_mem>>
        tpu.wait_indirect_dma semaphore(%dma_wait3A_119 : memref<!tpu.dma_semaphore, #tpu.memory_space<semaphore_mem>>) src(%dma_wait3A_117 : memref<10000x128xf32, #tpu.memory_space<hbm>>) dst(%dma_wait3A_111 : memref<128x128xf32, #tpu.memory_space<vmem>>)
        %lt3A_120 = arith.cmpi slt, %sub3A_75, %select_n3A : i32
        %jit3A_121 = arith.constant 1.000000e+00 : f32
        %jit3A_122 = arith.constant 0.000000e+00 : f32
        %select_n3A_123 = arith.select %lt3A_120, %jit3A_121, %jit3A_122 : f32
        %add3A_124 = arith.constant 0 : i32
        %add3A_125 = arith.addi %multiple_of3A, %add3A_124 : i32
        %get3A = arith.index_cast %add3A_125 : i32 to index
        %get3A_126 = tpu.vector_load %arg18[%get3A] {strides = array<i32>} : memref<256xf32, #tpu.memory_space<vmem>>, vector<16xf32>,
        %get3A_127 = vector.shape_cast %get3A_126 : vector<16xf32> to vector<16xf32>
        %get3A_128 = arith.index_cast %add3A_125 : i32 to index
        %get3A_129 = tpu.vector_load %arg19[%get3A_128] {strides = array<i32>} : memref<256xf32, #tpu.memory_space<vmem>>, vector<16xf32>,
        %get3A_130 = vector.shape_cast %get3A_129 : vector<16xf32> to vector<16xf32>
        %add3A_131 = arith.addf %get3A_127, %get3A_130 : vector<16xf32>
        %neg3A = arith.constant 0.000000e+00 : f32
        %neg3A_132 = vector.broadcast %neg3A : f32 to vector<16xf32>
        %neg3A_133 = arith.subf %neg3A_132, %add3A_131 : vector<16xf32>
        %exp3A = math.exp %neg3A_133 : vector<16xf32>
        %add3A_134 = arith.constant 1.000000e+00 : f32
        %add3A_135 = vector.broadcast %add3A_134 : f32 to vector<16xf32>
        %add3A_136 = arith.addf %add3A_135, %exp3A : vector<16xf32>
        %div3A = vector.broadcast %select_n3A_123 : f32 to vector<16xf32>
        %div3A_137 = arith.divf %div3A, %add3A_136 : vector<16xf32>
        %swap3A = arith.index_cast %add3A_125 : i32 to index
        %swap3A_138 = tpu.vector_load %arg18[%swap3A] {strides = array<i32>} : memref<256xf32, #tpu.memory_space<vmem>>, vector<16xf32>,
        %swap3A_139 = vector.shape_cast %swap3A_138 : vector<16xf32> to vector<16xf32>
        %swap3A_140 = vector.shape_cast %div3A_137 : vector<16xf32> to vector<16xf32>
        tpu.vector_store %arg18[%swap3A], %swap3A_140 {strides = array<i32>} : memref<256xf32, #tpu.memory_space<vmem>>, vector<16xf32>,
        %broadcast_in_dim3A = arith.constant 0.000000e+00 : f32
        %broadcast_in_dim3A_141 = vector.broadcast %broadcast_in_dim3A : f32 to vector<16xf32>
        %add3A_142 = vector.broadcast %select_n3A_123 : f32 to vector<16xf32>
        %add3A_143 = arith.addf %broadcast_in_dim3A_141, %add3A_142 : vector<16xf32>
        %swap3A_144 = arith.index_cast %add3A_125 : i32 to index
        %swap3A_145 = tpu.vector_load %arg21[%swap3A_144] {strides = array<i32>} : memref<256xf32, #tpu.memory_space<vmem>>, vector<16xf32>,
        %swap3A_146 = vector.shape_cast %swap3A_145 : vector<16xf32> to vector<16xf32>
        %swap3A_147 = vector.shape_cast %add3A_143 : vector<16xf32> to vector<16xf32>
        tpu.vector_store %arg21[%swap3A_144], %swap3A_147 {strides = array<i32>} : memref<256xf32, #tpu.memory_space<vmem>>, vector<16xf32>,
        %add3A_148 = arith.constant 16 : i32
        %add3A_149 = arith.addi %multiple_of3A, %add3A_148 : i32
        %get3A_150 = arith.index_cast %add3A_149 : i32 to index
        %get3A_151 = tpu.vector_load %arg18[%get3A_150] {strides = array<i32>} : memref<256xf32, #tpu.memory_space<vmem>>, vector<16xf32>,
        %get3A_152 = vector.shape_cast %get3A_151 : vector<16xf32> to vector<16xf32>
        %get3A_153 = arith.index_cast %add3A_149 : i32 to index
        %get3A_154 = tpu.vector_load %arg19[%get3A_153] {strides = array<i32>} : memref<256xf32, #tpu.memory_space<vmem>>, vector<16xf32>,
        %get3A_155 = vector.shape_cast %get3A_154 : vector<16xf32> to vector<16xf32>
        %add3A_156 = arith.addf %get3A_152, %get3A_155 : vector<16xf32>
        %neg3A_157 = arith.constant 0.000000e+00 : f32
        %neg3A_158 = vector.broadcast %neg3A_157 : f32 to vector<16xf32>
        %neg3A_159 = arith.subf %neg3A_158, %add3A_156 : vector<16xf32>
        %exp3A_160 = math.exp %neg3A_159 : vector<16xf32>
        %add3A_161 = arith.constant 1.000000e+00 : f32
        %add3A_162 = vector.broadcast %add3A_161 : f32 to vector<16xf32>
        %add3A_163 = arith.addf %add3A_162, %exp3A_160 : vector<16xf32>
        %div3A_164 = vector.broadcast %select_n3A_123 : f32 to vector<16xf32>
        %div3A_165 = arith.divf %div3A_164, %add3A_163 : vector<16xf32>
        %swap3A_166 = arith.index_cast %add3A_149 : i32 to index
        %swap3A_167 = tpu.vector_load %arg18[%swap3A_166] {strides = array<i32>} : memref<256xf32, #tpu.memory_space<vmem>>, vector<16xf32>,
        %swap3A_168 = vector.shape_cast %swap3A_167 : vector<16xf32> to vector<16xf32>
        %swap3A_169 = vector.shape_cast %div3A_165 : vector<16xf32> to vector<16xf32>
        tpu.vector_store %arg18[%swap3A_166], %swap3A_169 {strides = array<i32>} : memref<256xf32, #tpu.memory_space<vmem>>, vector<16xf32>,
        %broadcast_in_dim3A_170 = arith.constant 0.000000e+00 : f32
        %broadcast_in_dim3A_171 = vector.broadcast %broadcast_in_dim3A_170 : f32 to vector<16xf32>
        %add3A_172 = vector.broadcast %select_n3A_123 : f32 to vector<16xf32>
        %add3A_173 = arith.addf %broadcast_in_dim3A_171, %add3A_172 : vector<16xf32>
        %swap3A_174 = arith.index_cast %add3A_149 : i32 to index
        %swap3A_175 = tpu.vector_load %arg21[%swap3A_174] {strides = array<i32>} : memref<256xf32, #tpu.memory_space<vmem>>, vector<16xf32>,
        %swap3A_176 = vector.shape_cast %swap3A_175 : vector<16xf32> to vector<16xf32>
        %swap3A_177 = vector.shape_cast %add3A_173 : vector<16xf32> to vector<16xf32>
        tpu.vector_store %arg21[%swap3A_174], %swap3A_177 {strides = array<i32>} : memref<256xf32, #tpu.memory_space<vmem>>, vector<16xf32>,
        %add3A_178 = arith.constant 32 : i32
        %add3A_179 = arith.addi %multiple_of3A, %add3A_178 : i32
        %get3A_180 = arith.index_cast %add3A_179 : i32 to index
        %get3A_181 = tpu.vector_load %arg18[%get3A_180] {strides = array<i32>} : memref<256xf32, #tpu.memory_space<vmem>>, vector<16xf32>,
        %get3A_182 = vector.shape_cast %get3A_181 : vector<16xf32> to vector<16xf32>
        %get3A_183 = arith.index_cast %add3A_179 : i32 to index
        %get3A_184 = tpu.vector_load %arg19[%get3A_183] {strides = array<i32>} : memref<256xf32, #tpu.memory_space<vmem>>, vector<16xf32>,
        %get3A_185 = vector.shape_cast %get3A_184 : vector<16xf32> to vector<16xf32>
        %add3A_186 = arith.addf %get3A_182, %get3A_185 : vector<16xf32>
        %neg3A_187 = arith.constant 0.000000e+00 : f32
        %neg3A_188 = vector.broadcast %neg3A_187 : f32 to vector<16xf32>
        %neg3A_189 = arith.subf %neg3A_188, %add3A_186 : vector<16xf32>
        %exp3A_190 = math.exp %neg3A_189 : vector<16xf32>
        %add3A_191 = arith.constant 1.000000e+00 : f32
        %add3A_192 = vector.broadcast %add3A_191 : f32 to vector<16xf32>
        %add3A_193 = arith.addf %add3A_192, %exp3A_190 : vector<16xf32>
        %div3A_194 = vector.broadcast %select_n3A_123 : f32 to vector<16xf32>
        %div3A_195 = arith.divf %div3A_194, %add3A_193 : vector<16xf32>
        %swap3A_196 = arith.index_cast %add3A_179 : i32 to index
        %swap3A_197 = tpu.vector_load %arg18[%swap3A_196] {strides = array<i32>} : memref<256xf32, #tpu.memory_space<vmem>>, vector<16xf32>,
        %swap3A_198 = vector.shape_cast %swap3A_197 : vector<16xf32> to vector<16xf32>
        %swap3A_199 = vector.shape_cast %div3A_195 : vector<16xf32> to vector<16xf32>
        tpu.vector_store %arg18[%swap3A_196], %swap3A_199 {strides = array<i32>} : memref<256xf32, #tpu.memory_space<vmem>>, vector<16xf32>,
        %broadcast_in_dim3A_200 = arith.constant 0.000000e+00 : f32
        %broadcast_in_dim3A_201 = vector.broadcast %broadcast_in_dim3A_200 : f32 to vector<16xf32>
        %add3A_202 = vector.broadcast %select_n3A_123 : f32 to vector<16xf32>
        %add3A_203 = arith.addf %broadcast_in_dim3A_201, %add3A_202 : vector<16xf32>
        %swap3A_204 = arith.index_cast %add3A_179 : i32 to index
        %swap3A_205 = tpu.vector_load %arg21[%swap3A_204] {strides = array<i32>} : memref<256xf32, #tpu.memory_space<vmem>>, vector<16xf32>,
        %swap3A_206 = vector.shape_cast %swap3A_205 : vector<16xf32> to vector<16xf32>
        %swap3A_207 = vector.shape_cast %add3A_203 : vector<16xf32> to vector<16xf32>
        tpu.vector_store %arg21[%swap3A_204], %swap3A_207 {strides = array<i32>} : memref<256xf32, #tpu.memory_space<vmem>>, vector<16xf32>,
        %add3A_208 = arith.constant 48 : i32
        %add3A_209 = arith.addi %multiple_of3A, %add3A_208 : i32
        %get3A_210 = arith.index_cast %add3A_209 : i32 to index
        %get3A_211 = tpu.vector_load %arg18[%get3A_210] {strides = array<i32>} : memref<256xf32, #tpu.memory_space<vmem>>, vector<16xf32>,
        %get3A_212 = vector.shape_cast %get3A_211 : vector<16xf32> to vector<16xf32>
        %get3A_213 = arith.index_cast %add3A_209 : i32 to index
        %get3A_214 = tpu.vector_load %arg19[%get3A_213] {strides = array<i32>} : memref<256xf32, #tpu.memory_space<vmem>>, vector<16xf32>,
        %get3A_215 = vector.shape_cast %get3A_214 : vector<16xf32> to vector<16xf32>
        %add3A_216 = arith.addf %get3A_212, %get3A_215 : vector<16xf32>
        %neg3A_217 = arith.constant 0.000000e+00 : f32
        %neg3A_218 = vector.broadcast %neg3A_217 : f32 to vector<16xf32>
        %neg3A_219 = arith.subf %neg3A_218, %add3A_216 : vector<16xf32>
        %exp3A_220 = math.exp %neg3A_219 : vector<16xf32>
        %add3A_221 = arith.constant 1.000000e+00 : f32
        %add3A_222 = vector.broadcast %add3A_221 : f32 to vector<16xf32>
        %add3A_223 = arith.addf %add3A_222, %exp3A_220 : vector<16xf32>
        %div3A_224 = vector.broadcast %select_n3A_123 : f32 to vector<16xf32>
        %div3A_225 = arith.divf %div3A_224, %add3A_223 : vector<16xf32>
        %swap3A_226 = arith.index_cast %add3A_209 : i32 to index
        %swap3A_227 = tpu.vector_load %arg18[%swap3A_226] {strides = array<i32>} : memref<256xf32, #tpu.memory_space<vmem>>, vector<16xf32>,
        %swap3A_228 = vector.shape_cast %swap3A_227 : vector<16xf32> to vector<16xf32>
        %swap3A_229 = vector.shape_cast %div3A_225 : vector<16xf32> to vector<16xf32>
        tpu.vector_store %arg18[%swap3A_226], %swap3A_229 {strides = array<i32>} : memref<256xf32, #tpu.memory_space<vmem>>, vector<16xf32>,
        %broadcast_in_dim3A_230 = arith.constant 0.000000e+00 : f32
        %broadcast_in_dim3A_231 = vector.broadcast %broadcast_in_dim3A_230 : f32 to vector<16xf32>
        %add3A_232 = vector.broadcast %select_n3A_123 : f32 to vector<16xf32>
        %add3A_233 = arith.addf %broadcast_in_dim3A_231, %add3A_232 : vector<16xf32>
        %swap3A_234 = arith.index_cast %add3A_209 : i32 to index
        %swap3A_235 = tpu.vector_load %arg21[%swap3A_234] {strides = array<i32>} : memref<256xf32, #tpu.memory_space<vmem>>, vector<16xf32>,
        %swap3A_236 = vector.shape_cast %swap3A_235 : vector<16xf32> to vector<16xf32>
        %swap3A_237 = vector.shape_cast %add3A_233 : vector<16xf32> to vector<16xf32>
        tpu.vector_store %arg21[%swap3A_234], %swap3A_237 {strides = array<i32>} : memref<256xf32, #tpu.memory_space<vmem>>, vector<16xf32>,
        %add3A_238 = arith.constant 64 : i32
        %add3A_239 = arith.addi %multiple_of3A, %add3A_238 : i32
        %get3A_240 = arith.index_cast %add3A_239 : i32 to index
        %get3A_241 = tpu.vector_load %arg18[%get3A_240] {strides = array<i32>} : memref<256xf32, #tpu.memory_space<vmem>>, vector<16xf32>,
        %get3A_242 = vector.shape_cast %get3A_241 : vector<16xf32> to vector<16xf32>
        %get3A_243 = arith.index_cast %add3A_239 : i32 to index
        %get3A_244 = tpu.vector_load %arg19[%get3A_243] {strides = array<i32>} : memref<256xf32, #tpu.memory_space<vmem>>, vector<16xf32>,
        %get3A_245 = vector.shape_cast %get3A_244 : vector<16xf32> to vector<16xf32>
        %add3A_246 = arith.addf %get3A_242, %get3A_245 : vector<16xf32>
        %neg3A_247 = arith.constant 0.000000e+00 : f32
        %neg3A_248 = vector.broadcast %neg3A_247 : f32 to vector<16xf32>
        %neg3A_249 = arith.subf %neg3A_248, %add3A_246 : vector<16xf32>
        %exp3A_250 = math.exp %neg3A_249 : vector<16xf32>
        %add3A_251 = arith.constant 1.000000e+00 : f32
        %add3A_252 = vector.broadcast %add3A_251 : f32 to vector<16xf32>
        %add3A_253 = arith.addf %add3A_252, %exp3A_250 : vector<16xf32>
        %div3A_254 = vector.broadcast %select_n3A_123 : f32 to vector<16xf32>
        %div3A_255 = arith.divf %div3A_254, %add3A_253 : vector<16xf32>
        %swap3A_256 = arith.index_cast %add3A_239 : i32 to index
        %swap3A_257 = tpu.vector_load %arg18[%swap3A_256] {strides = array<i32>} : memref<256xf32, #tpu.memory_space<vmem>>, vector<16xf32>,
        %swap3A_258 = vector.shape_cast %swap3A_257 : vector<16xf32> to vector<16xf32>
        %swap3A_259 = vector.shape_cast %div3A_255 : vector<16xf32> to vector<16xf32>
        tpu.vector_store %arg18[%swap3A_256], %swap3A_259 {strides = array<i32>} : memref<256xf32, #tpu.memory_space<vmem>>, vector<16xf32>,
        %broadcast_in_dim3A_260 = arith.constant 0.000000e+00 : f32
        %broadcast_in_dim3A_261 = vector.broadcast %broadcast_in_dim3A_260 : f32 to vector<16xf32>
        %add3A_262 = vector.broadcast %select_n3A_123 : f32 to vector<16xf32>
        %add3A_263 = arith.addf %broadcast_in_dim3A_261, %add3A_262 : vector<16xf32>
        %swap3A_264 = arith.index_cast %add3A_239 : i32 to index
        %swap3A_265 = tpu.vector_load %arg21[%swap3A_264] {strides = array<i32>} : memref<256xf32, #tpu.memory_space<vmem>>, vector<16xf32>,
        %swap3A_266 = vector.shape_cast %swap3A_265 : vector<16xf32> to vector<16xf32>
        %swap3A_267 = vector.shape_cast %add3A_263 : vector<16xf32> to vector<16xf32>
        tpu.vector_store %arg21[%swap3A_264], %swap3A_267 {strides = array<i32>} : memref<256xf32, #tpu.memory_space<vmem>>, vector<16xf32>,
        %add3A_268 = arith.constant 80 : i32
        %add3A_269 = arith.addi %multiple_of3A, %add3A_268 : i32
        %get3A_270 = arith.index_cast %add3A_269 : i32 to index
        %get3A_271 = tpu.vector_load %arg18[%get3A_270] {strides = array<i32>} : memref<256xf32, #tpu.memory_space<vmem>>, vector<16xf32>,
        %get3A_272 = vector.shape_cast %get3A_271 : vector<16xf32> to vector<16xf32>
        %get3A_273 = arith.index_cast %add3A_269 : i32 to index
        %get3A_274 = tpu.vector_load %arg19[%get3A_273] {strides = array<i32>} : memref<256xf32, #tpu.memory_space<vmem>>, vector<16xf32>,
        %get3A_275 = vector.shape_cast %get3A_274 : vector<16xf32> to vector<16xf32>
        %add3A_276 = arith.addf %get3A_272, %get3A_275 : vector<16xf32>
        %neg3A_277 = arith.constant 0.000000e+00 : f32
        %neg3A_278 = vector.broadcast %neg3A_277 : f32 to vector<16xf32>
        %neg3A_279 = arith.subf %neg3A_278, %add3A_276 : vector<16xf32>
        %exp3A_280 = math.exp %neg3A_279 : vector<16xf32>
        %add3A_281 = arith.constant 1.000000e+00 : f32
        %add3A_282 = vector.broadcast %add3A_281 : f32 to vector<16xf32>
        %add3A_283 = arith.addf %add3A_282, %exp3A_280 : vector<16xf32>
        %div3A_284 = vector.broadcast %select_n3A_123 : f32 to vector<16xf32>
        %div3A_285 = arith.divf %div3A_284, %add3A_283 : vector<16xf32>
        %swap3A_286 = arith.index_cast %add3A_269 : i32 to index
        %swap3A_287 = tpu.vector_load %arg18[%swap3A_286] {strides = array<i32>} : memref<256xf32, #tpu.memory_space<vmem>>, vector<16xf32>,
        %swap3A_288 = vector.shape_cast %swap3A_287 : vector<16xf32> to vector<16xf32>
        %swap3A_289 = vector.shape_cast %div3A_285 : vector<16xf32> to vector<16xf32>
        tpu.vector_store %arg18[%swap3A_286], %swap3A_289 {strides = array<i32>} : memref<256xf32, #tpu.memory_space<vmem>>, vector<16xf32>,
        %broadcast_in_dim3A_290 = arith.constant 0.000000e+00 : f32
        %broadcast_in_dim3A_291 = vector.broadcast %broadcast_in_dim3A_290 : f32 to vector<16xf32>
        %add3A_292 = vector.broadcast %select_n3A_123 : f32 to vector<16xf32>
        %add3A_293 = arith.addf %broadcast_in_dim3A_291, %add3A_292 : vector<16xf32>
        %swap3A_294 = arith.index_cast %add3A_269 : i32 to index
        %swap3A_295 = tpu.vector_load %arg21[%swap3A_294] {strides = array<i32>} : memref<256xf32, #tpu.memory_space<vmem>>, vector<16xf32>,
        %swap3A_296 = vector.shape_cast %swap3A_295 : vector<16xf32> to vector<16xf32>
        %swap3A_297 = vector.shape_cast %add3A_293 : vector<16xf32> to vector<16xf32>
        tpu.vector_store %arg21[%swap3A_294], %swap3A_297 {strides = array<i32>} : memref<256xf32, #tpu.memory_space<vmem>>, vector<16xf32>,
        %add3A_298 = arith.constant 96 : i32
        %add3A_299 = arith.addi %multiple_of3A, %add3A_298 : i32
        %get3A_300 = arith.index_cast %add3A_299 : i32 to index
        %get3A_301 = tpu.vector_load %arg18[%get3A_300] {strides = array<i32>} : memref<256xf32, #tpu.memory_space<vmem>>, vector<16xf32>,
        %get3A_302 = vector.shape_cast %get3A_301 : vector<16xf32> to vector<16xf32>
        %get3A_303 = arith.index_cast %add3A_299 : i32 to index
        %get3A_304 = tpu.vector_load %arg19[%get3A_303] {strides = array<i32>} : memref<256xf32, #tpu.memory_space<vmem>>, vector<16xf32>,
        %get3A_305 = vector.shape_cast %get3A_304 : vector<16xf32> to vector<16xf32>
        %add3A_306 = arith.addf %get3A_302, %get3A_305 : vector<16xf32>
        %neg3A_307 = arith.constant 0.000000e+00 : f32
        %neg3A_308 = vector.broadcast %neg3A_307 : f32 to vector<16xf32>
        %neg3A_309 = arith.subf %neg3A_308, %add3A_306 : vector<16xf32>
        %exp3A_310 = math.exp %neg3A_309 : vector<16xf32>
        %add3A_311 = arith.constant 1.000000e+00 : f32
        %add3A_312 = vector.broadcast %add3A_311 : f32 to vector<16xf32>
        %add3A_313 = arith.addf %add3A_312, %exp3A_310 : vector<16xf32>
        %div3A_314 = vector.broadcast %select_n3A_123 : f32 to vector<16xf32>
        %div3A_315 = arith.divf %div3A_314, %add3A_313 : vector<16xf32>
        %swap3A_316 = arith.index_cast %add3A_299 : i32 to index
        %swap3A_317 = tpu.vector_load %arg18[%swap3A_316] {strides = array<i32>} : memref<256xf32, #tpu.memory_space<vmem>>, vector<16xf32>,
        %swap3A_318 = vector.shape_cast %swap3A_317 : vector<16xf32> to vector<16xf32>
        %swap3A_319 = vector.shape_cast %div3A_315 : vector<16xf32> to vector<16xf32>
        tpu.vector_store %arg18[%swap3A_316], %swap3A_319 {strides = array<i32>} : memref<256xf32, #tpu.memory_space<vmem>>, vector<16xf32>,
        %broadcast_in_dim3A_320 = arith.constant 0.000000e+00 : f32
        %broadcast_in_dim3A_321 = vector.broadcast %broadcast_in_dim3A_320 : f32 to vector<16xf32>
        %add3A_322 = vector.broadcast %select_n3A_123 : f32 to vector<16xf32>
        %add3A_323 = arith.addf %broadcast_in_dim3A_321, %add3A_322 : vector<16xf32>
        %swap3A_324 = arith.index_cast %add3A_299 : i32 to index
        %swap3A_325 = tpu.vector_load %arg21[%swap3A_324] {strides = array<i32>} : memref<256xf32, #tpu.memory_space<vmem>>, vector<16xf32>,
        %swap3A_326 = vector.shape_cast %swap3A_325 : vector<16xf32> to vector<16xf32>
        %swap3A_327 = vector.shape_cast %add3A_323 : vector<16xf32> to vector<16xf32>
        tpu.vector_store %arg21[%swap3A_324], %swap3A_327 {strides = array<i32>} : memref<256xf32, #tpu.memory_space<vmem>>, vector<16xf32>,
        %add3A_328 = arith.constant 112 : i32
        %add3A_329 = arith.addi %multiple_of3A, %add3A_328 : i32
        %get3A_330 = arith.index_cast %add3A_329 : i32 to index
        %get3A_331 = tpu.vector_load %arg18[%get3A_330] {strides = array<i32>} : memref<256xf32, #tpu.memory_space<vmem>>, vector<16xf32>,
        %get3A_332 = vector.shape_cast %get3A_331 : vector<16xf32> to vector<16xf32>
        %get3A_333 = arith.index_cast %add3A_329 : i32 to index
        %get3A_334 = tpu.vector_load %arg19[%get3A_333] {strides = array<i32>} : memref<256xf32, #tpu.memory_space<vmem>>, vector<16xf32>,
        %get3A_335 = vector.shape_cast %get3A_334 : vector<16xf32> to vector<16xf32>
        %add3A_336 = arith.addf %get3A_332, %get3A_335 : vector<16xf32>
        %neg3A_337 = arith.constant 0.000000e+00 : f32
        %neg3A_338 = vector.broadcast %neg3A_337 : f32 to vector<16xf32>
        %neg3A_339 = arith.subf %neg3A_338, %add3A_336 : vector<16xf32>
        %exp3A_340 = math.exp %neg3A_339 : vector<16xf32>
        %add3A_341 = arith.constant 1.000000e+00 : f32
        %add3A_342 = vector.broadcast %add3A_341 : f32 to vector<16xf32>
        %add3A_343 = arith.addf %add3A_342, %exp3A_340 : vector<16xf32>
        %div3A_344 = vector.broadcast %select_n3A_123 : f32 to vector<16xf32>
        %div3A_345 = arith.divf %div3A_344, %add3A_343 : vector<16xf32>
        %swap3A_346 = arith.index_cast %add3A_329 : i32 to index
        %swap3A_347 = tpu.vector_load %arg18[%swap3A_346] {strides = array<i32>} : memref<256xf32, #tpu.memory_space<vmem>>, vector<16xf32>,
        %swap3A_348 = vector.shape_cast %swap3A_347 : vector<16xf32> to vector<16xf32>
        %swap3A_349 = vector.shape_cast %div3A_345 : vector<16xf32> to vector<16xf32>
        tpu.vector_store %arg18[%swap3A_346], %swap3A_349 {strides = array<i32>} : memref<256xf32, #tpu.memory_space<vmem>>, vector<16xf32>,
        %broadcast_in_dim3A_350 = arith.constant 0.000000e+00 : f32
        %broadcast_in_dim3A_351 = vector.broadcast %broadcast_in_dim3A_350 : f32 to vector<16xf32>
        %add3A_352 = vector.broadcast %select_n3A_123 : f32 to vector<16xf32>
        %add3A_353 = arith.addf %broadcast_in_dim3A_351, %add3A_352 : vector<16xf32>
        %swap3A_354 = arith.index_cast %add3A_329 : i32 to index
        %swap3A_355 = tpu.vector_load %arg21[%swap3A_354] {strides = array<i32>} : memref<256xf32, #tpu.memory_space<vmem>>, vector<16xf32>,
        %swap3A_356 = vector.shape_cast %swap3A_355 : vector<16xf32> to vector<16xf32>
        %swap3A_357 = vector.shape_cast %add3A_353 : vector<16xf32> to vector<16xf32>
        tpu.vector_store %arg21[%swap3A_354], %swap3A_357 {strides = array<i32>} : memref<256xf32, #tpu.memory_space<vmem>>, vector<16xf32>,
        %scan3A_358 = arith.constant 0 : i32
        %scan3A_359 = arith.constant 0 : i32
        %scan3A_360 = arith.constant 8 : i32
        %scan3A_361 = arith.addi %scan3A_359, %scan3A_360 : i32
        %scan3A_362 = arith.constant 1 : i32
        scf.for %scan3A_385 = %scan3A_359 to %scan3A_361 step %scan3A_362  : i32 {
          %mul3A_386 = arith.constant 16 : i32
          %mul3A_387 = arith.muli %scan3A_385, %mul3A_386 : i32
          %add3A_388 = arith.addi %multiple_of3A, %mul3A_387 : i32
          %get3A_389 = arith.index_cast %add3A_388 : i32 to index
          %get3A_390 = tpu.vector_load %arg18[%get3A_389] {strides = array<i32>} : memref<256xf32, #tpu.memory_space<vmem>>, vector<16xf32>,
          %get3A_391 = vector.shape_cast %get3A_390 : vector<16xf32> to vector<16xf32>
          %slice3A = vector.extract_strided_slice %get3A_391 {offsets = [0], sizes = [1], strides = [1]} : vector<16xf32> to vector<1xf32>
          %squeeze3A = vector.extract %slice3A[0] : f32 from vector<1xf32>
          %mul3A_392 = arith.constant 16 : i32
          %mul3A_393 = arith.muli %scan3A_385, %mul3A_392 : i32
          %add3A_394 = arith.addi %multiple_of3A, %mul3A_393 : i32
          %add3A_395 = arith.constant 0 : i32
          %add3A_396 = arith.addi %add3A_394, %add3A_395 : i32
          %get3A_397 = arith.index_cast %add3A_396 : i32 to index
          %get3A_398 = arith.constant 0 : index
          %get3A_399 = tpu.vector_load %arg20[%get3A_397, %get3A_398] {strides = array<i32>} : memref<256x128xf32, #tpu.memory_space<vmem>>, vector<1x16xf32>,
          %get3A_400 = vector.shape_cast %get3A_399 : vector<1x16xf32> to vector<16xf32>
          %mul3A_401 = vector.broadcast %squeeze3A : f32 to vector<16xf32>
          %mul3A_402 = arith.mulf %get3A_400, %mul3A_401 : vector<16xf32>
          %swap3A_403 = arith.index_cast %add3A_396 : i32 to index
          %swap3A_404 = arith.constant 0 : index
          %swap3A_405 = tpu.vector_load %arg20[%swap3A_403, %swap3A_404] {strides = array<i32>} : memref<256x128xf32, #tpu.memory_space<vmem>>, vector<1x16xf32>,
          %swap3A_406 = vector.shape_cast %swap3A_405 : vector<1x16xf32> to vector<16xf32>
          %swap3A_407 = vector.shape_cast %mul3A_402 : vector<16xf32> to vector<1x16xf32>
          tpu.vector_store %arg20[%swap3A_403, %swap3A_404], %swap3A_407 {strides = array<i32>} : memref<256x128xf32, #tpu.memory_space<vmem>>, vector<1x16xf32>,
          %get3A_408 = arith.index_cast %add3A_396 : i32 to index
          %get3A_409 = arith.constant 16 : index
          %get3A_410 = tpu.vector_load %arg20[%get3A_408, %get3A_409] {strides = array<i32>} : memref<256x128xf32, #tpu.memory_space<vmem>>, vector<1x16xf32>,
          %get3A_411 = vector.shape_cast %get3A_410 : vector<1x16xf32> to vector<16xf32>
          %mul3A_412 = vector.broadcast %squeeze3A : f32 to vector<16xf32>
          %mul3A_413 = arith.mulf %get3A_411, %mul3A_412 : vector<16xf32>
          %swap3A_414 = arith.index_cast %add3A_396 : i32 to index
          %swap3A_415 = arith.constant 16 : index
          %swap3A_416 = tpu.vector_load %arg20[%swap3A_414, %swap3A_415] {strides = array<i32>} : memref<256x128xf32, #tpu.memory_space<vmem>>, vector<1x16xf32>,
          %swap3A_417 = vector.shape_cast %swap3A_416 : vector<1x16xf32> to vector<16xf32>
          %swap3A_418 = vector.shape_cast %mul3A_413 : vector<16xf32> to vector<1x16xf32>
          tpu.vector_store %arg20[%swap3A_414, %swap3A_415], %swap3A_418 {strides = array<i32>} : memref<256x128xf32, #tpu.memory_space<vmem>>, vector<1x16xf32>,
          %get3A_419 = arith.index_cast %add3A_396 : i32 to index
          %get3A_420 = arith.constant 32 : index
          %get3A_421 = tpu.vector_load %arg20[%get3A_419, %get3A_420] {strides = array<i32>} : memref<256x128xf32, #tpu.memory_space<vmem>>, vector<1x16xf32>,
          %get3A_422 = vector.shape_cast %get3A_421 : vector<1x16xf32> to vector<16xf32>
          %mul3A_423 = vector.broadcast %squeeze3A : f32 to vector<16xf32>
          %mul3A_424 = arith.mulf %get3A_422, %mul3A_423 : vector<16xf32>
          %swap3A_425 = arith.index_cast %add3A_396 : i32 to index
          %swap3A_426 = arith.constant 32 : index
          %swap3A_427 = tpu.vector_load %arg20[%swap3A_425, %swap3A_426] {strides = array<i32>} : memref<256x128xf32, #tpu.memory_space<vmem>>, vector<1x16xf32>,
          %swap3A_428 = vector.shape_cast %swap3A_427 : vector<1x16xf32> to vector<16xf32>
          %swap3A_429 = vector.shape_cast %mul3A_424 : vector<16xf32> to vector<1x16xf32>
          tpu.vector_store %arg20[%swap3A_425, %swap3A_426], %swap3A_429 {strides = array<i32>} : memref<256x128xf32, #tpu.memory_space<vmem>>, vector<1x16xf32>,
          %get3A_430 = arith.index_cast %add3A_396 : i32 to index
          %get3A_431 = arith.constant 48 : index
          %get3A_432 = tpu.vector_load %arg20[%get3A_430, %get3A_431] {strides = array<i32>} : memref<256x128xf32, #tpu.memory_space<vmem>>, vector<1x16xf32>,
          %get3A_433 = vector.shape_cast %get3A_432 : vector<1x16xf32> to vector<16xf32>
          %mul3A_434 = vector.broadcast %squeeze3A : f32 to vector<16xf32>
          %mul3A_435 = arith.mulf %get3A_433, %mul3A_434 : vector<16xf32>
          %swap3A_436 = arith.index_cast %add3A_396 : i32 to index
          %swap3A_437 = arith.constant 48 : index
          %swap3A_438 = tpu.vector_load %arg20[%swap3A_436, %swap3A_437] {strides = array<i32>} : memref<256x128xf32, #tpu.memory_space<vmem>>, vector<1x16xf32>,
          %swap3A_439 = vector.shape_cast %swap3A_438 : vector<1x16xf32> to vector<16xf32>
          %swap3A_440 = vector.shape_cast %mul3A_435 : vector<16xf32> to vector<1x16xf32>
          tpu.vector_store %arg20[%swap3A_436, %swap3A_437], %swap3A_440 {strides = array<i32>} : memref<256x128xf32, #tpu.memory_space<vmem>>, vector<1x16xf32>,
          %get3A_441 = arith.index_cast %add3A_396 : i32 to index
          %get3A_442 = arith.constant 64 : index
          %get3A_443 = tpu.vector_load %arg20[%get3A_441, %get3A_442] {strides = array<i32>} : memref<256x128xf32, #tpu.memory_space<vmem>>, vector<1x16xf32>,
          %get3A_444 = vector.shape_cast %get3A_443 : vector<1x16xf32> to vector<16xf32>
          %mul3A_445 = vector.broadcast %squeeze3A : f32 to vector<16xf32>
          %mul3A_446 = arith.mulf %get3A_444, %mul3A_445 : vector<16xf32>
          %swap3A_447 = arith.index_cast %add3A_396 : i32 to index
          %swap3A_448 = arith.constant 64 : index
          %swap3A_449 = tpu.vector_load %arg20[%swap3A_447, %swap3A_448] {strides = array<i32>} : memref<256x128xf32, #tpu.memory_space<vmem>>, vector<1x16xf32>,
          %swap3A_450 = vector.shape_cast %swap3A_449 : vector<1x16xf32> to vector<16xf32>
          %swap3A_451 = vector.shape_cast %mul3A_446 : vector<16xf32> to vector<1x16xf32>
          tpu.vector_store %arg20[%swap3A_447, %swap3A_448], %swap3A_451 {strides = array<i32>} : memref<256x128xf32, #tpu.memory_space<vmem>>, vector<1x16xf32>,
          %get3A_452 = arith.index_cast %add3A_396 : i32 to index
          %get3A_453 = arith.constant 80 : index
          %get3A_454 = tpu.vector_load %arg20[%get3A_452, %get3A_453] {strides = array<i32>} : memref<256x128xf32, #tpu.memory_space<vmem>>, vector<1x16xf32>,
          %get3A_455 = vector.shape_cast %get3A_454 : vector<1x16xf32> to vector<16xf32>
          %mul3A_456 = vector.broadcast %squeeze3A : f32 to vector<16xf32>
          %mul3A_457 = arith.mulf %get3A_455, %mul3A_456 : vector<16xf32>
          %swap3A_458 = arith.index_cast %add3A_396 : i32 to index
          %swap3A_459 = arith.constant 80 : index
          %swap3A_460 = tpu.vector_load %arg20[%swap3A_458, %swap3A_459] {strides = array<i32>} : memref<256x128xf32, #tpu.memory_space<vmem>>, vector<1x16xf32>,
          %swap3A_461 = vector.shape_cast %swap3A_460 : vector<1x16xf32> to vector<16xf32>
          %swap3A_462 = vector.shape_cast %mul3A_457 : vector<16xf32> to vector<1x16xf32>
          tpu.vector_store %arg20[%swap3A_458, %swap3A_459], %swap3A_462 {strides = array<i32>} : memref<256x128xf32, #tpu.memory_space<vmem>>, vector<1x16xf32>,
          %get3A_463 = arith.index_cast %add3A_396 : i32 to index
          %get3A_464 = arith.constant 96 : index
          %get3A_465 = tpu.vector_load %arg20[%get3A_463, %get3A_464] {strides = array<i32>} : memref<256x128xf32, #tpu.memory_space<vmem>>, vector<1x16xf32>,
          %get3A_466 = vector.shape_cast %get3A_465 : vector<1x16xf32> to vector<16xf32>
          %mul3A_467 = vector.broadcast %squeeze3A : f32 to vector<16xf32>
          %mul3A_468 = arith.mulf %get3A_466, %mul3A_467 : vector<16xf32>
          %swap3A_469 = arith.index_cast %add3A_396 : i32 to index
          %swap3A_470 = arith.constant 96 : index
          %swap3A_471 = tpu.vector_load %arg20[%swap3A_469, %swap3A_470] {strides = array<i32>} : memref<256x128xf32, #tpu.memory_space<vmem>>, vector<1x16xf32>,
          %swap3A_472 = vector.shape_cast %swap3A_471 : vector<1x16xf32> to vector<16xf32>
          %swap3A_473 = vector.shape_cast %mul3A_468 : vector<16xf32> to vector<1x16xf32>
          tpu.vector_store %arg20[%swap3A_469, %swap3A_470], %swap3A_473 {strides = array<i32>} : memref<256x128xf32, #tpu.memory_space<vmem>>, vector<1x16xf32>,
          %get3A_474 = arith.index_cast %add3A_396 : i32 to index
          %get3A_475 = arith.constant 112 : index
          %get3A_476 = tpu.vector_load %arg20[%get3A_474, %get3A_475] {strides = array<i32>} : memref<256x128xf32, #tpu.memory_space<vmem>>, vector<1x16xf32>,
          %get3A_477 = vector.shape_cast %get3A_476 : vector<1x16xf32> to vector<16xf32>
          %mul3A_478 = vector.broadcast %squeeze3A : f32 to vector<16xf32>
          %mul3A_479 = arith.mulf %get3A_477, %mul3A_478 : vector<16xf32>
          %swap3A_480 = arith.index_cast %add3A_396 : i32 to index
          %swap3A_481 = arith.constant 112 : index
          %swap3A_482 = tpu.vector_load %arg20[%swap3A_480, %swap3A_481] {strides = array<i32>} : memref<256x128xf32, #tpu.memory_space<vmem>>, vector<1x16xf32>,
          %swap3A_483 = vector.shape_cast %swap3A_482 : vector<1x16xf32> to vector<16xf32>
          %swap3A_484 = vector.shape_cast %mul3A_479 : vector<16xf32> to vector<1x16xf32>
          tpu.vector_store %arg20[%swap3A_480, %swap3A_481], %swap3A_484 {strides = array<i32>} : memref<256x128xf32, #tpu.memory_space<vmem>>, vector<1x16xf32>,
          %slice3A_485 = vector.extract_strided_slice %get3A_391 {offsets = [1], sizes = [1], strides = [1]} : vector<16xf32> to vector<1xf32>
          %squeeze3A_486 = vector.extract %slice3A_485[0] : f32 from vector<1xf32>
          %mul3A_487 = arith.constant 16 : i32
          %mul3A_488 = arith.muli %scan3A_385, %mul3A_487 : i32
          %add3A_489 = arith.addi %multiple_of3A, %mul3A_488 : i32
          %add3A_490 = arith.constant 1 : i32
          %add3A_491 = arith.addi %add3A_489, %add3A_490 : i32
          %get3A_492 = arith.index_cast %add3A_491 : i32 to index
          %get3A_493 = arith.constant 0 : index
          %get3A_494 = tpu.vector_load %arg20[%get3A_492, %get3A_493] {strides = array<i32>} : memref<256x128xf32, #tpu.memory_space<vmem>>, vector<1x16xf32>,
          %get3A_495 = vector.shape_cast %get3A_494 : vector<1x16xf32> to vector<16xf32>
          %mul3A_496 = vector.broadcast %squeeze3A_486 : f32 to vector<16xf32>
          %mul3A_497 = arith.mulf %get3A_495, %mul3A_496 : vector<16xf32>
          %swap3A_498 = arith.index_cast %add3A_491 : i32 to index
          %swap3A_499 = arith.constant 0 : index
          %swap3A_500 = tpu.vector_load %arg20[%swap3A_498, %swap3A_499] {strides = array<i32>} : memref<256x128xf32, #tpu.memory_space<vmem>>, vector<1x16xf32>,
          %swap3A_501 = vector.shape_cast %swap3A_500 : vector<1x16xf32> to vector<16xf32>
          %swap3A_502 = vector.shape_cast %mul3A_497 : vector<16xf32> to vector<1x16xf32>
          tpu.vector_store %arg20[%swap3A_498, %swap3A_499], %swap3A_502 {strides = array<i32>} : memref<256x128xf32, #tpu.memory_space<vmem>>, vector<1x16xf32>,
          %get3A_503 = arith.index_cast %add3A_491 : i32 to index
          %get3A_504 = arith.constant 16 : index
          %get3A_505 = tpu.vector_load %arg20[%get3A_503, %get3A_504] {strides = array<i32>} : memref<256x128xf32, #tpu.memory_space<vmem>>, vector<1x16xf32>,
          %get3A_506 = vector.shape_cast %get3A_505 : vector<1x16xf32> to vector<16xf32>
          %mul3A_507 = vector.broadcast %squeeze3A_486 : f32 to vector<16xf32>
          %mul3A_508 = arith.mulf %get3A_506, %mul3A_507 : vector<16xf32>
          %swap3A_509 = arith.index_cast %add3A_491 : i32 to index
          %swap3A_510 = arith.constant 16 : index
          %swap3A_511 = tpu.vector_load %arg20[%swap3A_509, %swap3A_510] {strides = array<i32>} : memref<256x128xf32, #tpu.memory_space<vmem>>, vector<1x16xf32>,
          %swap3A_512 = vector.shape_cast %swap3A_511 : vector<1x16xf32> to vector<16xf32>
          %swap3A_513 = vector.shape_cast %mul3A_508 : vector<16xf32> to vector<1x16xf32>
          tpu.vector_store %arg20[%swap3A_509, %swap3A_510], %swap3A_513 {strides = array<i32>} : memref<256x128xf32, #tpu.memory_space<vmem>>, vector<1x16xf32>,
          %get3A_514 = arith.index_cast %add3A_491 : i32 to index
          %get3A_515 = arith.constant 32 : index
          %get3A_516 = tpu.vector_load %arg20[%get3A_514, %get3A_515] {strides = array<i32>} : memref<256x128xf32, #tpu.memory_space<vmem>>, vector<1x16xf32>,
          %get3A_517 = vector.shape_cast %get3A_516 : vector<1x16xf32> to vector<16xf32>
          %mul3A_518 = vector.broadcast %squeeze3A_486 : f32 to vector<16xf32>
          %mul3A_519 = arith.mulf %get3A_517, %mul3A_518 : vector<16xf32>
          %swap3A_520 = arith.index_cast %add3A_491 : i32 to index
          %swap3A_521 = arith.constant 32 : index
          %swap3A_522 = tpu.vector_load %arg20[%swap3A_520, %swap3A_521] {strides = array<i32>} : memref<256x128xf32, #tpu.memory_space<vmem>>, vector<1x16xf32>,
          %swap3A_523 = vector.shape_cast %swap3A_522 : vector<1x16xf32> to vector<16xf32>
          %swap3A_524 = vector.shape_cast %mul3A_519 : vector<16xf32> to vector<1x16xf32>
          tpu.vector_store %arg20[%swap3A_520, %swap3A_521], %swap3A_524 {strides = array<i32>} : memref<256x128xf32, #tpu.memory_space<vmem>>, vector<1x16xf32>,
          %get3A_525 = arith.index_cast %add3A_491 : i32 to index
          %get3A_526 = arith.constant 48 : index
          %get3A_527 = tpu.vector_load %arg20[%get3A_525, %get3A_526] {strides = array<i32>} : memref<256x128xf32, #tpu.memory_space<vmem>>, vector<1x16xf32>,
          %get3A_528 = vector.shape_cast %get3A_527 : vector<1x16xf32> to vector<16xf32>
          %mul3A_529 = vector.broadcast %squeeze3A_486 : f32 to vector<16xf32>
          %mul3A_530 = arith.mulf %get3A_528, %mul3A_529 : vector<16xf32>
          %swap3A_531 = arith.index_cast %add3A_491 : i32 to index
          %swap3A_532 = arith.constant 48 : index
          %swap3A_533 = tpu.vector_load %arg20[%swap3A_531, %swap3A_532] {strides = array<i32>} : memref<256x128xf32, #tpu.memory_space<vmem>>, vector<1x16xf32>,
          %swap3A_534 = vector.shape_cast %swap3A_533 : vector<1x16xf32> to vector<16xf32>
          %swap3A_535 = vector.shape_cast %mul3A_530 : vector<16xf32> to vector<1x16xf32>
          tpu.vector_store %arg20[%swap3A_531, %swap3A_532], %swap3A_535 {strides = array<i32>} : memref<256x128xf32, #tpu.memory_space<vmem>>, vector<1x16xf32>,
          %get3A_536 = arith.index_cast %add3A_491 : i32 to index
          %get3A_537 = arith.constant 64 : index
          %get3A_538 = tpu.vector_load %arg20[%get3A_536, %get3A_537] {strides = array<i32>} : memref<256x128xf32, #tpu.memory_space<vmem>>, vector<1x16xf32>,
          %get3A_539 = vector.shape_cast %get3A_538 : vector<1x16xf32> to vector<16xf32>
          %mul3A_540 = vector.broadcast %squeeze3A_486 : f32 to vector<16xf32>
          %mul3A_541 = arith.mulf %get3A_539, %mul3A_540 : vector<16xf32>
          %swap3A_542 = arith.index_cast %add3A_491 : i32 to index
          %swap3A_543 = arith.constant 64 : index
          %swap3A_544 = tpu.vector_load %arg20[%swap3A_542, %swap3A_543] {strides = array<i32>} : memref<256x128xf32, #tpu.memory_space<vmem>>, vector<1x16xf32>,
          %swap3A_545 = vector.shape_cast %swap3A_544 : vector<1x16xf32> to vector<16xf32>
          %swap3A_546 = vector.shape_cast %mul3A_541 : vector<16xf32> to vector<1x16xf32>
          tpu.vector_store %arg20[%swap3A_542, %swap3A_543], %swap3A_546 {strides = array<i32>} : memref<256x128xf32, #tpu.memory_space<vmem>>, vector<1x16xf32>,
          %get3A_547 = arith.index_cast %add3A_491 : i32 to index
          %get3A_548 = arith.constant 80 : index
          %get3A_549 = tpu.vector_load %arg20[%get3A_547, %get3A_548] {strides = array<i32>} : memref<256x128xf32, #tpu.memory_space<vmem>>, vector<1x16xf32>,
          %get3A_550 = vector.shape_cast %get3A_549 : vector<1x16xf32> to vector<16xf32>
          %mul3A_551 = vector.broadcast %squeeze3A_486 : f32 to vector<16xf32>
          %mul3A_552 = arith.mulf %get3A_550, %mul3A_551 : vector<16xf32>
          %swap3A_553 = arith.index_cast %add3A_491 : i32 to index
          %swap3A_554 = arith.constant 80 : index
          %swap3A_555 = tpu.vector_load %arg20[%swap3A_553, %swap3A_554] {strides = array<i32>} : memref<256x128xf32, #tpu.memory_space<vmem>>, vector<1x16xf32>,
          %swap3A_556 = vector.shape_cast %swap3A_555 : vector<1x16xf32> to vector<16xf32>
          %swap3A_557 = vector.shape_cast %mul3A_552 : vector<16xf32> to vector<1x16xf32>
          tpu.vector_store %arg20[%swap3A_553, %swap3A_554], %swap3A_557 {strides = array<i32>} : memref<256x128xf32, #tpu.memory_space<vmem>>, vector<1x16xf32>,
          %get3A_558 = arith.index_cast %add3A_491 : i32 to index
          %get3A_559 = arith.constant 96 : index
          %get3A_560 = tpu.vector_load %arg20[%get3A_558, %get3A_559] {strides = array<i32>} : memref<256x128xf32, #tpu.memory_space<vmem>>, vector<1x16xf32>,
          %get3A_561 = vector.shape_cast %get3A_560 : vector<1x16xf32> to vector<16xf32>
          %mul3A_562 = vector.broadcast %squeeze3A_486 : f32 to vector<16xf32>
          %mul3A_563 = arith.mulf %get3A_561, %mul3A_562 : vector<16xf32>
          %swap3A_564 = arith.index_cast %add3A_491 : i32 to index
          %swap3A_565 = arith.constant 96 : index
          %swap3A_566 = tpu.vector_load %arg20[%swap3A_564, %swap3A_565] {strides = array<i32>} : memref<256x128xf32, #tpu.memory_space<vmem>>, vector<1x16xf32>,
          %swap3A_567 = vector.shape_cast %swap3A_566 : vector<1x16xf32> to vector<16xf32>
          %swap3A_568 = vector.shape_cast %mul3A_563 : vector<16xf32> to vector<1x16xf32>
          tpu.vector_store %arg20[%swap3A_564, %swap3A_565], %swap3A_568 {strides = array<i32>} : memref<256x128xf32, #tpu.memory_space<vmem>>, vector<1x16xf32>,
          %get3A_569 = arith.index_cast %add3A_491 : i32 to index
          %get3A_570 = arith.constant 112 : index
          %get3A_571 = tpu.vector_load %arg20[%get3A_569, %get3A_570] {strides = array<i32>} : memref<256x128xf32, #tpu.memory_space<vmem>>, vector<1x16xf32>,
          %get3A_572 = vector.shape_cast %get3A_571 : vector<1x16xf32> to vector<16xf32>
          %mul3A_573 = vector.broadcast %squeeze3A_486 : f32 to vector<16xf32>
          %mul3A_574 = arith.mulf %get3A_572, %mul3A_573 : vector<16xf32>
          %swap3A_575 = arith.index_cast %add3A_491 : i32 to index
          %swap3A_576 = arith.constant 112 : index
          %swap3A_577 = tpu.vector_load %arg20[%swap3A_575, %swap3A_576] {strides = array<i32>} : memref<256x128xf32, #tpu.memory_space<vmem>>, vector<1x16xf32>,
          %swap3A_578 = vector.shape_cast %swap3A_577 : vector<1x16xf32> to vector<16xf32>
          %swap3A_579 = vector.shape_cast %mul3A_574 : vector<16xf32> to vector<1x16xf32>
          tpu.vector_store %arg20[%swap3A_575, %swap3A_576], %swap3A_579 {strides = array<i32>} : memref<256x128xf32, #tpu.memory_space<vmem>>, vector<1x16xf32>,
          %slice3A_580 = vector.extract_strided_slice %get3A_391 {offsets = [2], sizes = [1], strides = [1]} : vector<16xf32> to vector<1xf32>
          %squeeze3A_581 = vector.extract %slice3A_580[0] : f32 from vector<1xf32>
          %mul3A_582 = arith.constant 16 : i32
          %mul3A_583 = arith.muli %scan3A_385, %mul3A_582 : i32
          %add3A_584 = arith.addi %multiple_of3A, %mul3A_583 : i32
          %add3A_585 = arith.constant 2 : i32
          %add3A_586 = arith.addi %add3A_584, %add3A_585 : i32
          %get3A_587 = arith.index_cast %add3A_586 : i32 to index
          %get3A_588 = arith.constant 0 : index
          %get3A_589 = tpu.vector_load %arg20[%get3A_587, %get3A_588] {strides = array<i32>} : memref<256x128xf32, #tpu.memory_space<vmem>>, vector<1x16xf32>,
          %get3A_590 = vector.shape_cast %get3A_589 : vector<1x16xf32> to vector<16xf32>
          %mul3A_591 = vector.broadcast %squeeze3A_581 : f32 to vector<16xf32>
          %mul3A_592 = arith.mulf %get3A_590, %mul3A_591 : vector<16xf32>
          %swap3A_593 = arith.index_cast %add3A_586 : i32 to index
          %swap3A_594 = arith.constant 0 : index
          %swap3A_595 = tpu.vector_load %arg20[%swap3A_593, %swap3A_594] {strides = array<i32>} : memref<256x128xf32, #tpu.memory_space<vmem>>, vector<1x16xf32>,
          %swap3A_596 = vector.shape_cast %swap3A_595 : vector<1x16xf32> to vector<16xf32>
          %swap3A_597 = vector.shape_cast %mul3A_592 : vector<16xf32> to vector<1x16xf32>
          tpu.vector_store %arg20[%swap3A_593, %swap3A_594], %swap3A_597 {strides = array<i32>} : memref<256x128xf32, #tpu.memory_space<vmem>>, vector<1x16xf32>,
          %get3A_598 = arith.index_cast %add3A_586 : i32 to index
          %get3A_599 = arith.constant 16 : index
          %get3A_600 = tpu.vector_load %arg20[%get3A_598, %get3A_599] {strides = array<i32>} : memref<256x128xf32, #tpu.memory_space<vmem>>, vector<1x16xf32>,
          %get3A_601 = vector.shape_cast %get3A_600 : vector<1x16xf32> to vector<16xf32>
          %mul3A_602 = vector.broadcast %squeeze3A_581 : f32 to vector<16xf32>
          %mul3A_603 = arith.mulf %get3A_601, %mul3A_602 : vector<16xf32>
          %swap3A_604 = arith.index_cast %add3A_586 : i32 to index
          %swap3A_605 = arith.constant 16 : index
          %swap3A_606 = tpu.vector_load %arg20[%swap3A_604, %swap3A_605] {strides = array<i32>} : memref<256x128xf32, #tpu.memory_space<vmem>>, vector<1x16xf32>,
          %swap3A_607 = vector.shape_cast %swap3A_606 : vector<1x16xf32> to vector<16xf32>
          %swap3A_608 = vector.shape_cast %mul3A_603 : vector<16xf32> to vector<1x16xf32>
          tpu.vector_store %arg20[%swap3A_604, %swap3A_605], %swap3A_608 {strides = array<i32>} : memref<256x128xf32, #tpu.memory_space<vmem>>, vector<1x16xf32>,
          %get3A_609 = arith.index_cast %add3A_586 : i32 to index
          %get3A_610 = arith.constant 32 : index
          %get3A_611 = tpu.vector_load %arg20[%get3A_609, %get3A_610] {strides = array<i32>} : memref<256x128xf32, #tpu.memory_space<vmem>>, vector<1x16xf32>,
          %get3A_612 = vector.shape_cast %get3A_611 : vector<1x16xf32> to vector<16xf32>
          %mul3A_613 = vector.broadcast %squeeze3A_581 : f32 to vector<16xf32>
          %mul3A_614 = arith.mulf %get3A_612, %mul3A_613 : vector<16xf32>
          %swap3A_615 = arith.index_cast %add3A_586 : i32 to index
          %swap3A_616 = arith.constant 32 : index
          %swap3A_617 = tpu.vector_load %arg20[%swap3A_615, %swap3A_616] {strides = array<i32>} : memref<256x128xf32, #tpu.memory_space<vmem>>, vector<1x16xf32>,
          %swap3A_618 = vector.shape_cast %swap3A_617 : vector<1x16xf32> to vector<16xf32>
          %swap3A_619 = vector.shape_cast %mul3A_614 : vector<16xf32> to vector<1x16xf32>
          tpu.vector_store %arg20[%swap3A_615, %swap3A_616], %swap3A_619 {strides = array<i32>} : memref<256x128xf32, #tpu.memory_space<vmem>>, vector<1x16xf32>,
          %get3A_620 = arith.index_cast %add3A_586 : i32 to index
          %get3A_621 = arith.constant 48 : index
          %get3A_622 = tpu.vector_load %arg20[%get3A_620, %get3A_621] {strides = array<i32>} : memref<256x128xf32, #tpu.memory_space<vmem>>, vector<1x16xf32>,
          %get3A_623 = vector.shape_cast %get3A_622 : vector<1x16xf32> to vector<16xf32>
          %mul3A_624 = vector.broadcast %squeeze3A_581 : f32 to vector<16xf32>
          %mul3A_625 = arith.mulf %get3A_623, %mul3A_624 : vector<16xf32>
          %swap3A_626 = arith.index_cast %add3A_586 : i32 to index
          %swap3A_627 = arith.constant 48 : index
          %swap3A_628 = tpu.vector_load %arg20[%swap3A_626, %swap3A_627] {strides = array<i32>} : memref<256x128xf32, #tpu.memory_space<vmem>>, vector<1x16xf32>,
          %swap3A_629 = vector.shape_cast %swap3A_628 : vector<1x16xf32> to vector<16xf32>
          %swap3A_630 = vector.shape_cast %mul3A_625 : vector<16xf32> to vector<1x16xf32>
          tpu.vector_store %arg20[%swap3A_626, %swap3A_627], %swap3A_630 {strides = array<i32>} : memref<256x128xf32, #tpu.memory_space<vmem>>, vector<1x16xf32>,
          %get3A_631 = arith.index_cast %add3A_586 : i32 to index
          %get3A_632 = arith.constant 64 : index
          %get3A_633 = tpu.vector_load %arg20[%get3A_631, %get3A_632] {strides = array<i32>} : memref<256x128xf32, #tpu.memory_space<vmem>>, vector<1x16xf32>,
          %get3A_634 = vector.shape_cast %get3A_633 : vector<1x16xf32> to vector<16xf32>
          %mul3A_635 = vector.broadcast %squeeze3A_581 : f32 to vector<16xf32>
          %mul3A_636 = arith.mulf %get3A_634, %mul3A_635 : vector<16xf32>
          %swap3A_637 = arith.index_cast %add3A_586 : i32 to index
          %swap3A_638 = arith.constant 64 : index
          %swap3A_639 = tpu.vector_load %arg20[%swap3A_637, %swap3A_638] {strides = array<i32>} : memref<256x128xf32, #tpu.memory_space<vmem>>, vector<1x16xf32>,
          %swap3A_640 = vector.shape_cast %swap3A_639 : vector<1x16xf32> to vector<16xf32>
          %swap3A_641 = vector.shape_cast %mul3A_636 : vector<16xf32> to vector<1x16xf32>
          tpu.vector_store %arg20[%swap3A_637, %swap3A_638], %swap3A_641 {strides = array<i32>} : memref<256x128xf32, #tpu.memory_space<vmem>>, vector<1x16xf32>,
          %get3A_642 = arith.index_cast %add3A_586 : i32 to index
          %get3A_643 = arith.constant 80 : index
          %get3A_644 = tpu.vector_load %arg20[%get3A_642, %get3A_643] {strides = array<i32>} : memref<256x128xf32, #tpu.memory_space<vmem>>, vector<1x16xf32>,
          %get3A_645 = vector.shape_cast %get3A_644 : vector<1x16xf32> to vector<16xf32>
          %mul3A_646 = vector.broadcast %squeeze3A_581 : f32 to vector<16xf32>
          %mul3A_647 = arith.mulf %get3A_645, %mul3A_646 : vector<16xf32>
          %swap3A_648 = arith.index_cast %add3A_586 : i32 to index
          %swap3A_649 = arith.constant 80 : index
          %swap3A_650 = tpu.vector_load %arg20[%swap3A_648, %swap3A_649] {strides = array<i32>} : memref<256x128xf32, #tpu.memory_space<vmem>>, vector<1x16xf32>,
          %swap3A_651 = vector.shape_cast %swap3A_650 : vector<1x16xf32> to vector<16xf32>
          %swap3A_652 = vector.shape_cast %mul3A_647 : vector<16xf32> to vector<1x16xf32>
          tpu.vector_store %arg20[%swap3A_648, %swap3A_649], %swap3A_652 {strides = array<i32>} : memref<256x128xf32, #tpu.memory_space<vmem>>, vector<1x16xf32>,
          %get3A_653 = arith.index_cast %add3A_586 : i32 to index
          %get3A_654 = arith.constant 96 : index
          %get3A_655 = tpu.vector_load %arg20[%get3A_653, %get3A_654] {strides = array<i32>} : memref<256x128xf32, #tpu.memory_space<vmem>>, vector<1x16xf32>,
          %get3A_656 = vector.shape_cast %get3A_655 : vector<1x16xf32> to vector<16xf32>
          %mul3A_657 = vector.broadcast %squeeze3A_581 : f32 to vector<16xf32>
          %mul3A_658 = arith.mulf %get3A_656, %mul3A_657 : vector<16xf32>
          %swap3A_659 = arith.index_cast %add3A_586 : i32 to index
          %swap3A_660 = arith.constant 96 : index
          %swap3A_661 = tpu.vector_load %arg20[%swap3A_659, %swap3A_660] {strides = array<i32>} : memref<256x128xf32, #tpu.memory_space<vmem>>, vector<1x16xf32>,
          %swap3A_662 = vector.shape_cast %swap3A_661 : vector<1x16xf32> to vector<16xf32>
          %swap3A_663 = vector.shape_cast %mul3A_658 : vector<16xf32> to vector<1x16xf32>
          tpu.vector_store %arg20[%swap3A_659, %swap3A_660], %swap3A_663 {strides = array<i32>} : memref<256x128xf32, #tpu.memory_space<vmem>>, vector<1x16xf32>,
          %get3A_664 = arith.index_cast %add3A_586 : i32 to index
          %get3A_665 = arith.constant 112 : index
          %get3A_666 = tpu.vector_load %arg20[%get3A_664, %get3A_665] {strides = array<i32>} : memref<256x128xf32, #tpu.memory_space<vmem>>, vector<1x16xf32>,
          %get3A_667 = vector.shape_cast %get3A_666 : vector<1x16xf32> to vector<16xf32>
          %mul3A_668 = vector.broadcast %squeeze3A_581 : f32 to vector<16xf32>
          %mul3A_669 = arith.mulf %get3A_667, %mul3A_668 : vector<16xf32>
          %swap3A_670 = arith.index_cast %add3A_586 : i32 to index
          %swap3A_671 = arith.constant 112 : index
          %swap3A_672 = tpu.vector_load %arg20[%swap3A_670, %swap3A_671] {strides = array<i32>} : memref<256x128xf32, #tpu.memory_space<vmem>>, vector<1x16xf32>,
          %swap3A_673 = vector.shape_cast %swap3A_672 : vector<1x16xf32> to vector<16xf32>
          %swap3A_674 = vector.shape_cast %mul3A_669 : vector<16xf32> to vector<1x16xf32>
          tpu.vector_store %arg20[%swap3A_670, %swap3A_671], %swap3A_674 {strides = array<i32>} : memref<256x128xf32, #tpu.memory_space<vmem>>, vector<1x16xf32>,
          %slice3A_675 = vector.extract_strided_slice %get3A_391 {offsets = [3], sizes = [1], strides = [1]} : vector<16xf32> to vector<1xf32>
          %squeeze3A_676 = vector.extract %slice3A_675[0] : f32 from vector<1xf32>
          %mul3A_677 = arith.constant 16 : i32
          %mul3A_678 = arith.muli %scan3A_385, %mul3A_677 : i32
          %add3A_679 = arith.addi %multiple_of3A, %mul3A_678 : i32
          %add3A_680 = arith.constant 3 : i32
          %add3A_681 = arith.addi %add3A_679, %add3A_680 : i32
          %get3A_682 = arith.index_cast %add3A_681 : i32 to index
          %get3A_683 = arith.constant 0 : index
          %get3A_684 = tpu.vector_load %arg20[%get3A_682, %get3A_683] {strides = array<i32>} : memref<256x128xf32, #tpu.memory_space<vmem>>, vector<1x16xf32>,
          %get3A_685 = vector.shape_cast %get3A_684 : vector<1x16xf32> to vector<16xf32>
          %mul3A_686 = vector.broadcast %squeeze3A_676 : f32 to vector<16xf32>
          %mul3A_687 = arith.mulf %get3A_685, %mul3A_686 : vector<16xf32>
          %swap3A_688 = arith.index_cast %add3A_681 : i32 to index
          %swap3A_689 = arith.constant 0 : index
          %swap3A_690 = tpu.vector_load %arg20[%swap3A_688, %swap3A_689] {strides = array<i32>} : memref<256x128xf32, #tpu.memory_space<vmem>>, vector<1x16xf32>,
          %swap3A_691 = vector.shape_cast %swap3A_690 : vector<1x16xf32> to vector<16xf32>
          %swap3A_692 = vector.shape_cast %mul3A_687 : vector<16xf32> to vector<1x16xf32>
          tpu.vector_store %arg20[%swap3A_688, %swap3A_689], %swap3A_692 {strides = array<i32>} : memref<256x128xf32, #tpu.memory_space<vmem>>, vector<1x16xf32>,
          %get3A_693 = arith.index_cast %add3A_681 : i32 to index
          %get3A_694 = arith.constant 16 : index
          %get3A_695 = tpu.vector_load %arg20[%get3A_693, %get3A_694] {strides = array<i32>} : memref<256x128xf32, #tpu.memory_space<vmem>>, vector<1x16xf32>,
          %get3A_696 = vector.shape_cast %get3A_695 : vector<1x16xf32> to vector<16xf32>
          %mul3A_697 = vector.broadcast %squeeze3A_676 : f32 to vector<16xf32>
          %mul3A_698 = arith.mulf %get3A_696, %mul3A_697 : vector<16xf32>
          %swap3A_699 = arith.index_cast %add3A_681 : i32 to index
          %swap3A_700 = arith.constant 16 : index
          %swap3A_701 = tpu.vector_load %arg20[%swap3A_699, %swap3A_700] {strides = array<i32>} : memref<256x128xf32, #tpu.memory_space<vmem>>, vector<1x16xf32>,
          %swap3A_702 = vector.shape_cast %swap3A_701 : vector<1x16xf32> to vector<16xf32>
          %swap3A_703 = vector.shape_cast %mul3A_698 : vector<16xf32> to vector<1x16xf32>
          tpu.vector_store %arg20[%swap3A_699, %swap3A_700], %swap3A_703 {strides = array<i32>} : memref<256x128xf32, #tpu.memory_space<vmem>>, vector<1x16xf32>,
          %get3A_704 = arith.index_cast %add3A_681 : i32 to index
          %get3A_705 = arith.constant 32 : index
          %get3A_706 = tpu.vector_load %arg20[%get3A_704, %get3A_705] {strides = array<i32>} : memref<256x128xf32, #tpu.memory_space<vmem>>, vector<1x16xf32>,
          %get3A_707 = vector.shape_cast %get3A_706 : vector<1x16xf32> to vector<16xf32>
          %mul3A_708 = vector.broadcast %squeeze3A_676 : f32 to vector<16xf32>
          %mul3A_709 = arith.mulf %get3A_707, %mul3A_708 : vector<16xf32>
          %swap3A_710 = arith.index_cast %add3A_681 : i32 to index
          %swap3A_711 = arith.constant 32 : index
          %swap3A_712 = tpu.vector_load %arg20[%swap3A_710, %swap3A_711] {strides = array<i32>} : memref<256x128xf32, #tpu.memory_space<vmem>>, vector<1x16xf32>,
          %swap3A_713 = vector.shape_cast %swap3A_712 : vector<1x16xf32> to vector<16xf32>
          %swap3A_714 = vector.shape_cast %mul3A_709 : vector<16xf32> to vector<1x16xf32>
          tpu.vector_store %arg20[%swap3A_710, %swap3A_711], %swap3A_714 {strides = array<i32>} : memref<256x128xf32, #tpu.memory_space<vmem>>, vector<1x16xf32>,
          %get3A_715 = arith.index_cast %add3A_681 : i32 to index
          %get3A_716 = arith.constant 48 : index
          %get3A_717 = tpu.vector_load %arg20[%get3A_715, %get3A_716] {strides = array<i32>} : memref<256x128xf32, #tpu.memory_space<vmem>>, vector<1x16xf32>,
          %get3A_718 = vector.shape_cast %get3A_717 : vector<1x16xf32> to vector<16xf32>
          %mul3A_719 = vector.broadcast %squeeze3A_676 : f32 to vector<16xf32>
          %mul3A_720 = arith.mulf %get3A_718, %mul3A_719 : vector<16xf32>
          %swap3A_721 = arith.index_cast %add3A_681 : i32 to index
          %swap3A_722 = arith.constant 48 : index
          %swap3A_723 = tpu.vector_load %arg20[%swap3A_721, %swap3A_722] {strides = array<i32>} : memref<256x128xf32, #tpu.memory_space<vmem>>, vector<1x16xf32>,
          %swap3A_724 = vector.shape_cast %swap3A_723 : vector<1x16xf32> to vector<16xf32>
          %swap3A_725 = vector.shape_cast %mul3A_720 : vector<16xf32> to vector<1x16xf32>
          tpu.vector_store %arg20[%swap3A_721, %swap3A_722], %swap3A_725 {strides = array<i32>} : memref<256x128xf32, #tpu.memory_space<vmem>>, vector<1x16xf32>,
          %get3A_726 = arith.index_cast %add3A_681 : i32 to index
          %get3A_727 = arith.constant 64 : index
          %get3A_728 = tpu.vector_load %arg20[%get3A_726, %get3A_727] {strides = array<i32>} : memref<256x128xf32, #tpu.memory_space<vmem>>, vector<1x16xf32>,
          %get3A_729 = vector.shape_cast %get3A_728 : vector<1x16xf32> to vector<16xf32>
          %mul3A_730 = vector.broadcast %squeeze3A_676 : f32 to vector<16xf32>
          %mul3A_731 = arith.mulf %get3A_729, %mul3A_730 : vector<16xf32>
          %swap3A_732 = arith.index_cast %add3A_681 : i32 to index
          %swap3A_733 = arith.constant 64 : index
          %swap3A_734 = tpu.vector_load %arg20[%swap3A_732, %swap3A_733] {strides = array<i32>} : memref<256x128xf32, #tpu.memory_space<vmem>>, vector<1x16xf32>,
          %swap3A_735 = vector.shape_cast %swap3A_734 : vector<1x16xf32> to vector<16xf32>
          %swap3A_736 = vector.shape_cast %mul3A_731 : vector<16xf32> to vector<1x16xf32>
          tpu.vector_store %arg20[%swap3A_732, %swap3A_733], %swap3A_736 {strides = array<i32>} : memref<256x128xf32, #tpu.memory_space<vmem>>, vector<1x16xf32>,
          %get3A_737 = arith.index_cast %add3A_681 : i32 to index
          %get3A_738 = arith.constant 80 : index
          %get3A_739 = tpu.vector_load %arg20[%get3A_737, %get3A_738] {strides = array<i32>} : memref<256x128xf32, #tpu.memory_space<vmem>>, vector<1x16xf32>,
          %get3A_740 = vector.shape_cast %get3A_739 : vector<1x16xf32> to vector<16xf32>
          %mul3A_741 = vector.broadcast %squeeze3A_676 : f32 to vector<16xf32>
          %mul3A_742 = arith.mulf %get3A_740, %mul3A_741 : vector<16xf32>
          %swap3A_743 = arith.index_cast %add3A_681 : i32 to index
          %swap3A_744 = arith.constant 80 : index
          %swap3A_745 = tpu.vector_load %arg20[%swap3A_743, %swap3A_744] {strides = array<i32>} : memref<256x128xf32, #tpu.memory_space<vmem>>, vector<1x16xf32>,
          %swap3A_746 = vector.shape_cast %swap3A_745 : vector<1x16xf32> to vector<16xf32>
          %swap3A_747 = vector.shape_cast %mul3A_742 : vector<16xf32> to vector<1x16xf32>
          tpu.vector_store %arg20[%swap3A_743, %swap3A_744], %swap3A_747 {strides = array<i32>} : memref<256x128xf32, #tpu.memory_space<vmem>>, vector<1x16xf32>,
          %get3A_748 = arith.index_cast %add3A_681 : i32 to index
          %get3A_749 = arith.constant 96 : index
          %get3A_750 = tpu.vector_load %arg20[%get3A_748, %get3A_749] {strides = array<i32>} : memref<256x128xf32, #tpu.memory_space<vmem>>, vector<1x16xf32>,
          %get3A_751 = vector.shape_cast %get3A_750 : vector<1x16xf32> to vector<16xf32>
          %mul3A_752 = vector.broadcast %squeeze3A_676 : f32 to vector<16xf32>
          %mul3A_753 = arith.mulf %get3A_751, %mul3A_752 : vector<16xf32>
          %swap3A_754 = arith.index_cast %add3A_681 : i32 to index
          %swap3A_755 = arith.constant 96 : index
          %swap3A_756 = tpu.vector_load %arg20[%swap3A_754, %swap3A_755] {strides = array<i32>} : memref<256x128xf32, #tpu.memory_space<vmem>>, vector<1x16xf32>,
          %swap3A_757 = vector.shape_cast %swap3A_756 : vector<1x16xf32> to vector<16xf32>
          %swap3A_758 = vector.shape_cast %mul3A_753 : vector<16xf32> to vector<1x16xf32>
          tpu.vector_store %arg20[%swap3A_754, %swap3A_755], %swap3A_758 {strides = array<i32>} : memref<256x128xf32, #tpu.memory_space<vmem>>, vector<1x16xf32>,
          %get3A_759 = arith.index_cast %add3A_681 : i32 to index
          %get3A_760 = arith.constant 112 : index
          %get3A_761 = tpu.vector_load %arg20[%get3A_759, %get3A_760] {strides = array<i32>} : memref<256x128xf32, #tpu.memory_space<vmem>>, vector<1x16xf32>,
          %get3A_762 = vector.shape_cast %get3A_761 : vector<1x16xf32> to vector<16xf32>
          %mul3A_763 = vector.broadcast %squeeze3A_676 : f32 to vector<16xf32>
          %mul3A_764 = arith.mulf %get3A_762, %mul3A_763 : vector<16xf32>
          %swap3A_765 = arith.index_cast %add3A_681 : i32 to index
          %swap3A_766 = arith.constant 112 : index
          %swap3A_767 = tpu.vector_load %arg20[%swap3A_765, %swap3A_766] {strides = array<i32>} : memref<256x128xf32, #tpu.memory_space<vmem>>, vector<1x16xf32>,
          %swap3A_768 = vector.shape_cast %swap3A_767 : vector<1x16xf32> to vector<16xf32>
          %swap3A_769 = vector.shape_cast %mul3A_764 : vector<16xf32> to vector<1x16xf32>
          tpu.vector_store %arg20[%swap3A_765, %swap3A_766], %swap3A_769 {strides = array<i32>} : memref<256x128xf32, #tpu.memory_space<vmem>>, vector<1x16xf32>,
          %slice3A_770 = vector.extract_strided_slice %get3A_391 {offsets = [4], sizes = [1], strides = [1]} : vector<16xf32> to vector<1xf32>
          %squeeze3A_771 = vector.extract %slice3A_770[0] : f32 from vector<1xf32>
          %mul3A_772 = arith.constant 16 : i32
          %mul3A_773 = arith.muli %scan3A_385, %mul3A_772 : i32
          %add3A_774 = arith.addi %multiple_of3A, %mul3A_773 : i32
          %add3A_775 = arith.constant 4 : i32
          %add3A_776 = arith.addi %add3A_774, %add3A_775 : i32
          %get3A_777 = arith.index_cast %add3A_776 : i32 to index
          %get3A_778 = arith.constant 0 : index
          %get3A_779 = tpu.vector_load %arg20[%get3A_777, %get3A_778] {strides = array<i32>} : memref<256x128xf32, #tpu.memory_space<vmem>>, vector<1x16xf32>,
          %get3A_780 = vector.shape_cast %get3A_779 : vector<1x16xf32> to vector<16xf32>
          %mul3A_781 = vector.broadcast %squeeze3A_771 : f32 to vector<16xf32>
          %mul3A_782 = arith.mulf %get3A_780, %mul3A_781 : vector<16xf32>
          %swap3A_783 = arith.index_cast %add3A_776 : i32 to index
          %swap3A_784 = arith.constant 0 : index
          %swap3A_785 = tpu.vector_load %arg20[%swap3A_783, %swap3A_784] {strides = array<i32>} : memref<256x128xf32, #tpu.memory_space<vmem>>, vector<1x16xf32>,
          %swap3A_786 = vector.shape_cast %swap3A_785 : vector<1x16xf32> to vector<16xf32>
          %swap3A_787 = vector.shape_cast %mul3A_782 : vector<16xf32> to vector<1x16xf32>
          tpu.vector_store %arg20[%swap3A_783, %swap3A_784], %swap3A_787 {strides = array<i32>} : memref<256x128xf32, #tpu.memory_space<vmem>>, vector<1x16xf32>,
          %get3A_788 = arith.index_cast %add3A_776 : i32 to index
          %get3A_789 = arith.constant 16 : index
          %get3A_790 = tpu.vector_load %arg20[%get3A_788, %get3A_789] {strides = array<i32>} : memref<256x128xf32, #tpu.memory_space<vmem>>, vector<1x16xf32>,
          %get3A_791 = vector.shape_cast %get3A_790 : vector<1x16xf32> to vector<16xf32>
          %mul3A_792 = vector.broadcast %squeeze3A_771 : f32 to vector<16xf32>
          %mul3A_793 = arith.mulf %get3A_791, %mul3A_792 : vector<16xf32>
          %swap3A_794 = arith.index_cast %add3A_776 : i32 to index
          %swap3A_795 = arith.constant 16 : index
          %swap3A_796 = tpu.vector_load %arg20[%swap3A_794, %swap3A_795] {strides = array<i32>} : memref<256x128xf32, #tpu.memory_space<vmem>>, vector<1x16xf32>,
          %swap3A_797 = vector.shape_cast %swap3A_796 : vector<1x16xf32> to vector<16xf32>
          %swap3A_798 = vector.shape_cast %mul3A_793 : vector<16xf32> to vector<1x16xf32>
          tpu.vector_store %arg20[%swap3A_794, %swap3A_795], %swap3A_798 {strides = array<i32>} : memref<256x128xf32, #tpu.memory_space<vmem>>, vector<1x16xf32>,
          %get3A_799 = arith.index_cast %add3A_776 : i32 to index
          %get3A_800 = arith.constant 32 : index
          %get3A_801 = tpu.vector_load %arg20[%get3A_799, %get3A_800] {strides = array<i32>} : memref<256x128xf32, #tpu.memory_space<vmem>>, vector<1x16xf32>,
          %get3A_802 = vector.shape_cast %get3A_801 : vector<1x16xf32> to vector<16xf32>
          %mul3A_803 = vector.broadcast %squeeze3A_771 : f32 to vector<16xf32>
          %mul3A_804 = arith.mulf %get3A_802, %mul3A_803 : vector<16xf32>
          %swap3A_805 = arith.index_cast %add3A_776 : i32 to index
          %swap3A_806 = arith.constant 32 : index
          %swap3A_807 = tpu.vector_load %arg20[%swap3A_805, %swap3A_806] {strides = array<i32>} : memref<256x128xf32, #tpu.memory_space<vmem>>, vector<1x16xf32>,
          %swap3A_808 = vector.shape_cast %swap3A_807 : vector<1x16xf32> to vector<16xf32>
          %swap3A_809 = vector.shape_cast %mul3A_804 : vector<16xf32> to vector<1x16xf32>
          tpu.vector_store %arg20[%swap3A_805, %swap3A_806], %swap3A_809 {strides = array<i32>} : memref<256x128xf32, #tpu.memory_space<vmem>>, vector<1x16xf32>,
          %get3A_810 = arith.index_cast %add3A_776 : i32 to index
          %get3A_811 = arith.constant 48 : index
          %get3A_812 = tpu.vector_load %arg20[%get3A_810, %get3A_811] {strides = array<i32>} : memref<256x128xf32, #tpu.memory_space<vmem>>, vector<1x16xf32>,
          %get3A_813 = vector.shape_cast %get3A_812 : vector<1x16xf32> to vector<16xf32>
          %mul3A_814 = vector.broadcast %squeeze3A_771 : f32 to vector<16xf32>
          %mul3A_815 = arith.mulf %get3A_813, %mul3A_814 : vector<16xf32>
          %swap3A_816 = arith.index_cast %add3A_776 : i32 to index
          %swap3A_817 = arith.constant 48 : index
          %swap3A_818 = tpu.vector_load %arg20[%swap3A_816, %swap3A_817] {strides = array<i32>} : memref<256x128xf32, #tpu.memory_space<vmem>>, vector<1x16xf32>,
          %swap3A_819 = vector.shape_cast %swap3A_818 : vector<1x16xf32> to vector<16xf32>
          %swap3A_820 = vector.shape_cast %mul3A_815 : vector<16xf32> to vector<1x16xf32>
          tpu.vector_store %arg20[%swap3A_816, %swap3A_817], %swap3A_820 {strides = array<i32>} : memref<256x128xf32, #tpu.memory_space<vmem>>, vector<1x16xf32>,
          %get3A_821 = arith.index_cast %add3A_776 : i32 to index
          %get3A_822 = arith.constant 64 : index
          %get3A_823 = tpu.vector_load %arg20[%get3A_821, %get3A_822] {strides = array<i32>} : memref<256x128xf32, #tpu.memory_space<vmem>>, vector<1x16xf32>,
          %get3A_824 = vector.shape_cast %get3A_823 : vector<1x16xf32> to vector<16xf32>
          %mul3A_825 = vector.broadcast %squeeze3A_771 : f32 to vector<16xf32>
          %mul3A_826 = arith.mulf %get3A_824, %mul3A_825 : vector<16xf32>
          %swap3A_827 = arith.index_cast %add3A_776 : i32 to index
          %swap3A_828 = arith.constant 64 : index
          %swap3A_829 = tpu.vector_load %arg20[%swap3A_827, %swap3A_828] {strides = array<i32>} : memref<256x128xf32, #tpu.memory_space<vmem>>, vector<1x16xf32>,
          %swap3A_830 = vector.shape_cast %swap3A_829 : vector<1x16xf32> to vector<16xf32>
          %swap3A_831 = vector.shape_cast %mul3A_826 : vector<16xf32> to vector<1x16xf32>
          tpu.vector_store %arg20[%swap3A_827, %swap3A_828], %swap3A_831 {strides = array<i32>} : memref<256x128xf32, #tpu.memory_space<vmem>>, vector<1x16xf32>,
          %get3A_832 = arith.index_cast %add3A_776 : i32 to index
          %get3A_833 = arith.constant 80 : index
          %get3A_834 = tpu.vector_load %arg20[%get3A_832, %get3A_833] {strides = array<i32>} : memref<256x128xf32, #tpu.memory_space<vmem>>, vector<1x16xf32>,
          %get3A_835 = vector.shape_cast %get3A_834 : vector<1x16xf32> to vector<16xf32>
          %mul3A_836 = vector.broadcast %squeeze3A_771 : f32 to vector<16xf32>
          %mul3A_837 = arith.mulf %get3A_835, %mul3A_836 : vector<16xf32>
          %swap3A_838 = arith.index_cast %add3A_776 : i32 to index
          %swap3A_839 = arith.constant 80 : index
          %swap3A_840 = tpu.vector_load %arg20[%swap3A_838, %swap3A_839] {strides = array<i32>} : memref<256x128xf32, #tpu.memory_space<vmem>>, vector<1x16xf32>,
          %swap3A_841 = vector.shape_cast %swap3A_840 : vector<1x16xf32> to vector<16xf32>
          %swap3A_842 = vector.shape_cast %mul3A_837 : vector<16xf32> to vector<1x16xf32>
          tpu.vector_store %arg20[%swap3A_838, %swap3A_839], %swap3A_842 {strides = array<i32>} : memref<256x128xf32, #tpu.memory_space<vmem>>, vector<1x16xf32>,
          %get3A_843 = arith.index_cast %add3A_776 : i32 to index
          %get3A_844 = arith.constant 96 : index
          %get3A_845 = tpu.vector_load %arg20[%get3A_843, %get3A_844] {strides = array<i32>} : memref<256x128xf32, #tpu.memory_space<vmem>>, vector<1x16xf32>,
          %get3A_846 = vector.shape_cast %get3A_845 : vector<1x16xf32> to vector<16xf32>
          %mul3A_847 = vector.broadcast %squeeze3A_771 : f32 to vector<16xf32>
          %mul3A_848 = arith.mulf %get3A_846, %mul3A_847 : vector<16xf32>
          %swap3A_849 = arith.index_cast %add3A_776 : i32 to index
          %swap3A_850 = arith.constant 96 : index
          %swap3A_851 = tpu.vector_load %arg20[%swap3A_849, %swap3A_850] {strides = array<i32>} : memref<256x128xf32, #tpu.memory_space<vmem>>, vector<1x16xf32>,
          %swap3A_852 = vector.shape_cast %swap3A_851 : vector<1x16xf32> to vector<16xf32>
          %swap3A_853 = vector.shape_cast %mul3A_848 : vector<16xf32> to vector<1x16xf32>
          tpu.vector_store %arg20[%swap3A_849, %swap3A_850], %swap3A_853 {strides = array<i32>} : memref<256x128xf32, #tpu.memory_space<vmem>>, vector<1x16xf32>,
          %get3A_854 = arith.index_cast %add3A_776 : i32 to index
          %get3A_855 = arith.constant 112 : index
          %get3A_856 = tpu.vector_load %arg20[%get3A_854, %get3A_855] {strides = array<i32>} : memref<256x128xf32, #tpu.memory_space<vmem>>, vector<1x16xf32>,
          %get3A_857 = vector.shape_cast %get3A_856 : vector<1x16xf32> to vector<16xf32>
          %mul3A_858 = vector.broadcast %squeeze3A_771 : f32 to vector<16xf32>
          %mul3A_859 = arith.mulf %get3A_857, %mul3A_858 : vector<16xf32>
          %swap3A_860 = arith.index_cast %add3A_776 : i32 to index
          %swap3A_861 = arith.constant 112 : index
          %swap3A_862 = tpu.vector_load %arg20[%swap3A_860, %swap3A_861] {strides = array<i32>} : memref<256x128xf32, #tpu.memory_space<vmem>>, vector<1x16xf32>,
          %swap3A_863 = vector.shape_cast %swap3A_862 : vector<1x16xf32> to vector<16xf32>
          %swap3A_864 = vector.shape_cast %mul3A_859 : vector<16xf32> to vector<1x16xf32>
          tpu.vector_store %arg20[%swap3A_860, %swap3A_861], %swap3A_864 {strides = array<i32>} : memref<256x128xf32, #tpu.memory_space<vmem>>, vector<1x16xf32>,
          %slice3A_865 = vector.extract_strided_slice %get3A_391 {offsets = [5], sizes = [1], strides = [1]} : vector<16xf32> to vector<1xf32>
          %squeeze3A_866 = vector.extract %slice3A_865[0] : f32 from vector<1xf32>
          %mul3A_867 = arith.constant 16 : i32
          %mul3A_868 = arith.muli %scan3A_385, %mul3A_867 : i32
          %add3A_869 = arith.addi %multiple_of3A, %mul3A_868 : i32
          %add3A_870 = arith.constant 5 : i32
          %add3A_871 = arith.addi %add3A_869, %add3A_870 : i32
          %get3A_872 = arith.index_cast %add3A_871 : i32 to index
          %get3A_873 = arith.constant 0 : index
          %get3A_874 = tpu.vector_load %arg20[%get3A_872, %get3A_873] {strides = array<i32>} : memref<256x128xf32, #tpu.memory_space<vmem>>, vector<1x16xf32>,
          %get3A_875 = vector.shape_cast %get3A_874 : vector<1x16xf32> to vector<16xf32>
          %mul3A_876 = vector.broadcast %squeeze3A_866 : f32 to vector<16xf32>
          %mul3A_877 = arith.mulf %get3A_875, %mul3A_876 : vector<16xf32>
          %swap3A_878 = arith.index_cast %add3A_871 : i32 to index
          %swap3A_879 = arith.constant 0 : index
          %swap3A_880 = tpu.vector_load %arg20[%swap3A_878, %swap3A_879] {strides = array<i32>} : memref<256x128xf32, #tpu.memory_space<vmem>>, vector<1x16xf32>,
          %swap3A_881 = vector.shape_cast %swap3A_880 : vector<1x16xf32> to vector<16xf32>
          %swap3A_882 = vector.shape_cast %mul3A_877 : vector<16xf32> to vector<1x16xf32>
          tpu.vector_store %arg20[%swap3A_878, %swap3A_879], %swap3A_882 {strides = array<i32>} : memref<256x128xf32, #tpu.memory_space<vmem>>, vector<1x16xf32>,
          %get3A_883 = arith.index_cast %add3A_871 : i32 to index
          %get3A_884 = arith.constant 16 : index
          %get3A_885 = tpu.vector_load %arg20[%get3A_883, %get3A_884] {strides = array<i32>} : memref<256x128xf32, #tpu.memory_space<vmem>>, vector<1x16xf32>,
          %get3A_886 = vector.shape_cast %get3A_885 : vector<1x16xf32> to vector<16xf32>
          %mul3A_887 = vector.broadcast %squeeze3A_866 : f32 to vector<16xf32>
          %mul3A_888 = arith.mulf %get3A_886, %mul3A_887 : vector<16xf32>
          %swap3A_889 = arith.index_cast %add3A_871 : i32 to index
          %swap3A_890 = arith.constant 16 : index
          %swap3A_891 = tpu.vector_load %arg20[%swap3A_889, %swap3A_890] {strides = array<i32>} : memref<256x128xf32, #tpu.memory_space<vmem>>, vector<1x16xf32>,
          %swap3A_892 = vector.shape_cast %swap3A_891 : vector<1x16xf32> to vector<16xf32>
          %swap3A_893 = vector.shape_cast %mul3A_888 : vector<16xf32> to vector<1x16xf32>
          tpu.vector_store %arg20[%swap3A_889, %swap3A_890], %swap3A_893 {strides = array<i32>} : memref<256x128xf32, #tpu.memory_space<vmem>>, vector<1x16xf32>,
          %get3A_894 = arith.index_cast %add3A_871 : i32 to index
          %get3A_895 = arith.constant 32 : index
          %get3A_896 = tpu.vector_load %arg20[%get3A_894, %get3A_895] {strides = array<i32>} : memref<256x128xf32, #tpu.memory_space<vmem>>, vector<1x16xf32>,
          %get3A_897 = vector.shape_cast %get3A_896 : vector<1x16xf32> to vector<16xf32>
          %mul3A_898 = vector.broadcast %squeeze3A_866 : f32 to vector<16xf32>
          %mul3A_899 = arith.mulf %get3A_897, %mul3A_898 : vector<16xf32>
          %swap3A_900 = arith.index_cast %add3A_871 : i32 to index
          %swap3A_901 = arith.constant 32 : index
          %swap3A_902 = tpu.vector_load %arg20[%swap3A_900, %swap3A_901] {strides = array<i32>} : memref<256x128xf32, #tpu.memory_space<vmem>>, vector<1x16xf32>,
          %swap3A_903 = vector.shape_cast %swap3A_902 : vector<1x16xf32> to vector<16xf32>
          %swap3A_904 = vector.shape_cast %mul3A_899 : vector<16xf32> to vector<1x16xf32>
          tpu.vector_store %arg20[%swap3A_900, %swap3A_901], %swap3A_904 {strides = array<i32>} : memref<256x128xf32, #tpu.memory_space<vmem>>, vector<1x16xf32>,
          %get3A_905 = arith.index_cast %add3A_871 : i32 to index
          %get3A_906 = arith.constant 48 : index
          %get3A_907 = tpu.vector_load %arg20[%get3A_905, %get3A_906] {strides = array<i32>} : memref<256x128xf32, #tpu.memory_space<vmem>>, vector<1x16xf32>,
          %get3A_908 = vector.shape_cast %get3A_907 : vector<1x16xf32> to vector<16xf32>
          %mul3A_909 = vector.broadcast %squeeze3A_866 : f32 to vector<16xf32>
          %mul3A_910 = arith.mulf %get3A_908, %mul3A_909 : vector<16xf32>
          %swap3A_911 = arith.index_cast %add3A_871 : i32 to index
          %swap3A_912 = arith.constant 48 : index
          %swap3A_913 = tpu.vector_load %arg20[%swap3A_911, %swap3A_912] {strides = array<i32>} : memref<256x128xf32, #tpu.memory_space<vmem>>, vector<1x16xf32>,
          %swap3A_914 = vector.shape_cast %swap3A_913 : vector<1x16xf32> to vector<16xf32>
          %swap3A_915 = vector.shape_cast %mul3A_910 : vector<16xf32> to vector<1x16xf32>
          tpu.vector_store %arg20[%swap3A_911, %swap3A_912], %swap3A_915 {strides = array<i32>} : memref<256x128xf32, #tpu.memory_space<vmem>>, vector<1x16xf32>,
          %get3A_916 = arith.index_cast %add3A_871 : i32 to index
          %get3A_917 = arith.constant 64 : index
          %get3A_918 = tpu.vector_load %arg20[%get3A_916, %get3A_917] {strides = array<i32>} : memref<256x128xf32, #tpu.memory_space<vmem>>, vector<1x16xf32>,
          %get3A_919 = vector.shape_cast %get3A_918 : vector<1x16xf32> to vector<16xf32>
          %mul3A_920 = vector.broadcast %squeeze3A_866 : f32 to vector<16xf32>
          %mul3A_921 = arith.mulf %get3A_919, %mul3A_920 : vector<16xf32>
          %swap3A_922 = arith.index_cast %add3A_871 : i32 to index
          %swap3A_923 = arith.constant 64 : index
          %swap3A_924 = tpu.vector_load %arg20[%swap3A_922, %swap3A_923] {strides = array<i32>} : memref<256x128xf32, #tpu.memory_space<vmem>>, vector<1x16xf32>,
          %swap3A_925 = vector.shape_cast %swap3A_924 : vector<1x16xf32> to vector<16xf32>
          %swap3A_926 = vector.shape_cast %mul3A_921 : vector<16xf32> to vector<1x16xf32>
          tpu.vector_store %arg20[%swap3A_922, %swap3A_923], %swap3A_926 {strides = array<i32>} : memref<256x128xf32, #tpu.memory_space<vmem>>, vector<1x16xf32>,
          %get3A_927 = arith.index_cast %add3A_871 : i32 to index
          %get3A_928 = arith.constant 80 : index
          %get3A_929 = tpu.vector_load %arg20[%get3A_927, %get3A_928] {strides = array<i32>} : memref<256x128xf32, #tpu.memory_space<vmem>>, vector<1x16xf32>,
          %get3A_930 = vector.shape_cast %get3A_929 : vector<1x16xf32> to vector<16xf32>
          %mul3A_931 = vector.broadcast %squeeze3A_866 : f32 to vector<16xf32>
          %mul3A_932 = arith.mulf %get3A_930, %mul3A_931 : vector<16xf32>
          %swap3A_933 = arith.index_cast %add3A_871 : i32 to index
          %swap3A_934 = arith.constant 80 : index
          %swap3A_935 = tpu.vector_load %arg20[%swap3A_933, %swap3A_934] {strides = array<i32>} : memref<256x128xf32, #tpu.memory_space<vmem>>, vector<1x16xf32>,
          %swap3A_936 = vector.shape_cast %swap3A_935 : vector<1x16xf32> to vector<16xf32>
          %swap3A_937 = vector.shape_cast %mul3A_932 : vector<16xf32> to vector<1x16xf32>
          tpu.vector_store %arg20[%swap3A_933, %swap3A_934], %swap3A_937 {strides = array<i32>} : memref<256x128xf32, #tpu.memory_space<vmem>>, vector<1x16xf32>,
          %get3A_938 = arith.index_cast %add3A_871 : i32 to index
          %get3A_939 = arith.constant 96 : index
          %get3A_940 = tpu.vector_load %arg20[%get3A_938, %get3A_939] {strides = array<i32>} : memref<256x128xf32, #tpu.memory_space<vmem>>, vector<1x16xf32>,
          %get3A_941 = vector.shape_cast %get3A_940 : vector<1x16xf32> to vector<16xf32>
          %mul3A_942 = vector.broadcast %squeeze3A_866 : f32 to vector<16xf32>
          %mul3A_943 = arith.mulf %get3A_941, %mul3A_942 : vector<16xf32>
          %swap3A_944 = arith.index_cast %add3A_871 : i32 to index
          %swap3A_945 = arith.constant 96 : index
          %swap3A_946 = tpu.vector_load %arg20[%swap3A_944, %swap3A_945] {strides = array<i32>} : memref<256x128xf32, #tpu.memory_space<vmem>>, vector<1x16xf32>,
          %swap3A_947 = vector.shape_cast %swap3A_946 : vector<1x16xf32> to vector<16xf32>
          %swap3A_948 = vector.shape_cast %mul3A_943 : vector<16xf32> to vector<1x16xf32>
          tpu.vector_store %arg20[%swap3A_944, %swap3A_945], %swap3A_948 {strides = array<i32>} : memref<256x128xf32, #tpu.memory_space<vmem>>, vector<1x16xf32>,
          %get3A_949 = arith.index_cast %add3A_871 : i32 to index
          %get3A_950 = arith.constant 112 : index
          %get3A_951 = tpu.vector_load %arg20[%get3A_949, %get3A_950] {strides = array<i32>} : memref<256x128xf32, #tpu.memory_space<vmem>>, vector<1x16xf32>,
          %get3A_952 = vector.shape_cast %get3A_951 : vector<1x16xf32> to vector<16xf32>
          %mul3A_953 = vector.broadcast %squeeze3A_866 : f32 to vector<16xf32>
          %mul3A_954 = arith.mulf %get3A_952, %mul3A_953 : vector<16xf32>
          %swap3A_955 = arith.index_cast %add3A_871 : i32 to index
          %swap3A_956 = arith.constant 112 : index
          %swap3A_957 = tpu.vector_load %arg20[%swap3A_955, %swap3A_956] {strides = array<i32>} : memref<256x128xf32, #tpu.memory_space<vmem>>, vector<1x16xf32>,
          %swap3A_958 = vector.shape_cast %swap3A_957 : vector<1x16xf32> to vector<16xf32>
          %swap3A_959 = vector.shape_cast %mul3A_954 : vector<16xf32> to vector<1x16xf32>
          tpu.vector_store %arg20[%swap3A_955, %swap3A_956], %swap3A_959 {strides = array<i32>} : memref<256x128xf32, #tpu.memory_space<vmem>>, vector<1x16xf32>,
          %slice3A_960 = vector.extract_strided_slice %get3A_391 {offsets = [6], sizes = [1], strides = [1]} : vector<16xf32> to vector<1xf32>
          %squeeze3A_961 = vector.extract %slice3A_960[0] : f32 from vector<1xf32>
          %mul3A_962 = arith.constant 16 : i32
          %mul3A_963 = arith.muli %scan3A_385, %mul3A_962 : i32
          %add3A_964 = arith.addi %multiple_of3A, %mul3A_963 : i32
          %add3A_965 = arith.constant 6 : i32
          %add3A_966 = arith.addi %add3A_964, %add3A_965 : i32
          %get3A_967 = arith.index_cast %add3A_966 : i32 to index
          %get3A_968 = arith.constant 0 : index
          %get3A_969 = tpu.vector_load %arg20[%get3A_967, %get3A_968] {strides = array<i32>} : memref<256x128xf32, #tpu.memory_space<vmem>>, vector<1x16xf32>,
          %get3A_970 = vector.shape_cast %get3A_969 : vector<1x16xf32> to vector<16xf32>
          %mul3A_971 = vector.broadcast %squeeze3A_961 : f32 to vector<16xf32>
          %mul3A_972 = arith.mulf %get3A_970, %mul3A_971 : vector<16xf32>
          %swap3A_973 = arith.index_cast %add3A_966 : i32 to index
          %swap3A_974 = arith.constant 0 : index
          %swap3A_975 = tpu.vector_load %arg20[%swap3A_973, %swap3A_974] {strides = array<i32>} : memref<256x128xf32, #tpu.memory_space<vmem>>, vector<1x16xf32>,
          %swap3A_976 = vector.shape_cast %swap3A_975 : vector<1x16xf32> to vector<16xf32>
          %swap3A_977 = vector.shape_cast %mul3A_972 : vector<16xf32> to vector<1x16xf32>
          tpu.vector_store %arg20[%swap3A_973, %swap3A_974], %swap3A_977 {strides = array<i32>} : memref<256x128xf32, #tpu.memory_space<vmem>>, vector<1x16xf32>,
          %get3A_978 = arith.index_cast %add3A_966 : i32 to index
          %get3A_979 = arith.constant 16 : index
          %get3A_980 = tpu.vector_load %arg20[%get3A_978, %get3A_979] {strides = array<i32>} : memref<256x128xf32, #tpu.memory_space<vmem>>, vector<1x16xf32>,
          %get3A_981 = vector.shape_cast %get3A_980 : vector<1x16xf32> to vector<16xf32>
          %mul3A_982 = vector.broadcast %squeeze3A_961 : f32 to vector<16xf32>
          %mul3A_983 = arith.mulf %get3A_981, %mul3A_982 : vector<16xf32>
          %swap3A_984 = arith.index_cast %add3A_966 : i32 to index
          %swap3A_985 = arith.constant 16 : index
          %swap3A_986 = tpu.vector_load %arg20[%swap3A_984, %swap3A_985] {strides = array<i32>} : memref<256x128xf32, #tpu.memory_space<vmem>>, vector<1x16xf32>,
          %swap3A_987 = vector.shape_cast %swap3A_986 : vector<1x16xf32> to vector<16xf32>
          %swap3A_988 = vector.shape_cast %mul3A_983 : vector<16xf32> to vector<1x16xf32>
          tpu.vector_store %arg20[%swap3A_984, %swap3A_985], %swap3A_988 {strides = array<i32>} : memref<256x128xf32, #tpu.memory_space<vmem>>, vector<1x16xf32>,
          %get3A_989 = arith.index_cast %add3A_966 : i32 to index
          %get3A_990 = arith.constant 32 : index
          %get3A_991 = tpu.vector_load %arg20[%get3A_989, %get3A_990] {strides = array<i32>} : memref<256x128xf32, #tpu.memory_space<vmem>>, vector<1x16xf32>,
          %get3A_992 = vector.shape_cast %get3A_991 : vector<1x16xf32> to vector<16xf32>
          %mul3A_993 = vector.broadcast %squeeze3A_961 : f32 to vector<16xf32>
          %mul3A_994 = arith.mulf %get3A_992, %mul3A_993 : vector<16xf32>
          %swap3A_995 = arith.index_cast %add3A_966 : i32 to index
          %swap3A_996 = arith.constant 32 : index
          %swap3A_997 = tpu.vector_load %arg20[%swap3A_995, %swap3A_996] {strides = array<i32>} : memref<256x128xf32, #tpu.memory_space<vmem>>, vector<1x16xf32>,
          %swap3A_998 = vector.shape_cast %swap3A_997 : vector<1x16xf32> to vector<16xf32>
          %swap3A_999 = vector.shape_cast %mul3A_994 : vector<16xf32> to vector<1x16xf32>
          tpu.vector_store %arg20[%swap3A_995, %swap3A_996], %swap3A_999 {strides = array<i32>} : memref<256x128xf32, #tpu.memory_space<vmem>>, vector<1x16xf32>,
          %get3A_1000 = arith.index_cast %add3A_966 : i32 to index
          %get3A_1001 = arith.constant 48 : index
          %get3A_1002 = tpu.vector_load %arg20[%get3A_1000, %get3A_1001] {strides = array<i32>} : memref<256x128xf32, #tpu.memory_space<vmem>>, vector<1x16xf32>,
          %get3A_1003 = vector.shape_cast %get3A_1002 : vector<1x16xf32> to vector<16xf32>
          %mul3A_1004 = vector.broadcast %squeeze3A_961 : f32 to vector<16xf32>
          %mul3A_1005 = arith.mulf %get3A_1003, %mul3A_1004 : vector<16xf32>
          %swap3A_1006 = arith.index_cast %add3A_966 : i32 to index
          %swap3A_1007 = arith.constant 48 : index
          %swap3A_1008 = tpu.vector_load %arg20[%swap3A_1006, %swap3A_1007] {strides = array<i32>} : memref<256x128xf32, #tpu.memory_space<vmem>>, vector<1x16xf32>,
          %swap3A_1009 = vector.shape_cast %swap3A_1008 : vector<1x16xf32> to vector<16xf32>
          %swap3A_1010 = vector.shape_cast %mul3A_1005 : vector<16xf32> to vector<1x16xf32>
          tpu.vector_store %arg20[%swap3A_1006, %swap3A_1007], %swap3A_1010 {strides = array<i32>} : memref<256x128xf32, #tpu.memory_space<vmem>>, vector<1x16xf32>,
          %get3A_1011 = arith.index_cast %add3A_966 : i32 to index
          %get3A_1012 = arith.constant 64 : index
          %get3A_1013 = tpu.vector_load %arg20[%get3A_1011, %get3A_1012] {strides = array<i32>} : memref<256x128xf32, #tpu.memory_space<vmem>>, vector<1x16xf32>,
          %get3A_1014 = vector.shape_cast %get3A_1013 : vector<1x16xf32> to vector<16xf32>
          %mul3A_1015 = vector.broadcast %squeeze3A_961 : f32 to vector<16xf32>
          %mul3A_1016 = arith.mulf %get3A_1014, %mul3A_1015 : vector<16xf32>
          %swap3A_1017 = arith.index_cast %add3A_966 : i32 to index
          %swap3A_1018 = arith.constant 64 : index
          %swap3A_1019 = tpu.vector_load %arg20[%swap3A_1017, %swap3A_1018] {strides = array<i32>} : memref<256x128xf32, #tpu.memory_space<vmem>>, vector<1x16xf32>,
          %swap3A_1020 = vector.shape_cast %swap3A_1019 : vector<1x16xf32> to vector<16xf32>
          %swap3A_1021 = vector.shape_cast %mul3A_1016 : vector<16xf32> to vector<1x16xf32>
          tpu.vector_store %arg20[%swap3A_1017, %swap3A_1018], %swap3A_1021 {strides = array<i32>} : memref<256x128xf32, #tpu.memory_space<vmem>>, vector<1x16xf32>,
          %get3A_1022 = arith.index_cast %add3A_966 : i32 to index
          %get3A_1023 = arith.constant 80 : index
          %get3A_1024 = tpu.vector_load %arg20[%get3A_1022, %get3A_1023] {strides = array<i32>} : memref<256x128xf32, #tpu.memory_space<vmem>>, vector<1x16xf32>,
          %get3A_1025 = vector.shape_cast %get3A_1024 : vector<1x16xf32> to vector<16xf32>
          %mul3A_1026 = vector.broadcast %squeeze3A_961 : f32 to vector<16xf32>
          %mul3A_1027 = arith.mulf %get3A_1025, %mul3A_1026 : vector<16xf32>
          %swap3A_1028 = arith.index_cast %add3A_966 : i32 to index
          %swap3A_1029 = arith.constant 80 : index
          %swap3A_1030 = tpu.vector_load %arg20[%swap3A_1028, %swap3A_1029] {strides = array<i32>} : memref<256x128xf32, #tpu.memory_space<vmem>>, vector<1x16xf32>,
          %swap3A_1031 = vector.shape_cast %swap3A_1030 : vector<1x16xf32> to vector<16xf32>
          %swap3A_1032 = vector.shape_cast %mul3A_1027 : vector<16xf32> to vector<1x16xf32>
          tpu.vector_store %arg20[%swap3A_1028, %swap3A_1029], %swap3A_1032 {strides = array<i32>} : memref<256x128xf32, #tpu.memory_space<vmem>>, vector<1x16xf32>,
          %get3A_1033 = arith.index_cast %add3A_966 : i32 to index
          %get3A_1034 = arith.constant 96 : index
          %get3A_1035 = tpu.vector_load %arg20[%get3A_1033, %get3A_1034] {strides = array<i32>} : memref<256x128xf32, #tpu.memory_space<vmem>>, vector<1x16xf32>,
          %get3A_1036 = vector.shape_cast %get3A_1035 : vector<1x16xf32> to vector<16xf32>
          %mul3A_1037 = vector.broadcast %squeeze3A_961 : f32 to vector<16xf32>
          %mul3A_1038 = arith.mulf %get3A_1036, %mul3A_1037 : vector<16xf32>
          %swap3A_1039 = arith.index_cast %add3A_966 : i32 to index
          %swap3A_1040 = arith.constant 96 : index
          %swap3A_1041 = tpu.vector_load %arg20[%swap3A_1039, %swap3A_1040] {strides = array<i32>} : memref<256x128xf32, #tpu.memory_space<vmem>>, vector<1x16xf32>,
          %swap3A_1042 = vector.shape_cast %swap3A_1041 : vector<1x16xf32> to vector<16xf32>
          %swap3A_1043 = vector.shape_cast %mul3A_1038 : vector<16xf32> to vector<1x16xf32>
          tpu.vector_store %arg20[%swap3A_1039, %swap3A_1040], %swap3A_1043 {strides = array<i32>} : memref<256x128xf32, #tpu.memory_space<vmem>>, vector<1x16xf32>,
          %get3A_1044 = arith.index_cast %add3A_966 : i32 to index
          %get3A_1045 = arith.constant 112 : index
          %get3A_1046 = tpu.vector_load %arg20[%get3A_1044, %get3A_1045] {strides = array<i32>} : memref<256x128xf32, #tpu.memory_space<vmem>>, vector<1x16xf32>,
          %get3A_1047 = vector.shape_cast %get3A_1046 : vector<1x16xf32> to vector<16xf32>
          %mul3A_1048 = vector.broadcast %squeeze3A_961 : f32 to vector<16xf32>
          %mul3A_1049 = arith.mulf %get3A_1047, %mul3A_1048 : vector<16xf32>
          %swap3A_1050 = arith.index_cast %add3A_966 : i32 to index
          %swap3A_1051 = arith.constant 112 : index
          %swap3A_1052 = tpu.vector_load %arg20[%swap3A_1050, %swap3A_1051] {strides = array<i32>} : memref<256x128xf32, #tpu.memory_space<vmem>>, vector<1x16xf32>,
          %swap3A_1053 = vector.shape_cast %swap3A_1052 : vector<1x16xf32> to vector<16xf32>
          %swap3A_1054 = vector.shape_cast %mul3A_1049 : vector<16xf32> to vector<1x16xf32>
          tpu.vector_store %arg20[%swap3A_1050, %swap3A_1051], %swap3A_1054 {strides = array<i32>} : memref<256x128xf32, #tpu.memory_space<vmem>>, vector<1x16xf32>,
          %slice3A_1055 = vector.extract_strided_slice %get3A_391 {offsets = [7], sizes = [1], strides = [1]} : vector<16xf32> to vector<1xf32>
          %squeeze3A_1056 = vector.extract %slice3A_1055[0] : f32 from vector<1xf32>
          %mul3A_1057 = arith.constant 16 : i32
          %mul3A_1058 = arith.muli %scan3A_385, %mul3A_1057 : i32
          %add3A_1059 = arith.addi %multiple_of3A, %mul3A_1058 : i32
          %add3A_1060 = arith.constant 7 : i32
          %add3A_1061 = arith.addi %add3A_1059, %add3A_1060 : i32
          %get3A_1062 = arith.index_cast %add3A_1061 : i32 to index
          %get3A_1063 = arith.constant 0 : index
          %get3A_1064 = tpu.vector_load %arg20[%get3A_1062, %get3A_1063] {strides = array<i32>} : memref<256x128xf32, #tpu.memory_space<vmem>>, vector<1x16xf32>,
          %get3A_1065 = vector.shape_cast %get3A_1064 : vector<1x16xf32> to vector<16xf32>
          %mul3A_1066 = vector.broadcast %squeeze3A_1056 : f32 to vector<16xf32>
          %mul3A_1067 = arith.mulf %get3A_1065, %mul3A_1066 : vector<16xf32>
          %swap3A_1068 = arith.index_cast %add3A_1061 : i32 to index
          %swap3A_1069 = arith.constant 0 : index
          %swap3A_1070 = tpu.vector_load %arg20[%swap3A_1068, %swap3A_1069] {strides = array<i32>} : memref<256x128xf32, #tpu.memory_space<vmem>>, vector<1x16xf32>,
          %swap3A_1071 = vector.shape_cast %swap3A_1070 : vector<1x16xf32> to vector<16xf32>
          %swap3A_1072 = vector.shape_cast %mul3A_1067 : vector<16xf32> to vector<1x16xf32>
          tpu.vector_store %arg20[%swap3A_1068, %swap3A_1069], %swap3A_1072 {strides = array<i32>} : memref<256x128xf32, #tpu.memory_space<vmem>>, vector<1x16xf32>,
          %get3A_1073 = arith.index_cast %add3A_1061 : i32 to index
          %get3A_1074 = arith.constant 16 : index
          %get3A_1075 = tpu.vector_load %arg20[%get3A_1073, %get3A_1074] {strides = array<i32>} : memref<256x128xf32, #tpu.memory_space<vmem>>, vector<1x16xf32>,
          %get3A_1076 = vector.shape_cast %get3A_1075 : vector<1x16xf32> to vector<16xf32>
          %mul3A_1077 = vector.broadcast %squeeze3A_1056 : f32 to vector<16xf32>
          %mul3A_1078 = arith.mulf %get3A_1076, %mul3A_1077 : vector<16xf32>
          %swap3A_1079 = arith.index_cast %add3A_1061 : i32 to index
          %swap3A_1080 = arith.constant 16 : index
          %swap3A_1081 = tpu.vector_load %arg20[%swap3A_1079, %swap3A_1080] {strides = array<i32>} : memref<256x128xf32, #tpu.memory_space<vmem>>, vector<1x16xf32>,
          %swap3A_1082 = vector.shape_cast %swap3A_1081 : vector<1x16xf32> to vector<16xf32>
          %swap3A_1083 = vector.shape_cast %mul3A_1078 : vector<16xf32> to vector<1x16xf32>
          tpu.vector_store %arg20[%swap3A_1079, %swap3A_1080], %swap3A_1083 {strides = array<i32>} : memref<256x128xf32, #tpu.memory_space<vmem>>, vector<1x16xf32>,
          %get3A_1084 = arith.index_cast %add3A_1061 : i32 to index
          %get3A_1085 = arith.constant 32 : index
          %get3A_1086 = tpu.vector_load %arg20[%get3A_1084, %get3A_1085] {strides = array<i32>} : memref<256x128xf32, #tpu.memory_space<vmem>>, vector<1x16xf32>,
          %get3A_1087 = vector.shape_cast %get3A_1086 : vector<1x16xf32> to vector<16xf32>
          %mul3A_1088 = vector.broadcast %squeeze3A_1056 : f32 to vector<16xf32>
          %mul3A_1089 = arith.mulf %get3A_1087, %mul3A_1088 : vector<16xf32>
          %swap3A_1090 = arith.index_cast %add3A_1061 : i32 to index
          %swap3A_1091 = arith.constant 32 : index
          %swap3A_1092 = tpu.vector_load %arg20[%swap3A_1090, %swap3A_1091] {strides = array<i32>} : memref<256x128xf32, #tpu.memory_space<vmem>>, vector<1x16xf32>,
          %swap3A_1093 = vector.shape_cast %swap3A_1092 : vector<1x16xf32> to vector<16xf32>
          %swap3A_1094 = vector.shape_cast %mul3A_1089 : vector<16xf32> to vector<1x16xf32>
          tpu.vector_store %arg20[%swap3A_1090, %swap3A_1091], %swap3A_1094 {strides = array<i32>} : memref<256x128xf32, #tpu.memory_space<vmem>>, vector<1x16xf32>,
          %get3A_1095 = arith.index_cast %add3A_1061 : i32 to index
          %get3A_1096 = arith.constant 48 : index
          %get3A_1097 = tpu.vector_load %arg20[%get3A_1095, %get3A_1096] {strides = array<i32>} : memref<256x128xf32, #tpu.memory_space<vmem>>, vector<1x16xf32>,
          %get3A_1098 = vector.shape_cast %get3A_1097 : vector<1x16xf32> to vector<16xf32>
          %mul3A_1099 = vector.broadcast %squeeze3A_1056 : f32 to vector<16xf32>
          %mul3A_1100 = arith.mulf %get3A_1098, %mul3A_1099 : vector<16xf32>
          %swap3A_1101 = arith.index_cast %add3A_1061 : i32 to index
          %swap3A_1102 = arith.constant 48 : index
          %swap3A_1103 = tpu.vector_load %arg20[%swap3A_1101, %swap3A_1102] {strides = array<i32>} : memref<256x128xf32, #tpu.memory_space<vmem>>, vector<1x16xf32>,
          %swap3A_1104 = vector.shape_cast %swap3A_1103 : vector<1x16xf32> to vector<16xf32>
          %swap3A_1105 = vector.shape_cast %mul3A_1100 : vector<16xf32> to vector<1x16xf32>
          tpu.vector_store %arg20[%swap3A_1101, %swap3A_1102], %swap3A_1105 {strides = array<i32>} : memref<256x128xf32, #tpu.memory_space<vmem>>, vector<1x16xf32>,
          %get3A_1106 = arith.index_cast %add3A_1061 : i32 to index
          %get3A_1107 = arith.constant 64 : index
          %get3A_1108 = tpu.vector_load %arg20[%get3A_1106, %get3A_1107] {strides = array<i32>} : memref<256x128xf32, #tpu.memory_space<vmem>>, vector<1x16xf32>,
          %get3A_1109 = vector.shape_cast %get3A_1108 : vector<1x16xf32> to vector<16xf32>
          %mul3A_1110 = vector.broadcast %squeeze3A_1056 : f32 to vector<16xf32>
          %mul3A_1111 = arith.mulf %get3A_1109, %mul3A_1110 : vector<16xf32>
          %swap3A_1112 = arith.index_cast %add3A_1061 : i32 to index
          %swap3A_1113 = arith.constant 64 : index
          %swap3A_1114 = tpu.vector_load %arg20[%swap3A_1112, %swap3A_1113] {strides = array<i32>} : memref<256x128xf32, #tpu.memory_space<vmem>>, vector<1x16xf32>,
          %swap3A_1115 = vector.shape_cast %swap3A_1114 : vector<1x16xf32> to vector<16xf32>
          %swap3A_1116 = vector.shape_cast %mul3A_1111 : vector<16xf32> to vector<1x16xf32>
          tpu.vector_store %arg20[%swap3A_1112, %swap3A_1113], %swap3A_1116 {strides = array<i32>} : memref<256x128xf32, #tpu.memory_space<vmem>>, vector<1x16xf32>,
          %get3A_1117 = arith.index_cast %add3A_1061 : i32 to index
          %get3A_1118 = arith.constant 80 : index
          %get3A_1119 = tpu.vector_load %arg20[%get3A_1117, %get3A_1118] {strides = array<i32>} : memref<256x128xf32, #tpu.memory_space<vmem>>, vector<1x16xf32>,
          %get3A_1120 = vector.shape_cast %get3A_1119 : vector<1x16xf32> to vector<16xf32>
          %mul3A_1121 = vector.broadcast %squeeze3A_1056 : f32 to vector<16xf32>
          %mul3A_1122 = arith.mulf %get3A_1120, %mul3A_1121 : vector<16xf32>
          %swap3A_1123 = arith.index_cast %add3A_1061 : i32 to index
          %swap3A_1124 = arith.constant 80 : index
          %swap3A_1125 = tpu.vector_load %arg20[%swap3A_1123, %swap3A_1124] {strides = array<i32>} : memref<256x128xf32, #tpu.memory_space<vmem>>, vector<1x16xf32>,
          %swap3A_1126 = vector.shape_cast %swap3A_1125 : vector<1x16xf32> to vector<16xf32>
          %swap3A_1127 = vector.shape_cast %mul3A_1122 : vector<16xf32> to vector<1x16xf32>
          tpu.vector_store %arg20[%swap3A_1123, %swap3A_1124], %swap3A_1127 {strides = array<i32>} : memref<256x128xf32, #tpu.memory_space<vmem>>, vector<1x16xf32>,
          %get3A_1128 = arith.index_cast %add3A_1061 : i32 to index
          %get3A_1129 = arith.constant 96 : index
          %get3A_1130 = tpu.vector_load %arg20[%get3A_1128, %get3A_1129] {strides = array<i32>} : memref<256x128xf32, #tpu.memory_space<vmem>>, vector<1x16xf32>,
          %get3A_1131 = vector.shape_cast %get3A_1130 : vector<1x16xf32> to vector<16xf32>
          %mul3A_1132 = vector.broadcast %squeeze3A_1056 : f32 to vector<16xf32>
          %mul3A_1133 = arith.mulf %get3A_1131, %mul3A_1132 : vector<16xf32>
          %swap3A_1134 = arith.index_cast %add3A_1061 : i32 to index
          %swap3A_1135 = arith.constant 96 : index
          %swap3A_1136 = tpu.vector_load %arg20[%swap3A_1134, %swap3A_1135] {strides = array<i32>} : memref<256x128xf32, #tpu.memory_space<vmem>>, vector<1x16xf32>,
          %swap3A_1137 = vector.shape_cast %swap3A_1136 : vector<1x16xf32> to vector<16xf32>
          %swap3A_1138 = vector.shape_cast %mul3A_1133 : vector<16xf32> to vector<1x16xf32>
          tpu.vector_store %arg20[%swap3A_1134, %swap3A_1135], %swap3A_1138 {strides = array<i32>} : memref<256x128xf32, #tpu.memory_space<vmem>>, vector<1x16xf32>,
          %get3A_1139 = arith.index_cast %add3A_1061 : i32 to index
          %get3A_1140 = arith.constant 112 : index
          %get3A_1141 = tpu.vector_load %arg20[%get3A_1139, %get3A_1140] {strides = array<i32>} : memref<256x128xf32, #tpu.memory_space<vmem>>, vector<1x16xf32>,
          %get3A_1142 = vector.shape_cast %get3A_1141 : vector<1x16xf32> to vector<16xf32>
          %mul3A_1143 = vector.broadcast %squeeze3A_1056 : f32 to vector<16xf32>
          %mul3A_1144 = arith.mulf %get3A_1142, %mul3A_1143 : vector<16xf32>
          %swap3A_1145 = arith.index_cast %add3A_1061 : i32 to index
          %swap3A_1146 = arith.constant 112 : index
          %swap3A_1147 = tpu.vector_load %arg20[%swap3A_1145, %swap3A_1146] {strides = array<i32>} : memref<256x128xf32, #tpu.memory_space<vmem>>, vector<1x16xf32>,
          %swap3A_1148 = vector.shape_cast %swap3A_1147 : vector<1x16xf32> to vector<16xf32>
          %swap3A_1149 = vector.shape_cast %mul3A_1144 : vector<16xf32> to vector<1x16xf32>
          tpu.vector_store %arg20[%swap3A_1145, %swap3A_1146], %swap3A_1149 {strides = array<i32>} : memref<256x128xf32, #tpu.memory_space<vmem>>, vector<1x16xf32>,
          %slice3A_1150 = vector.extract_strided_slice %get3A_391 {offsets = [8], sizes = [1], strides = [1]} : vector<16xf32> to vector<1xf32>
          %squeeze3A_1151 = vector.extract %slice3A_1150[0] : f32 from vector<1xf32>
          %mul3A_1152 = arith.constant 16 : i32
          %mul3A_1153 = arith.muli %scan3A_385, %mul3A_1152 : i32
          %add3A_1154 = arith.addi %multiple_of3A, %mul3A_1153 : i32
          %add3A_1155 = arith.constant 8 : i32
          %add3A_1156 = arith.addi %add3A_1154, %add3A_1155 : i32
          %get3A_1157 = arith.index_cast %add3A_1156 : i32 to index
          %get3A_1158 = arith.constant 0 : index
          %get3A_1159 = tpu.vector_load %arg20[%get3A_1157, %get3A_1158] {strides = array<i32>} : memref<256x128xf32, #tpu.memory_space<vmem>>, vector<1x16xf32>,
          %get3A_1160 = vector.shape_cast %get3A_1159 : vector<1x16xf32> to vector<16xf32>
          %mul3A_1161 = vector.broadcast %squeeze3A_1151 : f32 to vector<16xf32>
          %mul3A_1162 = arith.mulf %get3A_1160, %mul3A_1161 : vector<16xf32>
          %swap3A_1163 = arith.index_cast %add3A_1156 : i32 to index
          %swap3A_1164 = arith.constant 0 : index
          %swap3A_1165 = tpu.vector_load %arg20[%swap3A_1163, %swap3A_1164] {strides = array<i32>} : memref<256x128xf32, #tpu.memory_space<vmem>>, vector<1x16xf32>,
          %swap3A_1166 = vector.shape_cast %swap3A_1165 : vector<1x16xf32> to vector<16xf32>
          %swap3A_1167 = vector.shape_cast %mul3A_1162 : vector<16xf32> to vector<1x16xf32>
          tpu.vector_store %arg20[%swap3A_1163, %swap3A_1164], %swap3A_1167 {strides = array<i32>} : memref<256x128xf32, #tpu.memory_space<vmem>>, vector<1x16xf32>,
          %get3A_1168 = arith.index_cast %add3A_1156 : i32 to index
          %get3A_1169 = arith.constant 16 : index
          %get3A_1170 = tpu.vector_load %arg20[%get3A_1168, %get3A_1169] {strides = array<i32>} : memref<256x128xf32, #tpu.memory_space<vmem>>, vector<1x16xf32>,
          %get3A_1171 = vector.shape_cast %get3A_1170 : vector<1x16xf32> to vector<16xf32>
          %mul3A_1172 = vector.broadcast %squeeze3A_1151 : f32 to vector<16xf32>
          %mul3A_1173 = arith.mulf %get3A_1171, %mul3A_1172 : vector<16xf32>
          %swap3A_1174 = arith.index_cast %add3A_1156 : i32 to index
          %swap3A_1175 = arith.constant 16 : index
          %swap3A_1176 = tpu.vector_load %arg20[%swap3A_1174, %swap3A_1175] {strides = array<i32>} : memref<256x128xf32, #tpu.memory_space<vmem>>, vector<1x16xf32>,
          %swap3A_1177 = vector.shape_cast %swap3A_1176 : vector<1x16xf32> to vector<16xf32>
          %swap3A_1178 = vector.shape_cast %mul3A_1173 : vector<16xf32> to vector<1x16xf32>
          tpu.vector_store %arg20[%swap3A_1174, %swap3A_1175], %swap3A_1178 {strides = array<i32>} : memref<256x128xf32, #tpu.memory_space<vmem>>, vector<1x16xf32>,
          %get3A_1179 = arith.index_cast %add3A_1156 : i32 to index
          %get3A_1180 = arith.constant 32 : index
          %get3A_1181 = tpu.vector_load %arg20[%get3A_1179, %get3A_1180] {strides = array<i32>} : memref<256x128xf32, #tpu.memory_space<vmem>>, vector<1x16xf32>,
          %get3A_1182 = vector.shape_cast %get3A_1181 : vector<1x16xf32> to vector<16xf32>
          %mul3A_1183 = vector.broadcast %squeeze3A_1151 : f32 to vector<16xf32>
          %mul3A_1184 = arith.mulf %get3A_1182, %mul3A_1183 : vector<16xf32>
          %swap3A_1185 = arith.index_cast %add3A_1156 : i32 to index
          %swap3A_1186 = arith.constant 32 : index
          %swap3A_1187 = tpu.vector_load %arg20[%swap3A_1185, %swap3A_1186] {strides = array<i32>} : memref<256x128xf32, #tpu.memory_space<vmem>>, vector<1x16xf32>,
          %swap3A_1188 = vector.shape_cast %swap3A_1187 : vector<1x16xf32> to vector<16xf32>
          %swap3A_1189 = vector.shape_cast %mul3A_1184 : vector<16xf32> to vector<1x16xf32>
          tpu.vector_store %arg20[%swap3A_1185, %swap3A_1186], %swap3A_1189 {strides = array<i32>} : memref<256x128xf32, #tpu.memory_space<vmem>>, vector<1x16xf32>,
          %get3A_1190 = arith.index_cast %add3A_1156 : i32 to index
          %get3A_1191 = arith.constant 48 : index
          %get3A_1192 = tpu.vector_load %arg20[%get3A_1190, %get3A_1191] {strides = array<i32>} : memref<256x128xf32, #tpu.memory_space<vmem>>, vector<1x16xf32>,
          %get3A_1193 = vector.shape_cast %get3A_1192 : vector<1x16xf32> to vector<16xf32>
          %mul3A_1194 = vector.broadcast %squeeze3A_1151 : f32 to vector<16xf32>
          %mul3A_1195 = arith.mulf %get3A_1193, %mul3A_1194 : vector<16xf32>
          %swap3A_1196 = arith.index_cast %add3A_1156 : i32 to index
          %swap3A_1197 = arith.constant 48 : index
          %swap3A_1198 = tpu.vector_load %arg20[%swap3A_1196, %swap3A_1197] {strides = array<i32>} : memref<256x128xf32, #tpu.memory_space<vmem>>, vector<1x16xf32>,
          %swap3A_1199 = vector.shape_cast %swap3A_1198 : vector<1x16xf32> to vector<16xf32>
          %swap3A_1200 = vector.shape_cast %mul3A_1195 : vector<16xf32> to vector<1x16xf32>
          tpu.vector_store %arg20[%swap3A_1196, %swap3A_1197], %swap3A_1200 {strides = array<i32>} : memref<256x128xf32, #tpu.memory_space<vmem>>, vector<1x16xf32>,
          %get3A_1201 = arith.index_cast %add3A_1156 : i32 to index
          %get3A_1202 = arith.constant 64 : index
          %get3A_1203 = tpu.vector_load %arg20[%get3A_1201, %get3A_1202] {strides = array<i32>} : memref<256x128xf32, #tpu.memory_space<vmem>>, vector<1x16xf32>,
          %get3A_1204 = vector.shape_cast %get3A_1203 : vector<1x16xf32> to vector<16xf32>
          %mul3A_1205 = vector.broadcast %squeeze3A_1151 : f32 to vector<16xf32>
          %mul3A_1206 = arith.mulf %get3A_1204, %mul3A_1205 : vector<16xf32>
          %swap3A_1207 = arith.index_cast %add3A_1156 : i32 to index
          %swap3A_1208 = arith.constant 64 : index
          %swap3A_1209 = tpu.vector_load %arg20[%swap3A_1207, %swap3A_1208] {strides = array<i32>} : memref<256x128xf32, #tpu.memory_space<vmem>>, vector<1x16xf32>,
          %swap3A_1210 = vector.shape_cast %swap3A_1209 : vector<1x16xf32> to vector<16xf32>
          %swap3A_1211 = vector.shape_cast %mul3A_1206 : vector<16xf32> to vector<1x16xf32>
          tpu.vector_store %arg20[%swap3A_1207, %swap3A_1208], %swap3A_1211 {strides = array<i32>} : memref<256x128xf32, #tpu.memory_space<vmem>>, vector<1x16xf32>,
          %get3A_1212 = arith.index_cast %add3A_1156 : i32 to index
          %get3A_1213 = arith.constant 80 : index
          %get3A_1214 = tpu.vector_load %arg20[%get3A_1212, %get3A_1213] {strides = array<i32>} : memref<256x128xf32, #tpu.memory_space<vmem>>, vector<1x16xf32>,
          %get3A_1215 = vector.shape_cast %get3A_1214 : vector<1x16xf32> to vector<16xf32>
          %mul3A_1216 = vector.broadcast %squeeze3A_1151 : f32 to vector<16xf32>
          %mul3A_1217 = arith.mulf %get3A_1215, %mul3A_1216 : vector<16xf32>
          %swap3A_1218 = arith.index_cast %add3A_1156 : i32 to index
          %swap3A_1219 = arith.constant 80 : index
          %swap3A_1220 = tpu.vector_load %arg20[%swap3A_1218, %swap3A_1219] {strides = array<i32>} : memref<256x128xf32, #tpu.memory_space<vmem>>, vector<1x16xf32>,
          %swap3A_1221 = vector.shape_cast %swap3A_1220 : vector<1x16xf32> to vector<16xf32>
          %swap3A_1222 = vector.shape_cast %mul3A_1217 : vector<16xf32> to vector<1x16xf32>
          tpu.vector_store %arg20[%swap3A_1218, %swap3A_1219], %swap3A_1222 {strides = array<i32>} : memref<256x128xf32, #tpu.memory_space<vmem>>, vector<1x16xf32>,
          %get3A_1223 = arith.index_cast %add3A_1156 : i32 to index
          %get3A_1224 = arith.constant 96 : index
          %get3A_1225 = tpu.vector_load %arg20[%get3A_1223, %get3A_1224] {strides = array<i32>} : memref<256x128xf32, #tpu.memory_space<vmem>>, vector<1x16xf32>,
          %get3A_1226 = vector.shape_cast %get3A_1225 : vector<1x16xf32> to vector<16xf32>
          %mul3A_1227 = vector.broadcast %squeeze3A_1151 : f32 to vector<16xf32>
          %mul3A_1228 = arith.mulf %get3A_1226, %mul3A_1227 : vector<16xf32>
          %swap3A_1229 = arith.index_cast %add3A_1156 : i32 to index
          %swap3A_1230 = arith.constant 96 : index
          %swap3A_1231 = tpu.vector_load %arg20[%swap3A_1229, %swap3A_1230] {strides = array<i32>} : memref<256x128xf32, #tpu.memory_space<vmem>>, vector<1x16xf32>,
          %swap3A_1232 = vector.shape_cast %swap3A_1231 : vector<1x16xf32> to vector<16xf32>
          %swap3A_1233 = vector.shape_cast %mul3A_1228 : vector<16xf32> to vector<1x16xf32>
          tpu.vector_store %arg20[%swap3A_1229, %swap3A_1230], %swap3A_1233 {strides = array<i32>} : memref<256x128xf32, #tpu.memory_space<vmem>>, vector<1x16xf32>,
          %get3A_1234 = arith.index_cast %add3A_1156 : i32 to index
          %get3A_1235 = arith.constant 112 : index
          %get3A_1236 = tpu.vector_load %arg20[%get3A_1234, %get3A_1235] {strides = array<i32>} : memref<256x128xf32, #tpu.memory_space<vmem>>, vector<1x16xf32>,
          %get3A_1237 = vector.shape_cast %get3A_1236 : vector<1x16xf32> to vector<16xf32>
          %mul3A_1238 = vector.broadcast %squeeze3A_1151 : f32 to vector<16xf32>
          %mul3A_1239 = arith.mulf %get3A_1237, %mul3A_1238 : vector<16xf32>
          %swap3A_1240 = arith.index_cast %add3A_1156 : i32 to index
          %swap3A_1241 = arith.constant 112 : index
          %swap3A_1242 = tpu.vector_load %arg20[%swap3A_1240, %swap3A_1241] {strides = array<i32>} : memref<256x128xf32, #tpu.memory_space<vmem>>, vector<1x16xf32>,
          %swap3A_1243 = vector.shape_cast %swap3A_1242 : vector<1x16xf32> to vector<16xf32>
          %swap3A_1244 = vector.shape_cast %mul3A_1239 : vector<16xf32> to vector<1x16xf32>
          tpu.vector_store %arg20[%swap3A_1240, %swap3A_1241], %swap3A_1244 {strides = array<i32>} : memref<256x128xf32, #tpu.memory_space<vmem>>, vector<1x16xf32>,
          %slice3A_1245 = vector.extract_strided_slice %get3A_391 {offsets = [9], sizes = [1], strides = [1]} : vector<16xf32> to vector<1xf32>
          %squeeze3A_1246 = vector.extract %slice3A_1245[0] : f32 from vector<1xf32>
          %mul3A_1247 = arith.constant 16 : i32
          %mul3A_1248 = arith.muli %scan3A_385, %mul3A_1247 : i32
          %add3A_1249 = arith.addi %multiple_of3A, %mul3A_1248 : i32
          %add3A_1250 = arith.constant 9 : i32
          %add3A_1251 = arith.addi %add3A_1249, %add3A_1250 : i32
          %get3A_1252 = arith.index_cast %add3A_1251 : i32 to index
          %get3A_1253 = arith.constant 0 : index
          %get3A_1254 = tpu.vector_load %arg20[%get3A_1252, %get3A_1253] {strides = array<i32>} : memref<256x128xf32, #tpu.memory_space<vmem>>, vector<1x16xf32>,
          %get3A_1255 = vector.shape_cast %get3A_1254 : vector<1x16xf32> to vector<16xf32>
          %mul3A_1256 = vector.broadcast %squeeze3A_1246 : f32 to vector<16xf32>
          %mul3A_1257 = arith.mulf %get3A_1255, %mul3A_1256 : vector<16xf32>
          %swap3A_1258 = arith.index_cast %add3A_1251 : i32 to index
          %swap3A_1259 = arith.constant 0 : index
          %swap3A_1260 = tpu.vector_load %arg20[%swap3A_1258, %swap3A_1259] {strides = array<i32>} : memref<256x128xf32, #tpu.memory_space<vmem>>, vector<1x16xf32>,
          %swap3A_1261 = vector.shape_cast %swap3A_1260 : vector<1x16xf32> to vector<16xf32>
          %swap3A_1262 = vector.shape_cast %mul3A_1257 : vector<16xf32> to vector<1x16xf32>
          tpu.vector_store %arg20[%swap3A_1258, %swap3A_1259], %swap3A_1262 {strides = array<i32>} : memref<256x128xf32, #tpu.memory_space<vmem>>, vector<1x16xf32>,
          %get3A_1263 = arith.index_cast %add3A_1251 : i32 to index
          %get3A_1264 = arith.constant 16 : index
          %get3A_1265 = tpu.vector_load %arg20[%get3A_1263, %get3A_1264] {strides = array<i32>} : memref<256x128xf32, #tpu.memory_space<vmem>>, vector<1x16xf32>,
          %get3A_1266 = vector.shape_cast %get3A_1265 : vector<1x16xf32> to vector<16xf32>
          %mul3A_1267 = vector.broadcast %squeeze3A_1246 : f32 to vector<16xf32>
          %mul3A_1268 = arith.mulf %get3A_1266, %mul3A_1267 : vector<16xf32>
          %swap3A_1269 = arith.index_cast %add3A_1251 : i32 to index
          %swap3A_1270 = arith.constant 16 : index
          %swap3A_1271 = tpu.vector_load %arg20[%swap3A_1269, %swap3A_1270] {strides = array<i32>} : memref<256x128xf32, #tpu.memory_space<vmem>>, vector<1x16xf32>,
          %swap3A_1272 = vector.shape_cast %swap3A_1271 : vector<1x16xf32> to vector<16xf32>
          %swap3A_1273 = vector.shape_cast %mul3A_1268 : vector<16xf32> to vector<1x16xf32>
          tpu.vector_store %arg20[%swap3A_1269, %swap3A_1270], %swap3A_1273 {strides = array<i32>} : memref<256x128xf32, #tpu.memory_space<vmem>>, vector<1x16xf32>,
          %get3A_1274 = arith.index_cast %add3A_1251 : i32 to index
          %get3A_1275 = arith.constant 32 : index
          %get3A_1276 = tpu.vector_load %arg20[%get3A_1274, %get3A_1275] {strides = array<i32>} : memref<256x128xf32, #tpu.memory_space<vmem>>, vector<1x16xf32>,
          %get3A_1277 = vector.shape_cast %get3A_1276 : vector<1x16xf32> to vector<16xf32>
          %mul3A_1278 = vector.broadcast %squeeze3A_1246 : f32 to vector<16xf32>
          %mul3A_1279 = arith.mulf %get3A_1277, %mul3A_1278 : vector<16xf32>
          %swap3A_1280 = arith.index_cast %add3A_1251 : i32 to index
          %swap3A_1281 = arith.constant 32 : index
          %swap3A_1282 = tpu.vector_load %arg20[%swap3A_1280, %swap3A_1281] {strides = array<i32>} : memref<256x128xf32, #tpu.memory_space<vmem>>, vector<1x16xf32>,
          %swap3A_1283 = vector.shape_cast %swap3A_1282 : vector<1x16xf32> to vector<16xf32>
          %swap3A_1284 = vector.shape_cast %mul3A_1279 : vector<16xf32> to vector<1x16xf32>
          tpu.vector_store %arg20[%swap3A_1280, %swap3A_1281], %swap3A_1284 {strides = array<i32>} : memref<256x128xf32, #tpu.memory_space<vmem>>, vector<1x16xf32>,
          %get3A_1285 = arith.index_cast %add3A_1251 : i32 to index
          %get3A_1286 = arith.constant 48 : index
          %get3A_1287 = tpu.vector_load %arg20[%get3A_1285, %get3A_1286] {strides = array<i32>} : memref<256x128xf32, #tpu.memory_space<vmem>>, vector<1x16xf32>,
          %get3A_1288 = vector.shape_cast %get3A_1287 : vector<1x16xf32> to vector<16xf32>
          %mul3A_1289 = vector.broadcast %squeeze3A_1246 : f32 to vector<16xf32>
          %mul3A_1290 = arith.mulf %get3A_1288, %mul3A_1289 : vector<16xf32>
          %swap3A_1291 = arith.index_cast %add3A_1251 : i32 to index
          %swap3A_1292 = arith.constant 48 : index
          %swap3A_1293 = tpu.vector_load %arg20[%swap3A_1291, %swap3A_1292] {strides = array<i32>} : memref<256x128xf32, #tpu.memory_space<vmem>>, vector<1x16xf32>,
          %swap3A_1294 = vector.shape_cast %swap3A_1293 : vector<1x16xf32> to vector<16xf32>
          %swap3A_1295 = vector.shape_cast %mul3A_1290 : vector<16xf32> to vector<1x16xf32>
          tpu.vector_store %arg20[%swap3A_1291, %swap3A_1292], %swap3A_1295 {strides = array<i32>} : memref<256x128xf32, #tpu.memory_space<vmem>>, vector<1x16xf32>,
          %get3A_1296 = arith.index_cast %add3A_1251 : i32 to index
          %get3A_1297 = arith.constant 64 : index
          %get3A_1298 = tpu.vector_load %arg20[%get3A_1296, %get3A_1297] {strides = array<i32>} : memref<256x128xf32, #tpu.memory_space<vmem>>, vector<1x16xf32>,
          %get3A_1299 = vector.shape_cast %get3A_1298 : vector<1x16xf32> to vector<16xf32>
          %mul3A_1300 = vector.broadcast %squeeze3A_1246 : f32 to vector<16xf32>
          %mul3A_1301 = arith.mulf %get3A_1299, %mul3A_1300 : vector<16xf32>
          %swap3A_1302 = arith.index_cast %add3A_1251 : i32 to index
          %swap3A_1303 = arith.constant 64 : index
          %swap3A_1304 = tpu.vector_load %arg20[%swap3A_1302, %swap3A_1303] {strides = array<i32>} : memref<256x128xf32, #tpu.memory_space<vmem>>, vector<1x16xf32>,
          %swap3A_1305 = vector.shape_cast %swap3A_1304 : vector<1x16xf32> to vector<16xf32>
          %swap3A_1306 = vector.shape_cast %mul3A_1301 : vector<16xf32> to vector<1x16xf32>
          tpu.vector_store %arg20[%swap3A_1302, %swap3A_1303], %swap3A_1306 {strides = array<i32>} : memref<256x128xf32, #tpu.memory_space<vmem>>, vector<1x16xf32>,
          %get3A_1307 = arith.index_cast %add3A_1251 : i32 to index
          %get3A_1308 = arith.constant 80 : index
          %get3A_1309 = tpu.vector_load %arg20[%get3A_1307, %get3A_1308] {strides = array<i32>} : memref<256x128xf32, #tpu.memory_space<vmem>>, vector<1x16xf32>,
          %get3A_1310 = vector.shape_cast %get3A_1309 : vector<1x16xf32> to vector<16xf32>
          %mul3A_1311 = vector.broadcast %squeeze3A_1246 : f32 to vector<16xf32>
          %mul3A_1312 = arith.mulf %get3A_1310, %mul3A_1311 : vector<16xf32>
          %swap3A_1313 = arith.index_cast %add3A_1251 : i32 to index
          %swap3A_1314 = arith.constant 80 : index
          %swap3A_1315 = tpu.vector_load %arg20[%swap3A_1313, %swap3A_1314] {strides = array<i32>} : memref<256x128xf32, #tpu.memory_space<vmem>>, vector<1x16xf32>,
          %swap3A_1316 = vector.shape_cast %swap3A_1315 : vector<1x16xf32> to vector<16xf32>
          %swap3A_1317 = vector.shape_cast %mul3A_1312 : vector<16xf32> to vector<1x16xf32>
          tpu.vector_store %arg20[%swap3A_1313, %swap3A_1314], %swap3A_1317 {strides = array<i32>} : memref<256x128xf32, #tpu.memory_space<vmem>>, vector<1x16xf32>,
          %get3A_1318 = arith.index_cast %add3A_1251 : i32 to index
          %get3A_1319 = arith.constant 96 : index
          %get3A_1320 = tpu.vector_load %arg20[%get3A_1318, %get3A_1319] {strides = array<i32>} : memref<256x128xf32, #tpu.memory_space<vmem>>, vector<1x16xf32>,
          %get3A_1321 = vector.shape_cast %get3A_1320 : vector<1x16xf32> to vector<16xf32>
          %mul3A_1322 = vector.broadcast %squeeze3A_1246 : f32 to vector<16xf32>
          %mul3A_1323 = arith.mulf %get3A_1321, %mul3A_1322 : vector<16xf32>
          %swap3A_1324 = arith.index_cast %add3A_1251 : i32 to index
          %swap3A_1325 = arith.constant 96 : index
          %swap3A_1326 = tpu.vector_load %arg20[%swap3A_1324, %swap3A_1325] {strides = array<i32>} : memref<256x128xf32, #tpu.memory_space<vmem>>, vector<1x16xf32>,
          %swap3A_1327 = vector.shape_cast %swap3A_1326 : vector<1x16xf32> to vector<16xf32>
          %swap3A_1328 = vector.shape_cast %mul3A_1323 : vector<16xf32> to vector<1x16xf32>
          tpu.vector_store %arg20[%swap3A_1324, %swap3A_1325], %swap3A_1328 {strides = array<i32>} : memref<256x128xf32, #tpu.memory_space<vmem>>, vector<1x16xf32>,
          %get3A_1329 = arith.index_cast %add3A_1251 : i32 to index
          %get3A_1330 = arith.constant 112 : index
          %get3A_1331 = tpu.vector_load %arg20[%get3A_1329, %get3A_1330] {strides = array<i32>} : memref<256x128xf32, #tpu.memory_space<vmem>>, vector<1x16xf32>,
          %get3A_1332 = vector.shape_cast %get3A_1331 : vector<1x16xf32> to vector<16xf32>
          %mul3A_1333 = vector.broadcast %squeeze3A_1246 : f32 to vector<16xf32>
          %mul3A_1334 = arith.mulf %get3A_1332, %mul3A_1333 : vector<16xf32>
          %swap3A_1335 = arith.index_cast %add3A_1251 : i32 to index
          %swap3A_1336 = arith.constant 112 : index
          %swap3A_1337 = tpu.vector_load %arg20[%swap3A_1335, %swap3A_1336] {strides = array<i32>} : memref<256x128xf32, #tpu.memory_space<vmem>>, vector<1x16xf32>,
          %swap3A_1338 = vector.shape_cast %swap3A_1337 : vector<1x16xf32> to vector<16xf32>
          %swap3A_1339 = vector.shape_cast %mul3A_1334 : vector<16xf32> to vector<1x16xf32>
          tpu.vector_store %arg20[%swap3A_1335, %swap3A_1336], %swap3A_1339 {strides = array<i32>} : memref<256x128xf32, #tpu.memory_space<vmem>>, vector<1x16xf32>,
          %slice3A_1340 = vector.extract_strided_slice %get3A_391 {offsets = [10], sizes = [1], strides = [1]} : vector<16xf32> to vector<1xf32>
          %squeeze3A_1341 = vector.extract %slice3A_1340[0] : f32 from vector<1xf32>
          %mul3A_1342 = arith.constant 16 : i32
          %mul3A_1343 = arith.muli %scan3A_385, %mul3A_1342 : i32
          %add3A_1344 = arith.addi %multiple_of3A, %mul3A_1343 : i32
          %add3A_1345 = arith.constant 10 : i32
          %add3A_1346 = arith.addi %add3A_1344, %add3A_1345 : i32
          %get3A_1347 = arith.index_cast %add3A_1346 : i32 to index
          %get3A_1348 = arith.constant 0 : index
          %get3A_1349 = tpu.vector_load %arg20[%get3A_1347, %get3A_1348] {strides = array<i32>} : memref<256x128xf32, #tpu.memory_space<vmem>>, vector<1x16xf32>,
          %get3A_1350 = vector.shape_cast %get3A_1349 : vector<1x16xf32> to vector<16xf32>
          %mul3A_1351 = vector.broadcast %squeeze3A_1341 : f32 to vector<16xf32>
          %mul3A_1352 = arith.mulf %get3A_1350, %mul3A_1351 : vector<16xf32>
          %swap3A_1353 = arith.index_cast %add3A_1346 : i32 to index
          %swap3A_1354 = arith.constant 0 : index
          %swap3A_1355 = tpu.vector_load %arg20[%swap3A_1353, %swap3A_1354] {strides = array<i32>} : memref<256x128xf32, #tpu.memory_space<vmem>>, vector<1x16xf32>,
          %swap3A_1356 = vector.shape_cast %swap3A_1355 : vector<1x16xf32> to vector<16xf32>
          %swap3A_1357 = vector.shape_cast %mul3A_1352 : vector<16xf32> to vector<1x16xf32>
          tpu.vector_store %arg20[%swap3A_1353, %swap3A_1354], %swap3A_1357 {strides = array<i32>} : memref<256x128xf32, #tpu.memory_space<vmem>>, vector<1x16xf32>,
          %get3A_1358 = arith.index_cast %add3A_1346 : i32 to index
          %get3A_1359 = arith.constant 16 : index
          %get3A_1360 = tpu.vector_load %arg20[%get3A_1358, %get3A_1359] {strides = array<i32>} : memref<256x128xf32, #tpu.memory_space<vmem>>, vector<1x16xf32>,
          %get3A_1361 = vector.shape_cast %get3A_1360 : vector<1x16xf32> to vector<16xf32>
          %mul3A_1362 = vector.broadcast %squeeze3A_1341 : f32 to vector<16xf32>
          %mul3A_1363 = arith.mulf %get3A_1361, %mul3A_1362 : vector<16xf32>
          %swap3A_1364 = arith.index_cast %add3A_1346 : i32 to index
          %swap3A_1365 = arith.constant 16 : index
          %swap3A_1366 = tpu.vector_load %arg20[%swap3A_1364, %swap3A_1365] {strides = array<i32>} : memref<256x128xf32, #tpu.memory_space<vmem>>, vector<1x16xf32>,
          %swap3A_1367 = vector.shape_cast %swap3A_1366 : vector<1x16xf32> to vector<16xf32>
          %swap3A_1368 = vector.shape_cast %mul3A_1363 : vector<16xf32> to vector<1x16xf32>
          tpu.vector_store %arg20[%swap3A_1364, %swap3A_1365], %swap3A_1368 {strides = array<i32>} : memref<256x128xf32, #tpu.memory_space<vmem>>, vector<1x16xf32>,
          %get3A_1369 = arith.index_cast %add3A_1346 : i32 to index
          %get3A_1370 = arith.constant 32 : index
          %get3A_1371 = tpu.vector_load %arg20[%get3A_1369, %get3A_1370] {strides = array<i32>} : memref<256x128xf32, #tpu.memory_space<vmem>>, vector<1x16xf32>,
          %get3A_1372 = vector.shape_cast %get3A_1371 : vector<1x16xf32> to vector<16xf32>
          %mul3A_1373 = vector.broadcast %squeeze3A_1341 : f32 to vector<16xf32>
          %mul3A_1374 = arith.mulf %get3A_1372, %mul3A_1373 : vector<16xf32>
          %swap3A_1375 = arith.index_cast %add3A_1346 : i32 to index
          %swap3A_1376 = arith.constant 32 : index
          %swap3A_1377 = tpu.vector_load %arg20[%swap3A_1375, %swap3A_1376] {strides = array<i32>} : memref<256x128xf32, #tpu.memory_space<vmem>>, vector<1x16xf32>,
          %swap3A_1378 = vector.shape_cast %swap3A_1377 : vector<1x16xf32> to vector<16xf32>
          %swap3A_1379 = vector.shape_cast %mul3A_1374 : vector<16xf32> to vector<1x16xf32>
          tpu.vector_store %arg20[%swap3A_1375, %swap3A_1376], %swap3A_1379 {strides = array<i32>} : memref<256x128xf32, #tpu.memory_space<vmem>>, vector<1x16xf32>,
          %get3A_1380 = arith.index_cast %add3A_1346 : i32 to index
          %get3A_1381 = arith.constant 48 : index
          %get3A_1382 = tpu.vector_load %arg20[%get3A_1380, %get3A_1381] {strides = array<i32>} : memref<256x128xf32, #tpu.memory_space<vmem>>, vector<1x16xf32>,
          %get3A_1383 = vector.shape_cast %get3A_1382 : vector<1x16xf32> to vector<16xf32>
          %mul3A_1384 = vector.broadcast %squeeze3A_1341 : f32 to vector<16xf32>
          %mul3A_1385 = arith.mulf %get3A_1383, %mul3A_1384 : vector<16xf32>
          %swap3A_1386 = arith.index_cast %add3A_1346 : i32 to index
          %swap3A_1387 = arith.constant 48 : index
          %swap3A_1388 = tpu.vector_load %arg20[%swap3A_1386, %swap3A_1387] {strides = array<i32>} : memref<256x128xf32, #tpu.memory_space<vmem>>, vector<1x16xf32>,
          %swap3A_1389 = vector.shape_cast %swap3A_1388 : vector<1x16xf32> to vector<16xf32>
          %swap3A_1390 = vector.shape_cast %mul3A_1385 : vector<16xf32> to vector<1x16xf32>
          tpu.vector_store %arg20[%swap3A_1386, %swap3A_1387], %swap3A_1390 {strides = array<i32>} : memref<256x128xf32, #tpu.memory_space<vmem>>, vector<1x16xf32>,
          %get3A_1391 = arith.index_cast %add3A_1346 : i32 to index
          %get3A_1392 = arith.constant 64 : index
          %get3A_1393 = tpu.vector_load %arg20[%get3A_1391, %get3A_1392] {strides = array<i32>} : memref<256x128xf32, #tpu.memory_space<vmem>>, vector<1x16xf32>,
          %get3A_1394 = vector.shape_cast %get3A_1393 : vector<1x16xf32> to vector<16xf32>
          %mul3A_1395 = vector.broadcast %squeeze3A_1341 : f32 to vector<16xf32>
          %mul3A_1396 = arith.mulf %get3A_1394, %mul3A_1395 : vector<16xf32>
          %swap3A_1397 = arith.index_cast %add3A_1346 : i32 to index
          %swap3A_1398 = arith.constant 64 : index
          %swap3A_1399 = tpu.vector_load %arg20[%swap3A_1397, %swap3A_1398] {strides = array<i32>} : memref<256x128xf32, #tpu.memory_space<vmem>>, vector<1x16xf32>,
          %swap3A_1400 = vector.shape_cast %swap3A_1399 : vector<1x16xf32> to vector<16xf32>
          %swap3A_1401 = vector.shape_cast %mul3A_1396 : vector<16xf32> to vector<1x16xf32>
          tpu.vector_store %arg20[%swap3A_1397, %swap3A_1398], %swap3A_1401 {strides = array<i32>} : memref<256x128xf32, #tpu.memory_space<vmem>>, vector<1x16xf32>,
          %get3A_1402 = arith.index_cast %add3A_1346 : i32 to index
          %get3A_1403 = arith.constant 80 : index
          %get3A_1404 = tpu.vector_load %arg20[%get3A_1402, %get3A_1403] {strides = array<i32>} : memref<256x128xf32, #tpu.memory_space<vmem>>, vector<1x16xf32>,
          %get3A_1405 = vector.shape_cast %get3A_1404 : vector<1x16xf32> to vector<16xf32>
          %mul3A_1406 = vector.broadcast %squeeze3A_1341 : f32 to vector<16xf32>
          %mul3A_1407 = arith.mulf %get3A_1405, %mul3A_1406 : vector<16xf32>
          %swap3A_1408 = arith.index_cast %add3A_1346 : i32 to index
          %swap3A_1409 = arith.constant 80 : index
          %swap3A_1410 = tpu.vector_load %arg20[%swap3A_1408, %swap3A_1409] {strides = array<i32>} : memref<256x128xf32, #tpu.memory_space<vmem>>, vector<1x16xf32>,
          %swap3A_1411 = vector.shape_cast %swap3A_1410 : vector<1x16xf32> to vector<16xf32>
          %swap3A_1412 = vector.shape_cast %mul3A_1407 : vector<16xf32> to vector<1x16xf32>
          tpu.vector_store %arg20[%swap3A_1408, %swap3A_1409], %swap3A_1412 {strides = array<i32>} : memref<256x128xf32, #tpu.memory_space<vmem>>, vector<1x16xf32>,
          %get3A_1413 = arith.index_cast %add3A_1346 : i32 to index
          %get3A_1414 = arith.constant 96 : index
          %get3A_1415 = tpu.vector_load %arg20[%get3A_1413, %get3A_1414] {strides = array<i32>} : memref<256x128xf32, #tpu.memory_space<vmem>>, vector<1x16xf32>,
          %get3A_1416 = vector.shape_cast %get3A_1415 : vector<1x16xf32> to vector<16xf32>
          %mul3A_1417 = vector.broadcast %squeeze3A_1341 : f32 to vector<16xf32>
          %mul3A_1418 = arith.mulf %get3A_1416, %mul3A_1417 : vector<16xf32>
          %swap3A_1419 = arith.index_cast %add3A_1346 : i32 to index
          %swap3A_1420 = arith.constant 96 : index
          %swap3A_1421 = tpu.vector_load %arg20[%swap3A_1419, %swap3A_1420] {strides = array<i32>} : memref<256x128xf32, #tpu.memory_space<vmem>>, vector<1x16xf32>,
          %swap3A_1422 = vector.shape_cast %swap3A_1421 : vector<1x16xf32> to vector<16xf32>
          %swap3A_1423 = vector.shape_cast %mul3A_1418 : vector<16xf32> to vector<1x16xf32>
          tpu.vector_store %arg20[%swap3A_1419, %swap3A_1420], %swap3A_1423 {strides = array<i32>} : memref<256x128xf32, #tpu.memory_space<vmem>>, vector<1x16xf32>,
          %get3A_1424 = arith.index_cast %add3A_1346 : i32 to index
          %get3A_1425 = arith.constant 112 : index
          %get3A_1426 = tpu.vector_load %arg20[%get3A_1424, %get3A_1425] {strides = array<i32>} : memref<256x128xf32, #tpu.memory_space<vmem>>, vector<1x16xf32>,
          %get3A_1427 = vector.shape_cast %get3A_1426 : vector<1x16xf32> to vector<16xf32>
          %mul3A_1428 = vector.broadcast %squeeze3A_1341 : f32 to vector<16xf32>
          %mul3A_1429 = arith.mulf %get3A_1427, %mul3A_1428 : vector<16xf32>
          %swap3A_1430 = arith.index_cast %add3A_1346 : i32 to index
          %swap3A_1431 = arith.constant 112 : index
          %swap3A_1432 = tpu.vector_load %arg20[%swap3A_1430, %swap3A_1431] {strides = array<i32>} : memref<256x128xf32, #tpu.memory_space<vmem>>, vector<1x16xf32>,
          %swap3A_1433 = vector.shape_cast %swap3A_1432 : vector<1x16xf32> to vector<16xf32>
          %swap3A_1434 = vector.shape_cast %mul3A_1429 : vector<16xf32> to vector<1x16xf32>
          tpu.vector_store %arg20[%swap3A_1430, %swap3A_1431], %swap3A_1434 {strides = array<i32>} : memref<256x128xf32, #tpu.memory_space<vmem>>, vector<1x16xf32>,
          %slice3A_1435 = vector.extract_strided_slice %get3A_391 {offsets = [11], sizes = [1], strides = [1]} : vector<16xf32> to vector<1xf32>
          %squeeze3A_1436 = vector.extract %slice3A_1435[0] : f32 from vector<1xf32>
          %mul3A_1437 = arith.constant 16 : i32
          %mul3A_1438 = arith.muli %scan3A_385, %mul3A_1437 : i32
          %add3A_1439 = arith.addi %multiple_of3A, %mul3A_1438 : i32
          %add3A_1440 = arith.constant 11 : i32
          %add3A_1441 = arith.addi %add3A_1439, %add3A_1440 : i32
          %get3A_1442 = arith.index_cast %add3A_1441 : i32 to index
          %get3A_1443 = arith.constant 0 : index
          %get3A_1444 = tpu.vector_load %arg20[%get3A_1442, %get3A_1443] {strides = array<i32>} : memref<256x128xf32, #tpu.memory_space<vmem>>, vector<1x16xf32>,
          %get3A_1445 = vector.shape_cast %get3A_1444 : vector<1x16xf32> to vector<16xf32>
          %mul3A_1446 = vector.broadcast %squeeze3A_1436 : f32 to vector<16xf32>
          %mul3A_1447 = arith.mulf %get3A_1445, %mul3A_1446 : vector<16xf32>
          %swap3A_1448 = arith.index_cast %add3A_1441 : i32 to index
          %swap3A_1449 = arith.constant 0 : index
          %swap3A_1450 = tpu.vector_load %arg20[%swap3A_1448, %swap3A_1449] {strides = array<i32>} : memref<256x128xf32, #tpu.memory_space<vmem>>, vector<1x16xf32>,
          %swap3A_1451 = vector.shape_cast %swap3A_1450 : vector<1x16xf32> to vector<16xf32>
          %swap3A_1452 = vector.shape_cast %mul3A_1447 : vector<16xf32> to vector<1x16xf32>
          tpu.vector_store %arg20[%swap3A_1448, %swap3A_1449], %swap3A_1452 {strides = array<i32>} : memref<256x128xf32, #tpu.memory_space<vmem>>, vector<1x16xf32>,
          %get3A_1453 = arith.index_cast %add3A_1441 : i32 to index
          %get3A_1454 = arith.constant 16 : index
          %get3A_1455 = tpu.vector_load %arg20[%get3A_1453, %get3A_1454] {strides = array<i32>} : memref<256x128xf32, #tpu.memory_space<vmem>>, vector<1x16xf32>,
          %get3A_1456 = vector.shape_cast %get3A_1455 : vector<1x16xf32> to vector<16xf32>
          %mul3A_1457 = vector.broadcast %squeeze3A_1436 : f32 to vector<16xf32>
          %mul3A_1458 = arith.mulf %get3A_1456, %mul3A_1457 : vector<16xf32>
          %swap3A_1459 = arith.index_cast %add3A_1441 : i32 to index
          %swap3A_1460 = arith.constant 16 : index
          %swap3A_1461 = tpu.vector_load %arg20[%swap3A_1459, %swap3A_1460] {strides = array<i32>} : memref<256x128xf32, #tpu.memory_space<vmem>>, vector<1x16xf32>,
          %swap3A_1462 = vector.shape_cast %swap3A_1461 : vector<1x16xf32> to vector<16xf32>
          %swap3A_1463 = vector.shape_cast %mul3A_1458 : vector<16xf32> to vector<1x16xf32>
          tpu.vector_store %arg20[%swap3A_1459, %swap3A_1460], %swap3A_1463 {strides = array<i32>} : memref<256x128xf32, #tpu.memory_space<vmem>>, vector<1x16xf32>,
          %get3A_1464 = arith.index_cast %add3A_1441 : i32 to index
          %get3A_1465 = arith.constant 32 : index
          %get3A_1466 = tpu.vector_load %arg20[%get3A_1464, %get3A_1465] {strides = array<i32>} : memref<256x128xf32, #tpu.memory_space<vmem>>, vector<1x16xf32>,
          %get3A_1467 = vector.shape_cast %get3A_1466 : vector<1x16xf32> to vector<16xf32>
          %mul3A_1468 = vector.broadcast %squeeze3A_1436 : f32 to vector<16xf32>
          %mul3A_1469 = arith.mulf %get3A_1467, %mul3A_1468 : vector<16xf32>
          %swap3A_1470 = arith.index_cast %add3A_1441 : i32 to index
          %swap3A_1471 = arith.constant 32 : index
          %swap3A_1472 = tpu.vector_load %arg20[%swap3A_1470, %swap3A_1471] {strides = array<i32>} : memref<256x128xf32, #tpu.memory_space<vmem>>, vector<1x16xf32>,
          %swap3A_1473 = vector.shape_cast %swap3A_1472 : vector<1x16xf32> to vector<16xf32>
          %swap3A_1474 = vector.shape_cast %mul3A_1469 : vector<16xf32> to vector<1x16xf32>
          tpu.vector_store %arg20[%swap3A_1470, %swap3A_1471], %swap3A_1474 {strides = array<i32>} : memref<256x128xf32, #tpu.memory_space<vmem>>, vector<1x16xf32>,
          %get3A_1475 = arith.index_cast %add3A_1441 : i32 to index
          %get3A_1476 = arith.constant 48 : index
          %get3A_1477 = tpu.vector_load %arg20[%get3A_1475, %get3A_1476] {strides = array<i32>} : memref<256x128xf32, #tpu.memory_space<vmem>>, vector<1x16xf32>,
          %get3A_1478 = vector.shape_cast %get3A_1477 : vector<1x16xf32> to vector<16xf32>
          %mul3A_1479 = vector.broadcast %squeeze3A_1436 : f32 to vector<16xf32>
          %mul3A_1480 = arith.mulf %get3A_1478, %mul3A_1479 : vector<16xf32>
          %swap3A_1481 = arith.index_cast %add3A_1441 : i32 to index
          %swap3A_1482 = arith.constant 48 : index
          %swap3A_1483 = tpu.vector_load %arg20[%swap3A_1481, %swap3A_1482] {strides = array<i32>} : memref<256x128xf32, #tpu.memory_space<vmem>>, vector<1x16xf32>,
          %swap3A_1484 = vector.shape_cast %swap3A_1483 : vector<1x16xf32> to vector<16xf32>
          %swap3A_1485 = vector.shape_cast %mul3A_1480 : vector<16xf32> to vector<1x16xf32>
          tpu.vector_store %arg20[%swap3A_1481, %swap3A_1482], %swap3A_1485 {strides = array<i32>} : memref<256x128xf32, #tpu.memory_space<vmem>>, vector<1x16xf32>,
          %get3A_1486 = arith.index_cast %add3A_1441 : i32 to index
          %get3A_1487 = arith.constant 64 : index
          %get3A_1488 = tpu.vector_load %arg20[%get3A_1486, %get3A_1487] {strides = array<i32>} : memref<256x128xf32, #tpu.memory_space<vmem>>, vector<1x16xf32>,
          %get3A_1489 = vector.shape_cast %get3A_1488 : vector<1x16xf32> to vector<16xf32>
          %mul3A_1490 = vector.broadcast %squeeze3A_1436 : f32 to vector<16xf32>
          %mul3A_1491 = arith.mulf %get3A_1489, %mul3A_1490 : vector<16xf32>
          %swap3A_1492 = arith.index_cast %add3A_1441 : i32 to index
          %swap3A_1493 = arith.constant 64 : index
          %swap3A_1494 = tpu.vector_load %arg20[%swap3A_1492, %swap3A_1493] {strides = array<i32>} : memref<256x128xf32, #tpu.memory_space<vmem>>, vector<1x16xf32>,
          %swap3A_1495 = vector.shape_cast %swap3A_1494 : vector<1x16xf32> to vector<16xf32>
          %swap3A_1496 = vector.shape_cast %mul3A_1491 : vector<16xf32> to vector<1x16xf32>
          tpu.vector_store %arg20[%swap3A_1492, %swap3A_1493], %swap3A_1496 {strides = array<i32>} : memref<256x128xf32, #tpu.memory_space<vmem>>, vector<1x16xf32>,
          %get3A_1497 = arith.index_cast %add3A_1441 : i32 to index
          %get3A_1498 = arith.constant 80 : index
          %get3A_1499 = tpu.vector_load %arg20[%get3A_1497, %get3A_1498] {strides = array<i32>} : memref<256x128xf32, #tpu.memory_space<vmem>>, vector<1x16xf32>,
          %get3A_1500 = vector.shape_cast %get3A_1499 : vector<1x16xf32> to vector<16xf32>
          %mul3A_1501 = vector.broadcast %squeeze3A_1436 : f32 to vector<16xf32>
          %mul3A_1502 = arith.mulf %get3A_1500, %mul3A_1501 : vector<16xf32>
          %swap3A_1503 = arith.index_cast %add3A_1441 : i32 to index
          %swap3A_1504 = arith.constant 80 : index
          %swap3A_1505 = tpu.vector_load %arg20[%swap3A_1503, %swap3A_1504] {strides = array<i32>} : memref<256x128xf32, #tpu.memory_space<vmem>>, vector<1x16xf32>,
          %swap3A_1506 = vector.shape_cast %swap3A_1505 : vector<1x16xf32> to vector<16xf32>
          %swap3A_1507 = vector.shape_cast %mul3A_1502 : vector<16xf32> to vector<1x16xf32>
          tpu.vector_store %arg20[%swap3A_1503, %swap3A_1504], %swap3A_1507 {strides = array<i32>} : memref<256x128xf32, #tpu.memory_space<vmem>>, vector<1x16xf32>,
          %get3A_1508 = arith.index_cast %add3A_1441 : i32 to index
          %get3A_1509 = arith.constant 96 : index
          %get3A_1510 = tpu.vector_load %arg20[%get3A_1508, %get3A_1509] {strides = array<i32>} : memref<256x128xf32, #tpu.memory_space<vmem>>, vector<1x16xf32>,
          %get3A_1511 = vector.shape_cast %get3A_1510 : vector<1x16xf32> to vector<16xf32>
          %mul3A_1512 = vector.broadcast %squeeze3A_1436 : f32 to vector<16xf32>
          %mul3A_1513 = arith.mulf %get3A_1511, %mul3A_1512 : vector<16xf32>
          %swap3A_1514 = arith.index_cast %add3A_1441 : i32 to index
          %swap3A_1515 = arith.constant 96 : index
          %swap3A_1516 = tpu.vector_load %arg20[%swap3A_1514, %swap3A_1515] {strides = array<i32>} : memref<256x128xf32, #tpu.memory_space<vmem>>, vector<1x16xf32>,
          %swap3A_1517 = vector.shape_cast %swap3A_1516 : vector<1x16xf32> to vector<16xf32>
          %swap3A_1518 = vector.shape_cast %mul3A_1513 : vector<16xf32> to vector<1x16xf32>
          tpu.vector_store %arg20[%swap3A_1514, %swap3A_1515], %swap3A_1518 {strides = array<i32>} : memref<256x128xf32, #tpu.memory_space<vmem>>, vector<1x16xf32>,
          %get3A_1519 = arith.index_cast %add3A_1441 : i32 to index
          %get3A_1520 = arith.constant 112 : index
          %get3A_1521 = tpu.vector_load %arg20[%get3A_1519, %get3A_1520] {strides = array<i32>} : memref<256x128xf32, #tpu.memory_space<vmem>>, vector<1x16xf32>,
          %get3A_1522 = vector.shape_cast %get3A_1521 : vector<1x16xf32> to vector<16xf32>
          %mul3A_1523 = vector.broadcast %squeeze3A_1436 : f32 to vector<16xf32>
          %mul3A_1524 = arith.mulf %get3A_1522, %mul3A_1523 : vector<16xf32>
          %swap3A_1525 = arith.index_cast %add3A_1441 : i32 to index
          %swap3A_1526 = arith.constant 112 : index
          %swap3A_1527 = tpu.vector_load %arg20[%swap3A_1525, %swap3A_1526] {strides = array<i32>} : memref<256x128xf32, #tpu.memory_space<vmem>>, vector<1x16xf32>,
          %swap3A_1528 = vector.shape_cast %swap3A_1527 : vector<1x16xf32> to vector<16xf32>
          %swap3A_1529 = vector.shape_cast %mul3A_1524 : vector<16xf32> to vector<1x16xf32>
          tpu.vector_store %arg20[%swap3A_1525, %swap3A_1526], %swap3A_1529 {strides = array<i32>} : memref<256x128xf32, #tpu.memory_space<vmem>>, vector<1x16xf32>,
          %slice3A_1530 = vector.extract_strided_slice %get3A_391 {offsets = [12], sizes = [1], strides = [1]} : vector<16xf32> to vector<1xf32>
          %squeeze3A_1531 = vector.extract %slice3A_1530[0] : f32 from vector<1xf32>
          %mul3A_1532 = arith.constant 16 : i32
          %mul3A_1533 = arith.muli %scan3A_385, %mul3A_1532 : i32
          %add3A_1534 = arith.addi %multiple_of3A, %mul3A_1533 : i32
          %add3A_1535 = arith.constant 12 : i32
          %add3A_1536 = arith.addi %add3A_1534, %add3A_1535 : i32
          %get3A_1537 = arith.index_cast %add3A_1536 : i32 to index
          %get3A_1538 = arith.constant 0 : index
          %get3A_1539 = tpu.vector_load %arg20[%get3A_1537, %get3A_1538] {strides = array<i32>} : memref<256x128xf32, #tpu.memory_space<vmem>>, vector<1x16xf32>,
          %get3A_1540 = vector.shape_cast %get3A_1539 : vector<1x16xf32> to vector<16xf32>
          %mul3A_1541 = vector.broadcast %squeeze3A_1531 : f32 to vector<16xf32>
          %mul3A_1542 = arith.mulf %get3A_1540, %mul3A_1541 : vector<16xf32>
          %swap3A_1543 = arith.index_cast %add3A_1536 : i32 to index
          %swap3A_1544 = arith.constant 0 : index
          %swap3A_1545 = tpu.vector_load %arg20[%swap3A_1543, %swap3A_1544] {strides = array<i32>} : memref<256x128xf32, #tpu.memory_space<vmem>>, vector<1x16xf32>,
          %swap3A_1546 = vector.shape_cast %swap3A_1545 : vector<1x16xf32> to vector<16xf32>
          %swap3A_1547 = vector.shape_cast %mul3A_1542 : vector<16xf32> to vector<1x16xf32>
          tpu.vector_store %arg20[%swap3A_1543, %swap3A_1544], %swap3A_1547 {strides = array<i32>} : memref<256x128xf32, #tpu.memory_space<vmem>>, vector<1x16xf32>,
          %get3A_1548 = arith.index_cast %add3A_1536 : i32 to index
          %get3A_1549 = arith.constant 16 : index
          %get3A_1550 = tpu.vector_load %arg20[%get3A_1548, %get3A_1549] {strides = array<i32>} : memref<256x128xf32, #tpu.memory_space<vmem>>, vector<1x16xf32>,
          %get3A_1551 = vector.shape_cast %get3A_1550 : vector<1x16xf32> to vector<16xf32>
          %mul3A_1552 = vector.broadcast %squeeze3A_1531 : f32 to vector<16xf32>
          %mul3A_1553 = arith.mulf %get3A_1551, %mul3A_1552 : vector<16xf32>
          %swap3A_1554 = arith.index_cast %add3A_1536 : i32 to index
          %swap3A_1555 = arith.constant 16 : index
          %swap3A_1556 = tpu.vector_load %arg20[%swap3A_1554, %swap3A_1555] {strides = array<i32>} : memref<256x128xf32, #tpu.memory_space<vmem>>, vector<1x16xf32>,
          %swap3A_1557 = vector.shape_cast %swap3A_1556 : vector<1x16xf32> to vector<16xf32>
          %swap3A_1558 = vector.shape_cast %mul3A_1553 : vector<16xf32> to vector<1x16xf32>
          tpu.vector_store %arg20[%swap3A_1554, %swap3A_1555], %swap3A_1558 {strides = array<i32>} : memref<256x128xf32, #tpu.memory_space<vmem>>, vector<1x16xf32>,
          %get3A_1559 = arith.index_cast %add3A_1536 : i32 to index
          %get3A_1560 = arith.constant 32 : index
          %get3A_1561 = tpu.vector_load %arg20[%get3A_1559, %get3A_1560] {strides = array<i32>} : memref<256x128xf32, #tpu.memory_space<vmem>>, vector<1x16xf32>,
          %get3A_1562 = vector.shape_cast %get3A_1561 : vector<1x16xf32> to vector<16xf32>
          %mul3A_1563 = vector.broadcast %squeeze3A_1531 : f32 to vector<16xf32>
          %mul3A_1564 = arith.mulf %get3A_1562, %mul3A_1563 : vector<16xf32>
          %swap3A_1565 = arith.index_cast %add3A_1536 : i32 to index
          %swap3A_1566 = arith.constant 32 : index
          %swap3A_1567 = tpu.vector_load %arg20[%swap3A_1565, %swap3A_1566] {strides = array<i32>} : memref<256x128xf32, #tpu.memory_space<vmem>>, vector<1x16xf32>,
          %swap3A_1568 = vector.shape_cast %swap3A_1567 : vector<1x16xf32> to vector<16xf32>
          %swap3A_1569 = vector.shape_cast %mul3A_1564 : vector<16xf32> to vector<1x16xf32>
          tpu.vector_store %arg20[%swap3A_1565, %swap3A_1566], %swap3A_1569 {strides = array<i32>} : memref<256x128xf32, #tpu.memory_space<vmem>>, vector<1x16xf32>,
          %get3A_1570 = arith.index_cast %add3A_1536 : i32 to index
          %get3A_1571 = arith.constant 48 : index
          %get3A_1572 = tpu.vector_load %arg20[%get3A_1570, %get3A_1571] {strides = array<i32>} : memref<256x128xf32, #tpu.memory_space<vmem>>, vector<1x16xf32>,
          %get3A_1573 = vector.shape_cast %get3A_1572 : vector<1x16xf32> to vector<16xf32>
          %mul3A_1574 = vector.broadcast %squeeze3A_1531 : f32 to vector<16xf32>
          %mul3A_1575 = arith.mulf %get3A_1573, %mul3A_1574 : vector<16xf32>
          %swap3A_1576 = arith.index_cast %add3A_1536 : i32 to index
          %swap3A_1577 = arith.constant 48 : index
          %swap3A_1578 = tpu.vector_load %arg20[%swap3A_1576, %swap3A_1577] {strides = array<i32>} : memref<256x128xf32, #tpu.memory_space<vmem>>, vector<1x16xf32>,
          %swap3A_1579 = vector.shape_cast %swap3A_1578 : vector<1x16xf32> to vector<16xf32>
          %swap3A_1580 = vector.shape_cast %mul3A_1575 : vector<16xf32> to vector<1x16xf32>
          tpu.vector_store %arg20[%swap3A_1576, %swap3A_1577], %swap3A_1580 {strides = array<i32>} : memref<256x128xf32, #tpu.memory_space<vmem>>, vector<1x16xf32>,
          %get3A_1581 = arith.index_cast %add3A_1536 : i32 to index
          %get3A_1582 = arith.constant 64 : index
          %get3A_1583 = tpu.vector_load %arg20[%get3A_1581, %get3A_1582] {strides = array<i32>} : memref<256x128xf32, #tpu.memory_space<vmem>>, vector<1x16xf32>,
          %get3A_1584 = vector.shape_cast %get3A_1583 : vector<1x16xf32> to vector<16xf32>
          %mul3A_1585 = vector.broadcast %squeeze3A_1531 : f32 to vector<16xf32>
          %mul3A_1586 = arith.mulf %get3A_1584, %mul3A_1585 : vector<16xf32>
          %swap3A_1587 = arith.index_cast %add3A_1536 : i32 to index
          %swap3A_1588 = arith.constant 64 : index
          %swap3A_1589 = tpu.vector_load %arg20[%swap3A_1587, %swap3A_1588] {strides = array<i32>} : memref<256x128xf32, #tpu.memory_space<vmem>>, vector<1x16xf32>,
          %swap3A_1590 = vector.shape_cast %swap3A_1589 : vector<1x16xf32> to vector<16xf32>
          %swap3A_1591 = vector.shape_cast %mul3A_1586 : vector<16xf32> to vector<1x16xf32>
          tpu.vector_store %arg20[%swap3A_1587, %swap3A_1588], %swap3A_1591 {strides = array<i32>} : memref<256x128xf32, #tpu.memory_space<vmem>>, vector<1x16xf32>,
          %get3A_1592 = arith.index_cast %add3A_1536 : i32 to index
          %get3A_1593 = arith.constant 80 : index
          %get3A_1594 = tpu.vector_load %arg20[%get3A_1592, %get3A_1593] {strides = array<i32>} : memref<256x128xf32, #tpu.memory_space<vmem>>, vector<1x16xf32>,
          %get3A_1595 = vector.shape_cast %get3A_1594 : vector<1x16xf32> to vector<16xf32>
          %mul3A_1596 = vector.broadcast %squeeze3A_1531 : f32 to vector<16xf32>
          %mul3A_1597 = arith.mulf %get3A_1595, %mul3A_1596 : vector<16xf32>
          %swap3A_1598 = arith.index_cast %add3A_1536 : i32 to index
          %swap3A_1599 = arith.constant 80 : index
          %swap3A_1600 = tpu.vector_load %arg20[%swap3A_1598, %swap3A_1599] {strides = array<i32>} : memref<256x128xf32, #tpu.memory_space<vmem>>, vector<1x16xf32>,
          %swap3A_1601 = vector.shape_cast %swap3A_1600 : vector<1x16xf32> to vector<16xf32>
          %swap3A_1602 = vector.shape_cast %mul3A_1597 : vector<16xf32> to vector<1x16xf32>
          tpu.vector_store %arg20[%swap3A_1598, %swap3A_1599], %swap3A_1602 {strides = array<i32>} : memref<256x128xf32, #tpu.memory_space<vmem>>, vector<1x16xf32>,
          %get3A_1603 = arith.index_cast %add3A_1536 : i32 to index
          %get3A_1604 = arith.constant 96 : index
          %get3A_1605 = tpu.vector_load %arg20[%get3A_1603, %get3A_1604] {strides = array<i32>} : memref<256x128xf32, #tpu.memory_space<vmem>>, vector<1x16xf32>,
          %get3A_1606 = vector.shape_cast %get3A_1605 : vector<1x16xf32> to vector<16xf32>
          %mul3A_1607 = vector.broadcast %squeeze3A_1531 : f32 to vector<16xf32>
          %mul3A_1608 = arith.mulf %get3A_1606, %mul3A_1607 : vector<16xf32>
          %swap3A_1609 = arith.index_cast %add3A_1536 : i32 to index
          %swap3A_1610 = arith.constant 96 : index
          %swap3A_1611 = tpu.vector_load %arg20[%swap3A_1609, %swap3A_1610] {strides = array<i32>} : memref<256x128xf32, #tpu.memory_space<vmem>>, vector<1x16xf32>,
          %swap3A_1612 = vector.shape_cast %swap3A_1611 : vector<1x16xf32> to vector<16xf32>
          %swap3A_1613 = vector.shape_cast %mul3A_1608 : vector<16xf32> to vector<1x16xf32>
          tpu.vector_store %arg20[%swap3A_1609, %swap3A_1610], %swap3A_1613 {strides = array<i32>} : memref<256x128xf32, #tpu.memory_space<vmem>>, vector<1x16xf32>,
          %get3A_1614 = arith.index_cast %add3A_1536 : i32 to index
          %get3A_1615 = arith.constant 112 : index
          %get3A_1616 = tpu.vector_load %arg20[%get3A_1614, %get3A_1615] {strides = array<i32>} : memref<256x128xf32, #tpu.memory_space<vmem>>, vector<1x16xf32>,
          %get3A_1617 = vector.shape_cast %get3A_1616 : vector<1x16xf32> to vector<16xf32>
          %mul3A_1618 = vector.broadcast %squeeze3A_1531 : f32 to vector<16xf32>
          %mul3A_1619 = arith.mulf %get3A_1617, %mul3A_1618 : vector<16xf32>
          %swap3A_1620 = arith.index_cast %add3A_1536 : i32 to index
          %swap3A_1621 = arith.constant 112 : index
          %swap3A_1622 = tpu.vector_load %arg20[%swap3A_1620, %swap3A_1621] {strides = array<i32>} : memref<256x128xf32, #tpu.memory_space<vmem>>, vector<1x16xf32>,
          %swap3A_1623 = vector.shape_cast %swap3A_1622 : vector<1x16xf32> to vector<16xf32>
          %swap3A_1624 = vector.shape_cast %mul3A_1619 : vector<16xf32> to vector<1x16xf32>
          tpu.vector_store %arg20[%swap3A_1620, %swap3A_1621], %swap3A_1624 {strides = array<i32>} : memref<256x128xf32, #tpu.memory_space<vmem>>, vector<1x16xf32>,
          %slice3A_1625 = vector.extract_strided_slice %get3A_391 {offsets = [13], sizes = [1], strides = [1]} : vector<16xf32> to vector<1xf32>
          %squeeze3A_1626 = vector.extract %slice3A_1625[0] : f32 from vector<1xf32>
          %mul3A_1627 = arith.constant 16 : i32
          %mul3A_1628 = arith.muli %scan3A_385, %mul3A_1627 : i32
          %add3A_1629 = arith.addi %multiple_of3A, %mul3A_1628 : i32
          %add3A_1630 = arith.constant 13 : i32
          %add3A_1631 = arith.addi %add3A_1629, %add3A_1630 : i32
          %get3A_1632 = arith.index_cast %add3A_1631 : i32 to index
          %get3A_1633 = arith.constant 0 : index
          %get3A_1634 = tpu.vector_load %arg20[%get3A_1632, %get3A_1633] {strides = array<i32>} : memref<256x128xf32, #tpu.memory_space<vmem>>, vector<1x16xf32>,
          %get3A_1635 = vector.shape_cast %get3A_1634 : vector<1x16xf32> to vector<16xf32>
          %mul3A_1636 = vector.broadcast %squeeze3A_1626 : f32 to vector<16xf32>
          %mul3A_1637 = arith.mulf %get3A_1635, %mul3A_1636 : vector<16xf32>
          %swap3A_1638 = arith.index_cast %add3A_1631 : i32 to index
          %swap3A_1639 = arith.constant 0 : index
          %swap3A_1640 = tpu.vector_load %arg20[%swap3A_1638, %swap3A_1639] {strides = array<i32>} : memref<256x128xf32, #tpu.memory_space<vmem>>, vector<1x16xf32>,
          %swap3A_1641 = vector.shape_cast %swap3A_1640 : vector<1x16xf32> to vector<16xf32>
          %swap3A_1642 = vector.shape_cast %mul3A_1637 : vector<16xf32> to vector<1x16xf32>
          tpu.vector_store %arg20[%swap3A_1638, %swap3A_1639], %swap3A_1642 {strides = array<i32>} : memref<256x128xf32, #tpu.memory_space<vmem>>, vector<1x16xf32>,
          %get3A_1643 = arith.index_cast %add3A_1631 : i32 to index
          %get3A_1644 = arith.constant 16 : index
          %get3A_1645 = tpu.vector_load %arg20[%get3A_1643, %get3A_1644] {strides = array<i32>} : memref<256x128xf32, #tpu.memory_space<vmem>>, vector<1x16xf32>,
          %get3A_1646 = vector.shape_cast %get3A_1645 : vector<1x16xf32> to vector<16xf32>
          %mul3A_1647 = vector.broadcast %squeeze3A_1626 : f32 to vector<16xf32>
          %mul3A_1648 = arith.mulf %get3A_1646, %mul3A_1647 : vector<16xf32>
          %swap3A_1649 = arith.index_cast %add3A_1631 : i32 to index
          %swap3A_1650 = arith.constant 16 : index
          %swap3A_1651 = tpu.vector_load %arg20[%swap3A_1649, %swap3A_1650] {strides = array<i32>} : memref<256x128xf32, #tpu.memory_space<vmem>>, vector<1x16xf32>,
          %swap3A_1652 = vector.shape_cast %swap3A_1651 : vector<1x16xf32> to vector<16xf32>
          %swap3A_1653 = vector.shape_cast %mul3A_1648 : vector<16xf32> to vector<1x16xf32>
          tpu.vector_store %arg20[%swap3A_1649, %swap3A_1650], %swap3A_1653 {strides = array<i32>} : memref<256x128xf32, #tpu.memory_space<vmem>>, vector<1x16xf32>,
          %get3A_1654 = arith.index_cast %add3A_1631 : i32 to index
          %get3A_1655 = arith.constant 32 : index
          %get3A_1656 = tpu.vector_load %arg20[%get3A_1654, %get3A_1655] {strides = array<i32>} : memref<256x128xf32, #tpu.memory_space<vmem>>, vector<1x16xf32>,
          %get3A_1657 = vector.shape_cast %get3A_1656 : vector<1x16xf32> to vector<16xf32>
          %mul3A_1658 = vector.broadcast %squeeze3A_1626 : f32 to vector<16xf32>
          %mul3A_1659 = arith.mulf %get3A_1657, %mul3A_1658 : vector<16xf32>
          %swap3A_1660 = arith.index_cast %add3A_1631 : i32 to index
          %swap3A_1661 = arith.constant 32 : index
          %swap3A_1662 = tpu.vector_load %arg20[%swap3A_1660, %swap3A_1661] {strides = array<i32>} : memref<256x128xf32, #tpu.memory_space<vmem>>, vector<1x16xf32>,
          %swap3A_1663 = vector.shape_cast %swap3A_1662 : vector<1x16xf32> to vector<16xf32>
          %swap3A_1664 = vector.shape_cast %mul3A_1659 : vector<16xf32> to vector<1x16xf32>
          tpu.vector_store %arg20[%swap3A_1660, %swap3A_1661], %swap3A_1664 {strides = array<i32>} : memref<256x128xf32, #tpu.memory_space<vmem>>, vector<1x16xf32>,
          %get3A_1665 = arith.index_cast %add3A_1631 : i32 to index
          %get3A_1666 = arith.constant 48 : index
          %get3A_1667 = tpu.vector_load %arg20[%get3A_1665, %get3A_1666] {strides = array<i32>} : memref<256x128xf32, #tpu.memory_space<vmem>>, vector<1x16xf32>,
          %get3A_1668 = vector.shape_cast %get3A_1667 : vector<1x16xf32> to vector<16xf32>
          %mul3A_1669 = vector.broadcast %squeeze3A_1626 : f32 to vector<16xf32>
          %mul3A_1670 = arith.mulf %get3A_1668, %mul3A_1669 : vector<16xf32>
          %swap3A_1671 = arith.index_cast %add3A_1631 : i32 to index
          %swap3A_1672 = arith.constant 48 : index
          %swap3A_1673 = tpu.vector_load %arg20[%swap3A_1671, %swap3A_1672] {strides = array<i32>} : memref<256x128xf32, #tpu.memory_space<vmem>>, vector<1x16xf32>,
          %swap3A_1674 = vector.shape_cast %swap3A_1673 : vector<1x16xf32> to vector<16xf32>
          %swap3A_1675 = vector.shape_cast %mul3A_1670 : vector<16xf32> to vector<1x16xf32>
          tpu.vector_store %arg20[%swap3A_1671, %swap3A_1672], %swap3A_1675 {strides = array<i32>} : memref<256x128xf32, #tpu.memory_space<vmem>>, vector<1x16xf32>,
          %get3A_1676 = arith.index_cast %add3A_1631 : i32 to index
          %get3A_1677 = arith.constant 64 : index
          %get3A_1678 = tpu.vector_load %arg20[%get3A_1676, %get3A_1677] {strides = array<i32>} : memref<256x128xf32, #tpu.memory_space<vmem>>, vector<1x16xf32>,
          %get3A_1679 = vector.shape_cast %get3A_1678 : vector<1x16xf32> to vector<16xf32>
          %mul3A_1680 = vector.broadcast %squeeze3A_1626 : f32 to vector<16xf32>
          %mul3A_1681 = arith.mulf %get3A_1679, %mul3A_1680 : vector<16xf32>
          %swap3A_1682 = arith.index_cast %add3A_1631 : i32 to index
          %swap3A_1683 = arith.constant 64 : index
          %swap3A_1684 = tpu.vector_load %arg20[%swap3A_1682, %swap3A_1683] {strides = array<i32>} : memref<256x128xf32, #tpu.memory_space<vmem>>, vector<1x16xf32>,
          %swap3A_1685 = vector.shape_cast %swap3A_1684 : vector<1x16xf32> to vector<16xf32>
          %swap3A_1686 = vector.shape_cast %mul3A_1681 : vector<16xf32> to vector<1x16xf32>
          tpu.vector_store %arg20[%swap3A_1682, %swap3A_1683], %swap3A_1686 {strides = array<i32>} : memref<256x128xf32, #tpu.memory_space<vmem>>, vector<1x16xf32>,
          %get3A_1687 = arith.index_cast %add3A_1631 : i32 to index
          %get3A_1688 = arith.constant 80 : index
          %get3A_1689 = tpu.vector_load %arg20[%get3A_1687, %get3A_1688] {strides = array<i32>} : memref<256x128xf32, #tpu.memory_space<vmem>>, vector<1x16xf32>,
          %get3A_1690 = vector.shape_cast %get3A_1689 : vector<1x16xf32> to vector<16xf32>
          %mul3A_1691 = vector.broadcast %squeeze3A_1626 : f32 to vector<16xf32>
          %mul3A_1692 = arith.mulf %get3A_1690, %mul3A_1691 : vector<16xf32>
          %swap3A_1693 = arith.index_cast %add3A_1631 : i32 to index
          %swap3A_1694 = arith.constant 80 : index
          %swap3A_1695 = tpu.vector_load %arg20[%swap3A_1693, %swap3A_1694] {strides = array<i32>} : memref<256x128xf32, #tpu.memory_space<vmem>>, vector<1x16xf32>,
          %swap3A_1696 = vector.shape_cast %swap3A_1695 : vector<1x16xf32> to vector<16xf32>
          %swap3A_1697 = vector.shape_cast %mul3A_1692 : vector<16xf32> to vector<1x16xf32>
          tpu.vector_store %arg20[%swap3A_1693, %swap3A_1694], %swap3A_1697 {strides = array<i32>} : memref<256x128xf32, #tpu.memory_space<vmem>>, vector<1x16xf32>,
          %get3A_1698 = arith.index_cast %add3A_1631 : i32 to index
          %get3A_1699 = arith.constant 96 : index
          %get3A_1700 = tpu.vector_load %arg20[%get3A_1698, %get3A_1699] {strides = array<i32>} : memref<256x128xf32, #tpu.memory_space<vmem>>, vector<1x16xf32>,
          %get3A_1701 = vector.shape_cast %get3A_1700 : vector<1x16xf32> to vector<16xf32>
          %mul3A_1702 = vector.broadcast %squeeze3A_1626 : f32 to vector<16xf32>
          %mul3A_1703 = arith.mulf %get3A_1701, %mul3A_1702 : vector<16xf32>
          %swap3A_1704 = arith.index_cast %add3A_1631 : i32 to index
          %swap3A_1705 = arith.constant 96 : index
          %swap3A_1706 = tpu.vector_load %arg20[%swap3A_1704, %swap3A_1705] {strides = array<i32>} : memref<256x128xf32, #tpu.memory_space<vmem>>, vector<1x16xf32>,
          %swap3A_1707 = vector.shape_cast %swap3A_1706 : vector<1x16xf32> to vector<16xf32>
          %swap3A_1708 = vector.shape_cast %mul3A_1703 : vector<16xf32> to vector<1x16xf32>
          tpu.vector_store %arg20[%swap3A_1704, %swap3A_1705], %swap3A_1708 {strides = array<i32>} : memref<256x128xf32, #tpu.memory_space<vmem>>, vector<1x16xf32>,
          %get3A_1709 = arith.index_cast %add3A_1631 : i32 to index
          %get3A_1710 = arith.constant 112 : index
          %get3A_1711 = tpu.vector_load %arg20[%get3A_1709, %get3A_1710] {strides = array<i32>} : memref<256x128xf32, #tpu.memory_space<vmem>>, vector<1x16xf32>,
          %get3A_1712 = vector.shape_cast %get3A_1711 : vector<1x16xf32> to vector<16xf32>
          %mul3A_1713 = vector.broadcast %squeeze3A_1626 : f32 to vector<16xf32>
          %mul3A_1714 = arith.mulf %get3A_1712, %mul3A_1713 : vector<16xf32>
          %swap3A_1715 = arith.index_cast %add3A_1631 : i32 to index
          %swap3A_1716 = arith.constant 112 : index
          %swap3A_1717 = tpu.vector_load %arg20[%swap3A_1715, %swap3A_1716] {strides = array<i32>} : memref<256x128xf32, #tpu.memory_space<vmem>>, vector<1x16xf32>,
          %swap3A_1718 = vector.shape_cast %swap3A_1717 : vector<1x16xf32> to vector<16xf32>
          %swap3A_1719 = vector.shape_cast %mul3A_1714 : vector<16xf32> to vector<1x16xf32>
          tpu.vector_store %arg20[%swap3A_1715, %swap3A_1716], %swap3A_1719 {strides = array<i32>} : memref<256x128xf32, #tpu.memory_space<vmem>>, vector<1x16xf32>,
          %slice3A_1720 = vector.extract_strided_slice %get3A_391 {offsets = [14], sizes = [1], strides = [1]} : vector<16xf32> to vector<1xf32>
          %squeeze3A_1721 = vector.extract %slice3A_1720[0] : f32 from vector<1xf32>
          %mul3A_1722 = arith.constant 16 : i32
          %mul3A_1723 = arith.muli %scan3A_385, %mul3A_1722 : i32
          %add3A_1724 = arith.addi %multiple_of3A, %mul3A_1723 : i32
          %add3A_1725 = arith.constant 14 : i32
          %add3A_1726 = arith.addi %add3A_1724, %add3A_1725 : i32
          %get3A_1727 = arith.index_cast %add3A_1726 : i32 to index
          %get3A_1728 = arith.constant 0 : index
          %get3A_1729 = tpu.vector_load %arg20[%get3A_1727, %get3A_1728] {strides = array<i32>} : memref<256x128xf32, #tpu.memory_space<vmem>>, vector<1x16xf32>,
          %get3A_1730 = vector.shape_cast %get3A_1729 : vector<1x16xf32> to vector<16xf32>
          %mul3A_1731 = vector.broadcast %squeeze3A_1721 : f32 to vector<16xf32>
          %mul3A_1732 = arith.mulf %get3A_1730, %mul3A_1731 : vector<16xf32>
          %swap3A_1733 = arith.index_cast %add3A_1726 : i32 to index
          %swap3A_1734 = arith.constant 0 : index
          %swap3A_1735 = tpu.vector_load %arg20[%swap3A_1733, %swap3A_1734] {strides = array<i32>} : memref<256x128xf32, #tpu.memory_space<vmem>>, vector<1x16xf32>,
          %swap3A_1736 = vector.shape_cast %swap3A_1735 : vector<1x16xf32> to vector<16xf32>
          %swap3A_1737 = vector.shape_cast %mul3A_1732 : vector<16xf32> to vector<1x16xf32>
          tpu.vector_store %arg20[%swap3A_1733, %swap3A_1734], %swap3A_1737 {strides = array<i32>} : memref<256x128xf32, #tpu.memory_space<vmem>>, vector<1x16xf32>,
          %get3A_1738 = arith.index_cast %add3A_1726 : i32 to index
          %get3A_1739 = arith.constant 16 : index
          %get3A_1740 = tpu.vector_load %arg20[%get3A_1738, %get3A_1739] {strides = array<i32>} : memref<256x128xf32, #tpu.memory_space<vmem>>, vector<1x16xf32>,
          %get3A_1741 = vector.shape_cast %get3A_1740 : vector<1x16xf32> to vector<16xf32>
          %mul3A_1742 = vector.broadcast %squeeze3A_1721 : f32 to vector<16xf32>
          %mul3A_1743 = arith.mulf %get3A_1741, %mul3A_1742 : vector<16xf32>
          %swap3A_1744 = arith.index_cast %add3A_1726 : i32 to index
          %swap3A_1745 = arith.constant 16 : index
          %swap3A_1746 = tpu.vector_load %arg20[%swap3A_1744, %swap3A_1745] {strides = array<i32>} : memref<256x128xf32, #tpu.memory_space<vmem>>, vector<1x16xf32>,
          %swap3A_1747 = vector.shape_cast %swap3A_1746 : vector<1x16xf32> to vector<16xf32>
          %swap3A_1748 = vector.shape_cast %mul3A_1743 : vector<16xf32> to vector<1x16xf32>
          tpu.vector_store %arg20[%swap3A_1744, %swap3A_1745], %swap3A_1748 {strides = array<i32>} : memref<256x128xf32, #tpu.memory_space<vmem>>, vector<1x16xf32>,
          %get3A_1749 = arith.index_cast %add3A_1726 : i32 to index
          %get3A_1750 = arith.constant 32 : index
          %get3A_1751 = tpu.vector_load %arg20[%get3A_1749, %get3A_1750] {strides = array<i32>} : memref<256x128xf32, #tpu.memory_space<vmem>>, vector<1x16xf32>,
          %get3A_1752 = vector.shape_cast %get3A_1751 : vector<1x16xf32> to vector<16xf32>
          %mul3A_1753 = vector.broadcast %squeeze3A_1721 : f32 to vector<16xf32>
          %mul3A_1754 = arith.mulf %get3A_1752, %mul3A_1753 : vector<16xf32>
          %swap3A_1755 = arith.index_cast %add3A_1726 : i32 to index
          %swap3A_1756 = arith.constant 32 : index
          %swap3A_1757 = tpu.vector_load %arg20[%swap3A_1755, %swap3A_1756] {strides = array<i32>} : memref<256x128xf32, #tpu.memory_space<vmem>>, vector<1x16xf32>,
          %swap3A_1758 = vector.shape_cast %swap3A_1757 : vector<1x16xf32> to vector<16xf32>
          %swap3A_1759 = vector.shape_cast %mul3A_1754 : vector<16xf32> to vector<1x16xf32>
          tpu.vector_store %arg20[%swap3A_1755, %swap3A_1756], %swap3A_1759 {strides = array<i32>} : memref<256x128xf32, #tpu.memory_space<vmem>>, vector<1x16xf32>,
          %get3A_1760 = arith.index_cast %add3A_1726 : i32 to index
          %get3A_1761 = arith.constant 48 : index
          %get3A_1762 = tpu.vector_load %arg20[%get3A_1760, %get3A_1761] {strides = array<i32>} : memref<256x128xf32, #tpu.memory_space<vmem>>, vector<1x16xf32>,
          %get3A_1763 = vector.shape_cast %get3A_1762 : vector<1x16xf32> to vector<16xf32>
          %mul3A_1764 = vector.broadcast %squeeze3A_1721 : f32 to vector<16xf32>
          %mul3A_1765 = arith.mulf %get3A_1763, %mul3A_1764 : vector<16xf32>
          %swap3A_1766 = arith.index_cast %add3A_1726 : i32 to index
          %swap3A_1767 = arith.constant 48 : index
          %swap3A_1768 = tpu.vector_load %arg20[%swap3A_1766, %swap3A_1767] {strides = array<i32>} : memref<256x128xf32, #tpu.memory_space<vmem>>, vector<1x16xf32>,
          %swap3A_1769 = vector.shape_cast %swap3A_1768 : vector<1x16xf32> to vector<16xf32>
          %swap3A_1770 = vector.shape_cast %mul3A_1765 : vector<16xf32> to vector<1x16xf32>
          tpu.vector_store %arg20[%swap3A_1766, %swap3A_1767], %swap3A_1770 {strides = array<i32>} : memref<256x128xf32, #tpu.memory_space<vmem>>, vector<1x16xf32>,
          %get3A_1771 = arith.index_cast %add3A_1726 : i32 to index
          %get3A_1772 = arith.constant 64 : index
          %get3A_1773 = tpu.vector_load %arg20[%get3A_1771, %get3A_1772] {strides = array<i32>} : memref<256x128xf32, #tpu.memory_space<vmem>>, vector<1x16xf32>,
          %get3A_1774 = vector.shape_cast %get3A_1773 : vector<1x16xf32> to vector<16xf32>
          %mul3A_1775 = vector.broadcast %squeeze3A_1721 : f32 to vector<16xf32>
          %mul3A_1776 = arith.mulf %get3A_1774, %mul3A_1775 : vector<16xf32>
          %swap3A_1777 = arith.index_cast %add3A_1726 : i32 to index
          %swap3A_1778 = arith.constant 64 : index
          %swap3A_1779 = tpu.vector_load %arg20[%swap3A_1777, %swap3A_1778] {strides = array<i32>} : memref<256x128xf32, #tpu.memory_space<vmem>>, vector<1x16xf32>,
          %swap3A_1780 = vector.shape_cast %swap3A_1779 : vector<1x16xf32> to vector<16xf32>
          %swap3A_1781 = vector.shape_cast %mul3A_1776 : vector<16xf32> to vector<1x16xf32>
          tpu.vector_store %arg20[%swap3A_1777, %swap3A_1778], %swap3A_1781 {strides = array<i32>} : memref<256x128xf32, #tpu.memory_space<vmem>>, vector<1x16xf32>,
          %get3A_1782 = arith.index_cast %add3A_1726 : i32 to index
          %get3A_1783 = arith.constant 80 : index
          %get3A_1784 = tpu.vector_load %arg20[%get3A_1782, %get3A_1783] {strides = array<i32>} : memref<256x128xf32, #tpu.memory_space<vmem>>, vector<1x16xf32>,
          %get3A_1785 = vector.shape_cast %get3A_1784 : vector<1x16xf32> to vector<16xf32>
          %mul3A_1786 = vector.broadcast %squeeze3A_1721 : f32 to vector<16xf32>
          %mul3A_1787 = arith.mulf %get3A_1785, %mul3A_1786 : vector<16xf32>
          %swap3A_1788 = arith.index_cast %add3A_1726 : i32 to index
          %swap3A_1789 = arith.constant 80 : index
          %swap3A_1790 = tpu.vector_load %arg20[%swap3A_1788, %swap3A_1789] {strides = array<i32>} : memref<256x128xf32, #tpu.memory_space<vmem>>, vector<1x16xf32>,
          %swap3A_1791 = vector.shape_cast %swap3A_1790 : vector<1x16xf32> to vector<16xf32>
          %swap3A_1792 = vector.shape_cast %mul3A_1787 : vector<16xf32> to vector<1x16xf32>
          tpu.vector_store %arg20[%swap3A_1788, %swap3A_1789], %swap3A_1792 {strides = array<i32>} : memref<256x128xf32, #tpu.memory_space<vmem>>, vector<1x16xf32>,
          %get3A_1793 = arith.index_cast %add3A_1726 : i32 to index
          %get3A_1794 = arith.constant 96 : index
          %get3A_1795 = tpu.vector_load %arg20[%get3A_1793, %get3A_1794] {strides = array<i32>} : memref<256x128xf32, #tpu.memory_space<vmem>>, vector<1x16xf32>,
          %get3A_1796 = vector.shape_cast %get3A_1795 : vector<1x16xf32> to vector<16xf32>
          %mul3A_1797 = vector.broadcast %squeeze3A_1721 : f32 to vector<16xf32>
          %mul3A_1798 = arith.mulf %get3A_1796, %mul3A_1797 : vector<16xf32>
          %swap3A_1799 = arith.index_cast %add3A_1726 : i32 to index
          %swap3A_1800 = arith.constant 96 : index
          %swap3A_1801 = tpu.vector_load %arg20[%swap3A_1799, %swap3A_1800] {strides = array<i32>} : memref<256x128xf32, #tpu.memory_space<vmem>>, vector<1x16xf32>,
          %swap3A_1802 = vector.shape_cast %swap3A_1801 : vector<1x16xf32> to vector<16xf32>
          %swap3A_1803 = vector.shape_cast %mul3A_1798 : vector<16xf32> to vector<1x16xf32>
          tpu.vector_store %arg20[%swap3A_1799, %swap3A_1800], %swap3A_1803 {strides = array<i32>} : memref<256x128xf32, #tpu.memory_space<vmem>>, vector<1x16xf32>,
          %get3A_1804 = arith.index_cast %add3A_1726 : i32 to index
          %get3A_1805 = arith.constant 112 : index
          %get3A_1806 = tpu.vector_load %arg20[%get3A_1804, %get3A_1805] {strides = array<i32>} : memref<256x128xf32, #tpu.memory_space<vmem>>, vector<1x16xf32>,
          %get3A_1807 = vector.shape_cast %get3A_1806 : vector<1x16xf32> to vector<16xf32>
          %mul3A_1808 = vector.broadcast %squeeze3A_1721 : f32 to vector<16xf32>
          %mul3A_1809 = arith.mulf %get3A_1807, %mul3A_1808 : vector<16xf32>
          %swap3A_1810 = arith.index_cast %add3A_1726 : i32 to index
          %swap3A_1811 = arith.constant 112 : index
          %swap3A_1812 = tpu.vector_load %arg20[%swap3A_1810, %swap3A_1811] {strides = array<i32>} : memref<256x128xf32, #tpu.memory_space<vmem>>, vector<1x16xf32>,
          %swap3A_1813 = vector.shape_cast %swap3A_1812 : vector<1x16xf32> to vector<16xf32>
          %swap3A_1814 = vector.shape_cast %mul3A_1809 : vector<16xf32> to vector<1x16xf32>
          tpu.vector_store %arg20[%swap3A_1810, %swap3A_1811], %swap3A_1814 {strides = array<i32>} : memref<256x128xf32, #tpu.memory_space<vmem>>, vector<1x16xf32>,
          %slice3A_1815 = vector.extract_strided_slice %get3A_391 {offsets = [15], sizes = [1], strides = [1]} : vector<16xf32> to vector<1xf32>
          %squeeze3A_1816 = vector.extract %slice3A_1815[0] : f32 from vector<1xf32>
          %mul3A_1817 = arith.constant 16 : i32
          %mul3A_1818 = arith.muli %scan3A_385, %mul3A_1817 : i32
          %add3A_1819 = arith.addi %multiple_of3A, %mul3A_1818 : i32
          %add3A_1820 = arith.constant 15 : i32
          %add3A_1821 = arith.addi %add3A_1819, %add3A_1820 : i32
          %get3A_1822 = arith.index_cast %add3A_1821 : i32 to index
          %get3A_1823 = arith.constant 0 : index
          %get3A_1824 = tpu.vector_load %arg20[%get3A_1822, %get3A_1823] {strides = array<i32>} : memref<256x128xf32, #tpu.memory_space<vmem>>, vector<1x16xf32>,
          %get3A_1825 = vector.shape_cast %get3A_1824 : vector<1x16xf32> to vector<16xf32>
          %mul3A_1826 = vector.broadcast %squeeze3A_1816 : f32 to vector<16xf32>
          %mul3A_1827 = arith.mulf %get3A_1825, %mul3A_1826 : vector<16xf32>
          %swap3A_1828 = arith.index_cast %add3A_1821 : i32 to index
          %swap3A_1829 = arith.constant 0 : index
          %swap3A_1830 = tpu.vector_load %arg20[%swap3A_1828, %swap3A_1829] {strides = array<i32>} : memref<256x128xf32, #tpu.memory_space<vmem>>, vector<1x16xf32>,
          %swap3A_1831 = vector.shape_cast %swap3A_1830 : vector<1x16xf32> to vector<16xf32>
          %swap3A_1832 = vector.shape_cast %mul3A_1827 : vector<16xf32> to vector<1x16xf32>
          tpu.vector_store %arg20[%swap3A_1828, %swap3A_1829], %swap3A_1832 {strides = array<i32>} : memref<256x128xf32, #tpu.memory_space<vmem>>, vector<1x16xf32>,
          %get3A_1833 = arith.index_cast %add3A_1821 : i32 to index
          %get3A_1834 = arith.constant 16 : index
          %get3A_1835 = tpu.vector_load %arg20[%get3A_1833, %get3A_1834] {strides = array<i32>} : memref<256x128xf32, #tpu.memory_space<vmem>>, vector<1x16xf32>,
          %get3A_1836 = vector.shape_cast %get3A_1835 : vector<1x16xf32> to vector<16xf32>
          %mul3A_1837 = vector.broadcast %squeeze3A_1816 : f32 to vector<16xf32>
          %mul3A_1838 = arith.mulf %get3A_1836, %mul3A_1837 : vector<16xf32>
          %swap3A_1839 = arith.index_cast %add3A_1821 : i32 to index
          %swap3A_1840 = arith.constant 16 : index
          %swap3A_1841 = tpu.vector_load %arg20[%swap3A_1839, %swap3A_1840] {strides = array<i32>} : memref<256x128xf32, #tpu.memory_space<vmem>>, vector<1x16xf32>,
          %swap3A_1842 = vector.shape_cast %swap3A_1841 : vector<1x16xf32> to vector<16xf32>
          %swap3A_1843 = vector.shape_cast %mul3A_1838 : vector<16xf32> to vector<1x16xf32>
          tpu.vector_store %arg20[%swap3A_1839, %swap3A_1840], %swap3A_1843 {strides = array<i32>} : memref<256x128xf32, #tpu.memory_space<vmem>>, vector<1x16xf32>,
          %get3A_1844 = arith.index_cast %add3A_1821 : i32 to index
          %get3A_1845 = arith.constant 32 : index
          %get3A_1846 = tpu.vector_load %arg20[%get3A_1844, %get3A_1845] {strides = array<i32>} : memref<256x128xf32, #tpu.memory_space<vmem>>, vector<1x16xf32>,
          %get3A_1847 = vector.shape_cast %get3A_1846 : vector<1x16xf32> to vector<16xf32>
          %mul3A_1848 = vector.broadcast %squeeze3A_1816 : f32 to vector<16xf32>
          %mul3A_1849 = arith.mulf %get3A_1847, %mul3A_1848 : vector<16xf32>
          %swap3A_1850 = arith.index_cast %add3A_1821 : i32 to index
          %swap3A_1851 = arith.constant 32 : index
          %swap3A_1852 = tpu.vector_load %arg20[%swap3A_1850, %swap3A_1851] {strides = array<i32>} : memref<256x128xf32, #tpu.memory_space<vmem>>, vector<1x16xf32>,
          %swap3A_1853 = vector.shape_cast %swap3A_1852 : vector<1x16xf32> to vector<16xf32>
          %swap3A_1854 = vector.shape_cast %mul3A_1849 : vector<16xf32> to vector<1x16xf32>
          tpu.vector_store %arg20[%swap3A_1850, %swap3A_1851], %swap3A_1854 {strides = array<i32>} : memref<256x128xf32, #tpu.memory_space<vmem>>, vector<1x16xf32>,
          %get3A_1855 = arith.index_cast %add3A_1821 : i32 to index
          %get3A_1856 = arith.constant 48 : index
          %get3A_1857 = tpu.vector_load %arg20[%get3A_1855, %get3A_1856] {strides = array<i32>} : memref<256x128xf32, #tpu.memory_space<vmem>>, vector<1x16xf32>,
          %get3A_1858 = vector.shape_cast %get3A_1857 : vector<1x16xf32> to vector<16xf32>
          %mul3A_1859 = vector.broadcast %squeeze3A_1816 : f32 to vector<16xf32>
          %mul3A_1860 = arith.mulf %get3A_1858, %mul3A_1859 : vector<16xf32>
          %swap3A_1861 = arith.index_cast %add3A_1821 : i32 to index
          %swap3A_1862 = arith.constant 48 : index
          %swap3A_1863 = tpu.vector_load %arg20[%swap3A_1861, %swap3A_1862] {strides = array<i32>} : memref<256x128xf32, #tpu.memory_space<vmem>>, vector<1x16xf32>,
          %swap3A_1864 = vector.shape_cast %swap3A_1863 : vector<1x16xf32> to vector<16xf32>
          %swap3A_1865 = vector.shape_cast %mul3A_1860 : vector<16xf32> to vector<1x16xf32>
          tpu.vector_store %arg20[%swap3A_1861, %swap3A_1862], %swap3A_1865 {strides = array<i32>} : memref<256x128xf32, #tpu.memory_space<vmem>>, vector<1x16xf32>,
          %get3A_1866 = arith.index_cast %add3A_1821 : i32 to index
          %get3A_1867 = arith.constant 64 : index
          %get3A_1868 = tpu.vector_load %arg20[%get3A_1866, %get3A_1867] {strides = array<i32>} : memref<256x128xf32, #tpu.memory_space<vmem>>, vector<1x16xf32>,
          %get3A_1869 = vector.shape_cast %get3A_1868 : vector<1x16xf32> to vector<16xf32>
          %mul3A_1870 = vector.broadcast %squeeze3A_1816 : f32 to vector<16xf32>
          %mul3A_1871 = arith.mulf %get3A_1869, %mul3A_1870 : vector<16xf32>
          %swap3A_1872 = arith.index_cast %add3A_1821 : i32 to index
          %swap3A_1873 = arith.constant 64 : index
          %swap3A_1874 = tpu.vector_load %arg20[%swap3A_1872, %swap3A_1873] {strides = array<i32>} : memref<256x128xf32, #tpu.memory_space<vmem>>, vector<1x16xf32>,
          %swap3A_1875 = vector.shape_cast %swap3A_1874 : vector<1x16xf32> to vector<16xf32>
          %swap3A_1876 = vector.shape_cast %mul3A_1871 : vector<16xf32> to vector<1x16xf32>
          tpu.vector_store %arg20[%swap3A_1872, %swap3A_1873], %swap3A_1876 {strides = array<i32>} : memref<256x128xf32, #tpu.memory_space<vmem>>, vector<1x16xf32>,
          %get3A_1877 = arith.index_cast %add3A_1821 : i32 to index
          %get3A_1878 = arith.constant 80 : index
          %get3A_1879 = tpu.vector_load %arg20[%get3A_1877, %get3A_1878] {strides = array<i32>} : memref<256x128xf32, #tpu.memory_space<vmem>>, vector<1x16xf32>,
          %get3A_1880 = vector.shape_cast %get3A_1879 : vector<1x16xf32> to vector<16xf32>
          %mul3A_1881 = vector.broadcast %squeeze3A_1816 : f32 to vector<16xf32>
          %mul3A_1882 = arith.mulf %get3A_1880, %mul3A_1881 : vector<16xf32>
          %swap3A_1883 = arith.index_cast %add3A_1821 : i32 to index
          %swap3A_1884 = arith.constant 80 : index
          %swap3A_1885 = tpu.vector_load %arg20[%swap3A_1883, %swap3A_1884] {strides = array<i32>} : memref<256x128xf32, #tpu.memory_space<vmem>>, vector<1x16xf32>,
          %swap3A_1886 = vector.shape_cast %swap3A_1885 : vector<1x16xf32> to vector<16xf32>
          %swap3A_1887 = vector.shape_cast %mul3A_1882 : vector<16xf32> to vector<1x16xf32>
          tpu.vector_store %arg20[%swap3A_1883, %swap3A_1884], %swap3A_1887 {strides = array<i32>} : memref<256x128xf32, #tpu.memory_space<vmem>>, vector<1x16xf32>,
          %get3A_1888 = arith.index_cast %add3A_1821 : i32 to index
          %get3A_1889 = arith.constant 96 : index
          %get3A_1890 = tpu.vector_load %arg20[%get3A_1888, %get3A_1889] {strides = array<i32>} : memref<256x128xf32, #tpu.memory_space<vmem>>, vector<1x16xf32>,
          %get3A_1891 = vector.shape_cast %get3A_1890 : vector<1x16xf32> to vector<16xf32>
          %mul3A_1892 = vector.broadcast %squeeze3A_1816 : f32 to vector<16xf32>
          %mul3A_1893 = arith.mulf %get3A_1891, %mul3A_1892 : vector<16xf32>
          %swap3A_1894 = arith.index_cast %add3A_1821 : i32 to index
          %swap3A_1895 = arith.constant 96 : index
          %swap3A_1896 = tpu.vector_load %arg20[%swap3A_1894, %swap3A_1895] {strides = array<i32>} : memref<256x128xf32, #tpu.memory_space<vmem>>, vector<1x16xf32>,
          %swap3A_1897 = vector.shape_cast %swap3A_1896 : vector<1x16xf32> to vector<16xf32>
          %swap3A_1898 = vector.shape_cast %mul3A_1893 : vector<16xf32> to vector<1x16xf32>
          tpu.vector_store %arg20[%swap3A_1894, %swap3A_1895], %swap3A_1898 {strides = array<i32>} : memref<256x128xf32, #tpu.memory_space<vmem>>, vector<1x16xf32>,
          %get3A_1899 = arith.index_cast %add3A_1821 : i32 to index
          %get3A_1900 = arith.constant 112 : index
          %get3A_1901 = tpu.vector_load %arg20[%get3A_1899, %get3A_1900] {strides = array<i32>} : memref<256x128xf32, #tpu.memory_space<vmem>>, vector<1x16xf32>,
          %get3A_1902 = vector.shape_cast %get3A_1901 : vector<1x16xf32> to vector<16xf32>
          %mul3A_1903 = vector.broadcast %squeeze3A_1816 : f32 to vector<16xf32>
          %mul3A_1904 = arith.mulf %get3A_1902, %mul3A_1903 : vector<16xf32>
          %swap3A_1905 = arith.index_cast %add3A_1821 : i32 to index
          %swap3A_1906 = arith.constant 112 : index
          %swap3A_1907 = tpu.vector_load %arg20[%swap3A_1905, %swap3A_1906] {strides = array<i32>} : memref<256x128xf32, #tpu.memory_space<vmem>>, vector<1x16xf32>,
          %swap3A_1908 = vector.shape_cast %swap3A_1907 : vector<1x16xf32> to vector<16xf32>
          %swap3A_1909 = vector.shape_cast %mul3A_1904 : vector<16xf32> to vector<1x16xf32>
          tpu.vector_store %arg20[%swap3A_1905, %swap3A_1906], %swap3A_1909 {strides = array<i32>} : memref<256x128xf32, #tpu.memory_space<vmem>>, vector<1x16xf32>,
        }
        %scan3A_363 = arith.constant 8 : i32
        %mul3A_364 = arith.constant 8 : i32
        %mul3A_365 = arith.muli %mul3A_364, %rem3A_94 : i32
        %dma_start3A = arith.constant 0 : i32
        %dma_start3A_366 = tpu.memref_slice %arg20[%multiple_of3A, %dma_start3A] : memref<256x128xf32, #tpu.memory_space<vmem>> -> memref<128x128xf32, #tpu.memory_space<vmem>>
        %dma_start3A_367 = arith.constant 0 : i32
        %dma_start3A_368 = tpu.memref_slice %arg12[%mul3A_365, %dma_start3A_367] : memref<32x128xi32, #tpu.memory_space<vmem>> -> memref<1x128xi32, #tpu.memory_space<vmem>>
        %dma_start3A_369 = tpu.memref_squeeze %dma_start3A_368 : memref<1x128xi32, #tpu.memory_space<vmem>> -> memref<128xi32, #tpu.memory_space<vmem>>
        %dma_start3A_370 = arith.constant 0 : i32
        %dma_start3A_371 = arith.constant 0 : i32
        %dma_start3A_372 = tpu.memref_slice %arg22[%dma_start3A_370, %dma_start3A_371] : memref<10000x128xf32, #tpu.memory_space<vmem_shared>> -> memref<10000x128xf32, #tpu.memory_space<vmem_shared>>
        %dma_start3A_373 = tpu.memref_slice %arg26[%rem3A_92] : memref<2x!tpu.dma_semaphore, #tpu.memory_space<semaphore_mem>> -> memref<1x!tpu.dma_semaphore, #tpu.memory_space<semaphore_mem>>
        %dma_start3A_374 = tpu.memref_squeeze %dma_start3A_373 : memref<1x!tpu.dma_semaphore, #tpu.memory_space<semaphore_mem>> -> memref<!tpu.dma_semaphore, #tpu.memory_space<semaphore_mem>>
        tpu.enqueue_indirect_dma source(%dma_start3A_366 : memref<128x128xf32, #tpu.memory_space<vmem>>) target(%dma_start3A_372 : memref<10000x128xf32, #tpu.memory_space<vmem_shared>>) offsets(%dma_start3A_369 : memref<128xi32, #tpu.memory_space<vmem>>) semaphore(%dma_start3A_374 : memref<!tpu.dma_semaphore, #tpu.memory_space<semaphore_mem>>) {add = true}
        %mul3A_375 = arith.constant 8 : i32
        %mul3A_376 = arith.muli %mul3A_375, %rem3A_94 : i32
        %dma_start3A_377 = tpu.memref_slice %arg21[%multiple_of3A] : memref<256xf32, #tpu.memory_space<vmem>> -> memref<128xf32, #tpu.memory_space<vmem>>
        %dma_start3A_378 = arith.constant 0 : i32
        %dma_start3A_379 = tpu.memref_slice %arg12[%mul3A_376, %dma_start3A_378] : memref<32x128xi32, #tpu.memory_space<vmem>> -> memref<1x128xi32, #tpu.memory_space<vmem>>
        %dma_start3A_380 = tpu.memref_squeeze %dma_start3A_379 : memref<1x128xi32, #tpu.memory_space<vmem>> -> memref<128xi32, #tpu.memory_space<vmem>>
        %dma_start3A_381 = arith.constant 0 : i32
        %dma_start3A_382 = tpu.memref_slice %arg23[%dma_start3A_381] : memref<10000xf32, #tpu.memory_space<vmem_shared>> -> memref<10000xf32, #tpu.memory_space<vmem_shared>>
        %dma_start3A_383 = tpu.memref_slice %arg26[%rem3A_92] : memref<2x!tpu.dma_semaphore, #tpu.memory_space<semaphore_mem>> -> memref<1x!tpu.dma_semaphore, #tpu.memory_space<semaphore_mem>>
        %dma_start3A_384 = tpu.memref_squeeze %dma_start3A_383 : memref<1x!tpu.dma_semaphore, #tpu.memory_space<semaphore_mem>> -> memref<!tpu.dma_semaphore, #tpu.memory_space<semaphore_mem>>
        tpu.enqueue_indirect_dma source(%dma_start3A_377 : memref<128xf32, #tpu.memory_space<vmem>>) target(%dma_start3A_382 : memref<10000xf32, #tpu.memory_space<vmem_shared>>) offsets(%dma_start3A_380 : memref<128xi32, #tpu.memory_space<vmem>>) semaphore(%dma_start3A_384 : memref<!tpu.dma_semaphore, #tpu.memory_space<semaphore_mem>>) {add = true}
      } else {
      }
    }
    %scan3A_13 = arith.constant 81 : i32
    %dma_wait3A = arith.constant 0 : i32
    %dma_wait3A_14 = arith.constant 0 : i32
    %dma_wait3A_15 = arith.constant 0 : i32
    %dma_wait3A_16 = arith.constant 0 : i32
    %dma_wait3A_17 = tpu.memref_slice %arg20[%dma_wait3A_15, %dma_wait3A_16] : memref<256x128xf32, #tpu.memory_space<vmem>> -> memref<128x128xf32, #tpu.memory_space<vmem>>
    %dma_wait3A_18 = arith.constant 0 : i32
    %dma_wait3A_19 = tpu.memref_slice %arg12[%dma_wait3A, %dma_wait3A_18] : memref<32x128xi32, #tpu.memory_space<vmem>> -> memref<1x128xi32, #tpu.memory_space<vmem>>
    %dma_wait3A_20 = tpu.memref_squeeze %dma_wait3A_19 : memref<1x128xi32, #tpu.memory_space<vmem>> -> memref<128xi32, #tpu.memory_space<vmem>>
    %dma_wait3A_21 = arith.constant 0 : i32
    %dma_wait3A_22 = arith.constant 0 : i32
    %dma_wait3A_23 = tpu.memref_slice %arg22[%dma_wait3A_21, %dma_wait3A_22] : memref<10000x128xf32, #tpu.memory_space<vmem_shared>> -> memref<10000x128xf32, #tpu.memory_space<vmem_shared>>
    %dma_wait3A_24 = tpu.memref_slice %arg26[%dma_wait3A_14] : memref<2x!tpu.dma_semaphore, #tpu.memory_space<semaphore_mem>> -> memref<1x!tpu.dma_semaphore, #tpu.memory_space<semaphore_mem>>
    %dma_wait3A_25 = tpu.memref_squeeze %dma_wait3A_24 : memref<1x!tpu.dma_semaphore, #tpu.memory_space<semaphore_mem>> -> memref<!tpu.dma_semaphore, #tpu.memory_space<semaphore_mem>>
    tpu.wait_indirect_dma semaphore(%dma_wait3A_25 : memref<!tpu.dma_semaphore, #tpu.memory_space<semaphore_mem>>) src(%dma_wait3A_17 : memref<128x128xf32, #tpu.memory_space<vmem>>) dst(%dma_wait3A_23 : memref<10000x128xf32, #tpu.memory_space<vmem_shared>>)
    %dma_wait3A_26 = arith.constant 0 : i32
    %dma_wait3A_27 = arith.constant 0 : i32
    %dma_wait3A_28 = arith.constant 0 : i32
    %dma_wait3A_29 = tpu.memref_slice %arg21[%dma_wait3A_28] : memref<256xf32, #tpu.memory_space<vmem>> -> memref<128xf32, #tpu.memory_space<vmem>>
    %dma_wait3A_30 = arith.constant 0 : i32
    %dma_wait3A_31 = tpu.memref_slice %arg12[%dma_wait3A_26, %dma_wait3A_30] : memref<32x128xi32, #tpu.memory_space<vmem>> -> memref<1x128xi32, #tpu.memory_space<vmem>>
    %dma_wait3A_32 = tpu.memref_squeeze %dma_wait3A_31 : memref<1x128xi32, #tpu.memory_space<vmem>> -> memref<128xi32, #tpu.memory_space<vmem>>
    %dma_wait3A_33 = arith.constant 0 : i32
    %dma_wait3A_34 = tpu.memref_slice %arg23[%dma_wait3A_33] : memref<10000xf32, #tpu.memory_space<vmem_shared>> -> memref<10000xf32, #tpu.memory_space<vmem_shared>>
    %dma_wait3A_35 = tpu.memref_slice %arg26[%dma_wait3A_27] : memref<2x!tpu.dma_semaphore, #tpu.memory_space<semaphore_mem>> -> memref<1x!tpu.dma_semaphore, #tpu.memory_space<semaphore_mem>>
    %dma_wait3A_36 = tpu.memref_squeeze %dma_wait3A_35 : memref<1x!tpu.dma_semaphore, #tpu.memory_space<semaphore_mem>> -> memref<!tpu.dma_semaphore, #tpu.memory_space<semaphore_mem>>
    tpu.wait_indirect_dma semaphore(%dma_wait3A_36 : memref<!tpu.dma_semaphore, #tpu.memory_space<semaphore_mem>>) src(%dma_wait3A_29 : memref<128xf32, #tpu.memory_space<vmem>>) dst(%dma_wait3A_34 : memref<10000xf32, #tpu.memory_space<vmem_shared>>)
    %dma_wait3A_37 = arith.constant 0 : i32
    %dma_wait3A_38 = arith.constant 1 : i32
    %dma_wait3A_39 = arith.constant 128 : i32
    %dma_wait3A_40 = arith.constant 0 : i32
    %dma_wait3A_41 = tpu.memref_slice %arg20[%dma_wait3A_39, %dma_wait3A_40] : memref<256x128xf32, #tpu.memory_space<vmem>> -> memref<128x128xf32, #tpu.memory_space<vmem>>
    %dma_wait3A_42 = arith.constant 0 : i32
    %dma_wait3A_43 = tpu.memref_slice %arg12[%dma_wait3A_37, %dma_wait3A_42] : memref<32x128xi32, #tpu.memory_space<vmem>> -> memref<1x128xi32, #tpu.memory_space<vmem>>
    %dma_wait3A_44 = tpu.memref_squeeze %dma_wait3A_43 : memref<1x128xi32, #tpu.memory_space<vmem>> -> memref<128xi32, #tpu.memory_space<vmem>>
    %dma_wait3A_45 = arith.constant 0 : i32
    %dma_wait3A_46 = arith.constant 0 : i32
    %dma_wait3A_47 = tpu.memref_slice %arg22[%dma_wait3A_45, %dma_wait3A_46] : memref<10000x128xf32, #tpu.memory_space<vmem_shared>> -> memref<10000x128xf32, #tpu.memory_space<vmem_shared>>
    %dma_wait3A_48 = tpu.memref_slice %arg26[%dma_wait3A_38] : memref<2x!tpu.dma_semaphore, #tpu.memory_space<semaphore_mem>> -> memref<1x!tpu.dma_semaphore, #tpu.memory_space<semaphore_mem>>
    %dma_wait3A_49 = tpu.memref_squeeze %dma_wait3A_48 : memref<1x!tpu.dma_semaphore, #tpu.memory_space<semaphore_mem>> -> memref<!tpu.dma_semaphore, #tpu.memory_space<semaphore_mem>>
    tpu.wait_indirect_dma semaphore(%dma_wait3A_49 : memref<!tpu.dma_semaphore, #tpu.memory_space<semaphore_mem>>) src(%dma_wait3A_41 : memref<128x128xf32, #tpu.memory_space<vmem>>) dst(%dma_wait3A_47 : memref<10000x128xf32, #tpu.memory_space<vmem_shared>>)
    %dma_wait3A_50 = arith.constant 0 : i32
    %dma_wait3A_51 = arith.constant 1 : i32
    %dma_wait3A_52 = arith.constant 128 : i32
    %dma_wait3A_53 = tpu.memref_slice %arg21[%dma_wait3A_52] : memref<256xf32, #tpu.memory_space<vmem>> -> memref<128xf32, #tpu.memory_space<vmem>>
    %dma_wait3A_54 = arith.constant 0 : i32
    %dma_wait3A_55 = tpu.memref_slice %arg12[%dma_wait3A_50, %dma_wait3A_54] : memref<32x128xi32, #tpu.memory_space<vmem>> -> memref<1x128xi32, #tpu.memory_space<vmem>>
    %dma_wait3A_56 = tpu.memref_squeeze %dma_wait3A_55 : memref<1x128xi32, #tpu.memory_space<vmem>> -> memref<128xi32, #tpu.memory_space<vmem>>
    %dma_wait3A_57 = arith.constant 0 : i32
    %dma_wait3A_58 = tpu.memref_slice %arg23[%dma_wait3A_57] : memref<10000xf32, #tpu.memory_space<vmem_shared>> -> memref<10000xf32, #tpu.memory_space<vmem_shared>>
    %dma_wait3A_59 = tpu.memref_slice %arg26[%dma_wait3A_51] : memref<2x!tpu.dma_semaphore, #tpu.memory_space<semaphore_mem>> -> memref<1x!tpu.dma_semaphore, #tpu.memory_space<semaphore_mem>>
    %dma_wait3A_60 = tpu.memref_squeeze %dma_wait3A_59 : memref<1x!tpu.dma_semaphore, #tpu.memory_space<semaphore_mem>> -> memref<!tpu.dma_semaphore, #tpu.memory_space<semaphore_mem>>
    tpu.wait_indirect_dma semaphore(%dma_wait3A_60 : memref<!tpu.dma_semaphore, #tpu.memory_space<semaphore_mem>>) src(%dma_wait3A_53 : memref<128xf32, #tpu.memory_space<vmem>>) dst(%dma_wait3A_58 : memref<10000xf32, #tpu.memory_space<vmem_shared>>)
    %barrier3A_61 = arith.constant 0 : index
    tpu.barrier barrier_id(%barrier3A_61)
    %lt3A_62 = arith.constant 10 : i32
    %lt3A_63 = arith.cmpi slt, %arg1, %lt3A_62 : i32
    %convert_element_type3A_64 = arith.extui %lt3A_63 : i1 to i32
    %cond3A_65 = arith.constant 0 : i32
    %cond3A_66 = arith.cmpi ne, %convert_element_type3A_64, %cond3A_65 : i32
    scf.if %cond3A_66 {
      %mul3A_72 = arith.constant 1000 : i32
      %mul3A_73 = arith.muli %arg1, %mul3A_72 : i32
      %mul3A_74 = arith.constant 1000 : i32
      %mul3A_75 = arith.muli %arg1, %mul3A_74 : i32
      "tpu.region"() ({
        %run_scoped3A = tpu.sem_alloc : memref<!tpu.dma_semaphore, #tpu.memory_space<semaphore_mem>>
        %dma_start3A = arith.constant 0 : i32
        %dma_start3A_76 = tpu.memref_slice %arg10[%arg0, %mul3A_75, %dma_start3A] : memref<2x10000x128xf32, #tpu.memory_space<hbm>> -> memref<1x1000x128xf32, #tpu.memory_space<hbm>>
        %dma_start3A_77 = tpu.memref_squeeze %dma_start3A_76 : memref<1x1000x128xf32, #tpu.memory_space<hbm>> -> memref<1000x128xf32, #tpu.memory_space<hbm>>
        %dma_start3A_78 = arith.constant 0 : i32
        %dma_start3A_79 = tpu.memref_slice %arg22[%mul3A_73, %dma_start3A_78] : memref<10000x128xf32, #tpu.memory_space<vmem_shared>> -> memref<1000x128xf32, #tpu.memory_space<vmem_shared>>
        tpu.enqueue_dma source(%dma_start3A_79 : memref<1000x128xf32, #tpu.memory_space<vmem_shared>>) target(%dma_start3A_77 : memref<1000x128xf32, #tpu.memory_space<hbm>>) target_semaphore(%run_scoped3A : memref<!tpu.dma_semaphore, #tpu.memory_space<semaphore_mem>>)
        %dma_wait3A_80 = arith.constant 0 : i32
        %dma_wait3A_81 = tpu.memref_slice %arg10[%arg0, %mul3A_75, %dma_wait3A_80] : memref<2x10000x128xf32, #tpu.memory_space<hbm>> -> memref<1x1000x128xf32, #tpu.memory_space<hbm>>
        %dma_wait3A_82 = tpu.memref_squeeze %dma_wait3A_81 : memref<1x1000x128xf32, #tpu.memory_space<hbm>> -> memref<1000x128xf32, #tpu.memory_space<hbm>>
        %dma_wait3A_83 = arith.constant 0 : i32
        %dma_wait3A_84 = tpu.memref_slice %arg22[%mul3A_73, %dma_wait3A_83] : memref<10000x128xf32, #tpu.memory_space<vmem_shared>> -> memref<1000x128xf32, #tpu.memory_space<vmem_shared>>
        tpu.wait_dma2 semaphore(%run_scoped3A : memref<!tpu.dma_semaphore, #tpu.memory_space<semaphore_mem>>) src(%dma_wait3A_84 : memref<1000x128xf32, #tpu.memory_space<vmem_shared>>) dst(%dma_wait3A_82 : memref<1000x128xf32, #tpu.memory_space<hbm>>)
        tpu.yield
      }) : () -> ()
    } else {
    }
    %eq3A_67 = arith.constant 0 : i32
    %eq3A_68 = arith.cmpi eq, %arg1, %eq3A_67 : i32
    %convert_element_type3A_69 = arith.extui %eq3A_68 : i1 to i32
    %cond3A_70 = arith.constant 0 : i32
    %cond3A_71 = arith.cmpi ne, %convert_element_type3A_69, %cond3A_70 : i32
    scf.if %cond3A_71 {
      "tpu.region"() ({
        %run_scoped3A = tpu.sem_alloc : memref<!tpu.dma_semaphore, #tpu.memory_space<semaphore_mem>>
        %dma_start3A = arith.constant 0 : i32
        %dma_start3A_72 = tpu.memref_slice %arg11[%arg0, %dma_start3A] : memref<2x10000xf32, #tpu.memory_space<hbm>> -> memref<1x10000xf32, #tpu.memory_space<hbm>>
        %dma_start3A_73 = tpu.memref_squeeze %dma_start3A_72 : memref<1x10000xf32, #tpu.memory_space<hbm>> -> memref<10000xf32, #tpu.memory_space<hbm>>
        tpu.enqueue_dma source(%arg23 : memref<10000xf32, #tpu.memory_space<vmem_shared>>) target(%dma_start3A_73 : memref<10000xf32, #tpu.memory_space<hbm>>) target_semaphore(%run_scoped3A : memref<!tpu.dma_semaphore, #tpu.memory_space<semaphore_mem>>)
        %dma_wait3A_74 = arith.constant 0 : i32
        %dma_wait3A_75 = tpu.memref_slice %arg11[%arg0, %dma_wait3A_74] : memref<2x10000xf32, #tpu.memory_space<hbm>> -> memref<1x10000xf32, #tpu.memory_space<hbm>>
        %dma_wait3A_76 = tpu.memref_squeeze %dma_wait3A_75 : memref<1x10000xf32, #tpu.memory_space<hbm>> -> memref<10000xf32, #tpu.memory_space<hbm>>
        tpu.wait_dma2 semaphore(%run_scoped3A : memref<!tpu.dma_semaphore, #tpu.memory_space<semaphore_mem>>) src(%arg23 : memref<10000xf32, #tpu.memory_space<vmem_shared>>) dst(%dma_wait3A_76 : memref<10000xf32, #tpu.memory_space<hbm>>)
        tpu.yield
      }) : () -> ()
    } else {
    }
    return
  }
}

module attributes {stable_mosaic.version = 14 : i64} {
  func.func @_prep_body(%arg0: memref<10000x128xf32, #tpu.memory_space<vmem>>, %arg1: memref<64x256x128xf32, #tpu.memory_space<vmem>>, %arg2: memref<10000x64xf32, #tpu.memory_space<vmem>>, %arg3: memref<10000x64xf32, #tpu.memory_space<vmem>>) attributes {dimension_semantics = [], scalar_prefetch = 0 : i64, scratch_operands = 0 : i64, tpu.core_type = #tpu.core_type<tc>} {
    %get3A = arith.constant 0 : index
    %get3A_0 = arith.constant 0 : index
    %get3A_1 = arith.constant 0 : index
    %get3A_2 = vector.load %arg1[%get3A, %get3A_0, %get3A_1] : memref<64x256x128xf32, #tpu.memory_space<vmem>>, vector<64x256x128xf32>
    %reduce_sum3A = arith.constant dense<0.000000e+00> : vector<64x256xf32>
    %reduce_sum3A_3 = vector.multi_reduction <add>, %get3A_2, %reduce_sum3A [2] : vector<64x256x128xf32> to vector<64x256xf32>
    %slice3A = vector.extract_strided_slice %reduce_sum3A_3 {offsets = [0, 0], sizes = [64, 128], strides = [1, 1]} : vector<64x256xf32> to vector<64x128xf32>
    %slice3A_4 = vector.extract_strided_slice %reduce_sum3A_3 {offsets = [0, 128], sizes = [64, 128], strides = [1, 1]} : vector<64x256xf32> to vector<64x128xf32>
    %get3A_5 = arith.constant 0 : index
    %get3A_6 = arith.constant 0 : index
    %get3A_7 = vector.load %arg0[%get3A_5, %get3A_6] : memref<10000x128xf32, #tpu.memory_space<vmem>>, vector<10000x128xf32>
    %dot_general3A = arith.constant dense<0.000000e+00> : vector<10000x64xf32>
    %dot_general3A_8 = tpu.matmul %get3A_7, %slice3A, %dot_general3A {dimension_numbers = #tpu.dot_dimension_numbers<[1], [1], [0], [0], [0, 0, 1, 0], [], []>, transpose_lhs_hint = false} : vector<10000x128xf32>, vector<64x128xf32>, vector<10000x64xf32> -> vector<10000x64xf32>
    %swap3A = arith.constant 0 : index
    %swap3A_9 = arith.constant 0 : index
    %swap3A_10 = vector.load %arg2[%swap3A, %swap3A_9] : memref<10000x64xf32, #tpu.memory_space<vmem>>, vector<10000x64xf32>
    tpu.vector_store %arg2[%swap3A, %swap3A_9], %dot_general3A_8 {strides = array<i32>} : memref<10000x64xf32, #tpu.memory_space<vmem>>, vector<10000x64xf32>,
    %dot_general3A_11 = arith.constant dense<0.000000e+00> : vector<10000x64xf32>
    %dot_general3A_12 = tpu.matmul %get3A_7, %slice3A_4, %dot_general3A_11 {dimension_numbers = #tpu.dot_dimension_numbers<[1], [1], [0], [0], [0, 0, 1, 0], [], []>, transpose_lhs_hint = false} : vector<10000x128xf32>, vector<64x128xf32>, vector<10000x64xf32> -> vector<10000x64xf32>
    %swap3A_13 = arith.constant 0 : index
    %swap3A_14 = arith.constant 0 : index
    %swap3A_15 = vector.load %arg3[%swap3A_13, %swap3A_14] : memref<10000x64xf32, #tpu.memory_space<vmem>>, vector<10000x64xf32>
    tpu.vector_store %arg3[%swap3A_13, %swap3A_14], %dot_general3A_12 {strides = array<i32>} : memref<10000x64xf32, #tpu.memory_space<vmem>>, vector<10000x64xf32>,
    return
  }
}

module attributes {stable_mosaic.version = 14 : i64} {
  func.func @_final_body(%arg0: memref<10000x128xf32, #tpu.memory_space<vmem>>, %arg1: memref<2x10000x128xf32, #tpu.memory_space<vmem>>, %arg2: memref<2x10000x1xf32, #tpu.memory_space<vmem>>, %arg3: memref<128x128xf32, #tpu.memory_space<vmem>>, %arg4: memref<128x128xf32, #tpu.memory_space<vmem>>, %arg5: memref<1x128xf32, #tpu.memory_space<vmem>>, %arg6: memref<10000x128xf32, #tpu.memory_space<vmem>>) attributes {dimension_semantics = [], scalar_prefetch = 0 : i64, scratch_operands = 0 : i64, tpu.core_type = #tpu.core_type<tc>} {
    %get3A = arith.constant 0 : index
    %get3A_0 = arith.constant 0 : index
    %get3A_1 = arith.constant 0 : index
    %get3A_2 = vector.load %arg1[%get3A, %get3A_0, %get3A_1] : memref<2x10000x128xf32, #tpu.memory_space<vmem>>, vector<1x10000x128xf32>
    %get3A_3 = vector.shape_cast %get3A_2 : vector<1x10000x128xf32> to vector<10000x128xf32>
    %get3A_4 = arith.constant 1 : index
    %get3A_5 = arith.constant 0 : index
    %get3A_6 = arith.constant 0 : index
    %get3A_7 = vector.load %arg1[%get3A_4, %get3A_5, %get3A_6] : memref<2x10000x128xf32, #tpu.memory_space<vmem>>, vector<1x10000x128xf32>
    %get3A_8 = vector.shape_cast %get3A_7 : vector<1x10000x128xf32> to vector<10000x128xf32>
    %add3A = arith.addf %get3A_3, %get3A_8 : vector<10000x128xf32>
    %get3A_9 = arith.constant 0 : index
    %get3A_10 = arith.constant 0 : index
    %get3A_11 = arith.constant 0 : index
    %get3A_12 = vector.load %arg2[%get3A_9, %get3A_10, %get3A_11] : memref<2x10000x1xf32, #tpu.memory_space<vmem>>, vector<1x10000x1xf32>
    %get3A_13 = vector.shape_cast %get3A_12 : vector<1x10000x1xf32> to vector<10000x1xf32>
    %get3A_14 = arith.constant 1 : index
    %get3A_15 = arith.constant 0 : index
    %get3A_16 = arith.constant 0 : index
    %get3A_17 = vector.load %arg2[%get3A_14, %get3A_15, %get3A_16] : memref<2x10000x1xf32, #tpu.memory_space<vmem>>, vector<1x10000x1xf32>
    %get3A_18 = vector.shape_cast %get3A_17 : vector<1x10000x1xf32> to vector<10000x1xf32>
    %add3A_19 = arith.addf %get3A_13, %get3A_18 : vector<10000x1xf32>
    %max3A = arith.constant 1.000000e+00 : f32
    %max3A_20 = vector.broadcast %max3A : f32 to vector<10000x1xf32>
    %max3A_21 = arith.maximumf %add3A_19, %max3A_20 : vector<10000x1xf32>
    %div3A = vector.broadcast %max3A_21 : vector<10000x1xf32> to vector<10000x128xf32>
    %div3A_22 = arith.divf %add3A, %div3A : vector<10000x128xf32>
    %get3A_23 = arith.constant 0 : index
    %get3A_24 = arith.constant 0 : index
    %get3A_25 = vector.load %arg0[%get3A_23, %get3A_24] : memref<10000x128xf32, #tpu.memory_space<vmem>>, vector<10000x128xf32>
    %get3A_26 = arith.constant 0 : index
    %get3A_27 = arith.constant 0 : index
    %get3A_28 = vector.load %arg3[%get3A_26, %get3A_27] : memref<128x128xf32, #tpu.memory_space<vmem>>, vector<128x128xf32>
    %dot_general3A = arith.constant dense<0.000000e+00> : vector<10000x128xf32>
    %dot_general3A_29 = tpu.matmul %get3A_25, %get3A_28, %dot_general3A {dimension_numbers = #tpu.dot_dimension_numbers<[1], [1], [0], [0], [0, 0, 1, 0], [], []>, transpose_lhs_hint = false} : vector<10000x128xf32>, vector<128x128xf32>, vector<10000x128xf32> -> vector<10000x128xf32>
    %get3A_30 = arith.constant 0 : index
    %get3A_31 = arith.constant 0 : index
    %get3A_32 = vector.load %arg4[%get3A_30, %get3A_31] : memref<128x128xf32, #tpu.memory_space<vmem>>, vector<128x128xf32>
    %dot_general3A_33 = arith.constant dense<0.000000e+00> : vector<10000x128xf32>
    %dot_general3A_34 = tpu.matmul %div3A_22, %get3A_32, %dot_general3A_33 {dimension_numbers = #tpu.dot_dimension_numbers<[1], [1], [0], [0], [0, 0, 1, 0], [], []>, transpose_lhs_hint = false} : vector<10000x128xf32>, vector<128x128xf32>, vector<10000x128xf32> -> vector<10000x128xf32>
    %add3A_35 = arith.addf %dot_general3A_29, %dot_general3A_34 : vector<10000x128xf32>
    %get3A_36 = arith.constant 0 : index
    %get3A_37 = arith.constant 0 : index
    %get3A_38 = vector.load %arg5[%get3A_36, %get3A_37] : memref<1x128xf32, #tpu.memory_space<vmem>>, vector<1x128xf32>
    %add3A_39 = vector.broadcast %get3A_38 : vector<1x128xf32> to vector<10000x128xf32>
    %add3A_40 = arith.addf %add3A_35, %add3A_39 : vector<10000x128xf32>
    %ge3A = arith.constant 0.000000e+00 : f32
    %ge3A_41 = vector.broadcast %ge3A : f32 to vector<10000x128xf32>
    %ge3A_42 = arith.cmpf oge, %add3A_40, %ge3A_41 : vector<10000x128xf32>
    %mul3A = arith.constant 0.00999999977 : f32
    %mul3A_43 = vector.broadcast %mul3A : f32 to vector<10000x128xf32>
    %mul3A_44 = arith.mulf %mul3A_43, %add3A_40 : vector<10000x128xf32>
    %select_n3A = arith.select %ge3A_42, %add3A_40, %mul3A_44 : vector<10000x128xi1>, vector<10000x128xf32>
    %swap3A = arith.constant 0 : index
    %swap3A_45 = arith.constant 0 : index
    %swap3A_46 = vector.load %arg6[%swap3A, %swap3A_45] : memref<10000x128xf32, #tpu.memory_space<vmem>>, vector<10000x128xf32>
    tpu.vector_store %arg6[%swap3A, %swap3A_45], %select_n3A {strides = array<i32>} : memref<10000x128xf32, #tpu.memory_space<vmem>>, vector<10000x128xf32>,
    return
  }
}

</mosaic_0001>

<sc_bundles>
// kernel: kernel.5.cloned.1.call-start
scs
__scs_entry_jumppad:
0x0: {  	(pc) =	sbr.rel $0x88, $3  }
0x1: {  	(tag) =	ssettag $0x0;
	lr =	simm.s32 $0x1  }
0x2: {  	[smem:$0x3F9B] =	sst lr;
	_ =	strace $0xD0000000  }
0x3: {  	_ = 	snop  }
0x4: {  	_ = 	snop  }
0x5: {  	_ = 	snop  }
0x6: {  	_ = 	snop  }
0x7: {  	_ = 	snop  }
__scs_overlays_trampoline_lowered:
0x8: {  	[smem:$0x3FAA] =	sst s0  }
0x9: {  	[smem:$0x3FAB] =	sst s1  }
0xa: {  	[smem:$0x3FAC] =	sst s2  }
0xb: {  	[smem:$0x3FAD] =	sst s3  }
0xc: {  	[smem:$0x3FAE] =	sst s4  }
0xd: {  	[smem:$0x3FAF] =	sst s5  }
0xe: {  	[smem:$0x3FB0] =	sst s6  }
0xf: {  	[smem:$0x3FB1] =	sst s7  }
0x10: {  	[smem:$0x3FB2] =	sst s8  }
0x11: {  	[smem:$0x3FB3] =	sst s9;
	s0 =	simm.s32 @!p0 $0x0  }
0x12: {  	s1 =	sld [smem:$0x3F99];
	s0 =	simm.s32 @p0 $0x1  }
0x13: {  	[smem:$0x3FB4] =	sst s0;
	s0 =	simm.s32 @!p1 $0x0  }
0x14: {  	s2 =	sld [smem:$0x3F98];
	s0 =	simm.s32 @p1 $0x1  }
0x15: {  	[smem:$0x3FB5] =	sst s0;
	s0 =	simm.s32 @!p2 $0x0  }
0x16: {  	s3 =	sld [smem:$0x3FDB];
	s0 =	simm.s32 @p2 $0x1  }
0x17: {  	s4 =	simm.s32 $0x1BF5;
	[smem:$0x3FB7] =	sst s0  }
0x18: {  	s0 =	sld [smem:$0x3F9A];
	_ =	swait.ge [sflag:s4], $0x0  }
0x19: {  	s7 =	sld [smem:$0x3F9B]  }
0x1a: {  	s8 =	sadd.s32 $0xFFFFE003, lr  }
0x1b: {  	s9 =	sadd.s32 $0xFFFFFEF7, lr;
	s5 =	simm.s32 $0xFFFFFFFF;
	p2 =	slt.u32 s8, $0xFFFFF086  }
0x1c: {  	p1 =	slt.u32 s9, $0xF7A;
	s5 =	simm.s32 @!p2 $0x0  }
0x1d: {  	s5 =	simm.s32 @p1 $0x1;
	p0 =	seq.s32 s7, s2  }
0x1e: {  	s7 =	smul.u32 @!p0 $0xF7A, s2;
	p2 =	seq.s32 @!p0 s5, $0x0  }
0x1f: {  	s9 =	smul.u32 $0xF7A, s1;
	s8 =	simm.s32 @!p0 $0x1BF5;
	p2 =	por !p2, p0  }
0x20: {  	[sflag:s8] =	ssyncset.s32 @!p0 $0xFFFFF086;
	s6 =	sadd.s32 @!p0 s3, s7;
	s7 =	simm.s32 @!p0 $0x108  }
0x21: {  	s3 =	sadd.s32 s3, s9;
	s6 =	sadd.s32 @!p0 $0x88, s6;
	s7 =	simm.s32 @p2 $0x1082  }
0x22: {  	[simem:s7], [sflag:s8] =	dma.local @!p0 [hbm:s6], $0xF7A  }
0x23: {  	s9 =	sor.u32 $0xD0000000, s2;
	s6 =	simm.s32 $0x108;
	_ =	swait.ge @!p0 [sflag:s8], $0x0  }
0x24: {  	s3 =	sadd.s32 $0x88, s3;
	s6 =	simm.s32 @!p1 $0x1082;
	[sflag:s4] =	ssyncset.s32 $0xFFFFF086  }
0x25: {  	[simem:s6], [sflag:s4] =	dma.local [hbm:s3], $0xF7A  }
0x26: {  	[smem:$0x3F9B] =	sst s1;
	(tag) =	ssettag s2;
	_ =	strace s9  }
0x27: {  	s1 =	sld [smem:$0x3FAB]  }
0x28: {  	s2 =	sld [smem:$0x3FAC]  }
0x29: {  	s4 =	sld [smem:$0x3FAE]  }
0x2a: {  	p0 =	seq.s32 s5, $0x0;
	s5 =	sld [smem:$0x3FAF]  }
0x2b: {  	s6 =	sld [smem:$0x3FB0]  }
0x2c: {  	s7 =	sld [smem:$0x3FB1]  }
0x2d: {  	s3 =	simm.s32 $0x108;
	s8 =	sld [smem:$0x3FB2]  }
0x2e: {  	s3 =	simm.s32 @!p0 $0x1082;
	s9 =	sld [smem:$0x3FB3]  }
0x2f: {  	lr =	sadd.s32 s0, s3;
	s0 =	sld [smem:$0x3FAA]  }
0x30: {  	s3 =	sld [smem:$0x3FAD]  }
0x31: {  	[smem:$0x3FB6] =	sst s10  }
0x32: {  	s10 =	sld [smem:$0x3FB4];
	_ =	sdelay $0x3  }
0x33: {  	p0 =	seq.s32 s10, $0x1;
	s10 =	sld [smem:$0x3FB6];
	_ =	sdelay $0x3  }
0x34: {  	[smem:$0x3FB6] =	sst s10  }
0x35: {  	s10 =	sld [smem:$0x3FB5];
	_ =	sdelay $0x3  }
0x36: {  	p1 =	seq.s32 s10, $0x1;
	s10 =	sld [smem:$0x3FB6];
	_ =	sdelay $0x3  }
0x37: {  	[smem:$0x3FB6] =	sst s10  }
0x38: {  	s10 =	sld [smem:$0x3FB7]  }
0x39: {  	_ = 	snop;
	(pc) =	sbr.ind lr, $3  }
0x3a: {  	_ = 	snop  }
0x3b: {  	_ = 	snop  }
0x3c: {  	p2 =	seq.s32 s10, $0x1;
	s10 =	sld [smem:$0x3FB6]  }
0x3d: {  	_ =	shalt  }
0x3e: {  	_ =	shalt  }
0x3f: {  	_ =	shalt  }
0x40: {  	_ =	shalt  }
0x41: {  	_ =	shalt  }
0x42: {  	_ =	shalt  }
0x43: {  	_ =	shalt  }
0x44: {  	_ =	shalt  }
0x45: {  	_ =	shalt  }
0x46: {  	_ =	shalt  }
0x47: {  	_ =	shalt  }
0x48: {  	_ =	shalt  }
0x49: {  	_ =	shalt  }
0x4a: {  	_ =	shalt  }
0x4b: {  	_ =	shalt  }
0x4c: {  	_ =	shalt  }
0x4d: {  	_ =	shalt  }
0x4e: {  	_ =	shalt  }
0x4f: {  	_ =	shalt  }
0x50: {  	_ =	shalt  }
0x51: {  	_ =	shalt  }
0x52: {  	_ =	shalt  }
0x53: {  	_ =	shalt  }
0x54: {  	_ =	shalt  }
0x55: {  	_ =	shalt  }
0x56: {  	_ =	shalt  }
0x57: {  	_ =	shalt  }
0x58: {  	_ =	shalt  }
0x59: {  	_ =	shalt  }
0x5a: {  	_ =	shalt  }
0x5b: {  	_ =	shalt  }
0x5c: {  	_ =	shalt  }
0x5d: {  	_ =	shalt  }
0x5e: {  	_ =	shalt  }
0x5f: {  	_ =	shalt  }
0x60: {  	_ =	shalt  }
0x61: {  	_ =	shalt  }
0x62: {  	_ =	shalt  }
0x63: {  	_ =	shalt  }
0x64: {  	_ =	shalt  }
0x65: {  	_ =	shalt  }
0x66: {  	_ =	shalt  }
0x67: {  	_ =	shalt  }
0x68: {  	_ =	shalt  }
0x69: {  	_ =	shalt  }
0x6a: {  	_ =	shalt  }
0x6b: {  	_ =	shalt  }
0x6c: {  	_ =	shalt  }
0x6d: {  	_ =	shalt  }
0x6e: {  	_ =	shalt  }
0x6f: {  	_ =	shalt  }
0x70: {  	_ =	shalt  }
0x71: {  	_ =	shalt  }
0x72: {  	_ =	shalt  }
0x73: {  	_ =	shalt  }
0x74: {  	_ =	shalt  }
0x75: {  	_ =	shalt  }
0x76: {  	_ =	shalt  }
0x77: {  	_ =	shalt  }
0x78: {  	_ =	shalt  }
0x79: {  	_ =	shalt  }
0x7a: {  	_ =	shalt  }
0x7b: {  	_ =	shalt  }
0x7c: {  	_ =	shalt  }
0x7d: {  	_ =	shalt  }
0x7e: {  	_ =	shalt  }
0x7f: {  	_ =	shalt  }
0x80: {  	_ =	shalt  }
0x81: {  	_ =	shalt  }
0x82: {  	_ =	shalt  }
0x83: {  	_ =	shalt  }
0x84: {  	_ =	shalt  }
0x85: {  	_ =	shalt  }
0x86: {  	_ =	shalt  }
0x87: {  	_ =	shalt  }
.Lfunc_end0:
.L_simem_size_0:
called_computation_lowered:
.L_overlay_start_0:
0x88: {  	s2 =	sld [smem:$0x3FD9]  }
0x89: {  	s3 =	sld [smem:$0x3FFE];
	_ =	sdelay $0x1  }
0x8a: {  	s1 =	srdreg.scid  }
0x8b: {  	s0 =	sand.u32 $0x1, s1  }
0x8c: {  	s17 =	sshll.u32 s0, $0xA;
	s2 =	sadd.s32 s3, s2  }
0x8d: {  	s2 =	sadd.s32 s2, s17  }
0x8e: {  	[smem:$0x3FC2] =	sst s2  }
0x8f: {  	_ = 	snop  }
0x90: {  	s2 =	sld [smem:$0x3FC9]  }
0x91: {  	s18 =	sld [smem:$0x3FC7]  }
0x92: {  	s4 =	sld [smem:$0x3FD0];
	(tm) =	ssettm $0x1  }
0x93: {  	s5 =	sld [smem:$0x3FFB];
	_ =	sdelay $0x3  }
0x94: {  	_ =	strace s5  }
0x95: {  	s5 =	sld [smem:$0x3FFC];
	_ =	sdelay $0x3  }
0x96: {  	_ =	strace s5  }
0x97: {  	s5 =	sld [smem:$0x3FFD];
	_ =	sdelay $0x3  }
0x98: {  	_ =	strace s5  }
0x99: {  	_ =	strace $0x8FFFFFFF  }
0x9a: {  	s19 =	sld [smem:$0x3FDB];
	_ =	sdelay $0x1  }
0x9b: {  	s6 =	simm.s32 $_scs_section_size  }
0x9c: {  	s7 =	simm.s32 $_size__tile_overlayer_lowered;
	s8 =	simm.s32 $_tile_overlayer_lowered  }
0x9d: {  	s22 =	simm.s32 $0x1BFF;
	s21 =	sshll.u32 s8, $0x1;
	s5 =	sadd.s32 s6, s19  }
0x9e: {  	s9 =	simm.s32 $0x0;
	s20 =	sshll.u32 s7, $0x1;
	s7 =	sadd.s32 s21, s5  }
0x9f: {  	[timem:s9], [sflag:s22] =	dma.local [hbm:s7], s20  }
0xa0: {  	_ =	swait.ge [sflag:s22], s20  }
0xa1: {  	s6 =	ssub.s32 $0x0, s20;
	[sflag:s22] =	ssyncset.done $0x0  }
0xa2: {  	[sflag:s22] =	ssyncadd.s32 s6;
	_ =	sdelay $0x1  }
0xa3: {  	s23 =	simm.s32 $0x1B8B  }
0xa4: {  	_ =	swait.ge [sflag:s23], $0x1  }
0xa5: {  	[sflag:s23] =	ssyncset.done $0x0  }
0xa6: {  	s25 =	simm.s32 $0x1B8E;
	s24 =	sld [smem:$0x3FFE];
	[sflag:s23] =	ssyncadd.s32 $0xFFFFFFFF  }
0xa7: {  	s26 =	simm.s32 $execute0_lowered;
	[smem:$0x3FD2] =	sst s25  }
0xa8: {  	s7 =	sshll.u32 s26, $0x1;
	_ =	strace $0x80000046;
	[dreg:$0x1] =	wrdreg $0xFFFFFFFF  }
0xa9: {  	s28 =	simm.s32 $_size_execute0_lowered;
	s5 =	sadd.s32 s5, s7;
	[dreg:$0x0] =	wrdreg $0x0  }
0xaa: {  	s7 =	sshll.u32 s28, $0x1;
	[dreg:$0x2] =	wrdreg s5  }
0xab: {  	[dreg:$0x3] =	wrdreg s7  }
0xac: {  	[dreg:$0x4] =	wrdreg $0xC0  }
0xad: {  	_ =	task [dreg:s9], $0x5FFFF  }
0xae: {  	[dreg:$0x1] =	wrdreg $0xFFFFFFFF  }
0xaf: {  	[dreg:$0x0] =	wrdreg $0x60  }
0xb0: {  	[dreg:$0x2] =	wrdreg s24  }
0xb1: {  	[dreg:$0x3] =	wrdreg s18  }
0xb2: {  	[dreg:$0x4] =	wrdreg s2  }
0xb3: {  	[dreg:$0x5] =	wrdreg s4  }
0xb4: {  	[dreg:$0x6] =	wrdreg $0xB5800  }
0xb5: {  	[dreg:$0x7] =	wrdreg $0x1EE000  }
0xb6: {  	[dreg:$0x8] =	wrdreg $0x9  }
0xb7: {  	_ =	task.clear_ibuf [dreg:s9], $0x9FFFF;
	_ =	strace $0x90000046  }
0xb8: {  	s29 =	simm.s32 $0x9;
	_ =	strace $0x80000048  }
0xb9: {  	_ =	swait.ge [sflag:s29], $0x1  }
0xba: {  	[sflag:s29] =	ssyncadd.s32 $0xFFFFFFFF  }
0xbb: {  	_ =	strace $0x90000048  }
0xbc: {  	_ =	sfence  }
0xbd: {  	s30 =	sld [smem:$0x0];
	_ =	sdelay $0x2  }
0xbe: {  	s31 =	sshll.u32 s1, $0xD;
	s1 =	sshrl.u32 s1, $0x2  }
0xbf: {  	s3 =	sand.u32 $0x4000, s31;
	s1 =	sadd.s32 s1, s30  }
0xc0: {  	s0 =	sor.u32 s3, s0;
	s1 =	sshll.u32 s1, $0x11  }
0xc1: {  	s0 =	sor.u32 s1, s0  }
0xc2: {  	s0 =	sadd.s32 $0x8F2B, s0  }
0xc3: {  	[sflag:s0] =	ssyncadd.remote.s32 $0x1  }
0xc4: {  	_ =	sfence.sel $0xFFFF  }
0xc5: {  	[dreg:$0x0] =	wrdreg $0xFFFFFFFF;
	(pc) =	sbr.abs _section_cstart, $3  }
0xc6: {  	[dreg:$0x1] =	wrdreg $0xFFFFFFFF  }
0xc7: {  	_ =	task.clear_ibuf [dreg:s9], $0x2FFFF;
	_ =	strace $0x9FFFFFFF  }
0xc8: {  	(tm) =	ssettm $0x7FFFFFFF  }
0xc9: {  	_ =	shalt  }
tec
execute0_lowered:
.L_overlay_start_1:
0x0: {  	(tag) =	ssettag $0x1  }
0x1: {  	s13 =	rddreg [dreg:$0x0]  }
0x2: {  	s0 =	rddreg [dreg:$0x1]  }
0x3: {  	s2 =	rddreg [dreg:$0x2]  }
0x4: {  	s3 =	rddreg [dreg:$0x3]  }
0x5: {  	s4 =	rddreg [dreg:$0x4]  }
0x6: {  	s5 =	rddreg [dreg:$0x5];
	s6 =	srdreg.scid  }
0x7: {  	s7 =	stileid.u32;
	s21 =	simm.s32 $0x5;
	s22 =	simm.s32 $0x6  }
0x8: {  	s14 =	sand.u32 $0x1, s6;
	s6 =	simm.s32 $0x0;
	s12 =	smul.u32 $0x1F400, s7  }
0x9: {  	s8 =	sadd.s32 $0xB200, s13;
	s9 =	sadd.s32 $0x1400, s13;
	s10 =	sadd.s32 $0x15000, s13  }
0xa: {  	s16 =	sshll.u32 s7, $0x1;
	s20 =	smul.u32 $0x7D000, s7;
	p0 =	slt.u32 s7, $0x2  }
0xb: {  	p1 =	sgt.u32 s7, $0x9;
	s11 =	smul.u32 $0x138800, s14;
	[smem:$0x7FF] =	sst s6  }
0xc: {  	s16 =	sor.u32 s14, s16;
	s17 =	sshll.u32 s14, $0x4;
	s14 =	ssub.s32 $0x2, s14  }
0xd: {  	p2 =	sne.s32 @!p1 s7, $0x0;
	_ =	strace $0x80000047;
	s18 =	smul.u32 $0x4E, s16  }
0xe: {  	s19 =	sshrl.u32 s14, $0x1;
	s16 =	smin.u32 s16, $0x4;
	s17 =	sadd.s32 s17, s13  }
0xf: {  	s31 =	sshrl.u32 s20, $0x2;
	s20 =	simm.s32 $0x80;
	p2 =	por p2, p1  }
0x10: {  	s12 =	sadd.s32 s12, s11;
	s11 =	sadd.s32 $0x28A00, s13;
	s19 =	ssub.s32 s14, s19  }
.Ltmp0:
0x11: {  	s14 =	simm.s32 $0x4F;
	s23 =	sadd.s32 s31, s4;
	(pc) =	sbr.rel .LBB2_1-.Ltmp0, $4  }
0x12: {  	s15 =	sshrl.u32 s12, $0x3;
	s12 =	sadd.s32 $0x3C400, s13;
	s14 =	simm.s32 @!p0 $0x4E  }
0x13: {  	p0 =	sne.s32 s7, $0x0;
	s23 =	sshrl.u32 @!p1 s23, $0x3;
	s15 =	sadd.s32 s15, s13  }
0x14: {  	s13 =	sadd.s32 s16, s18;
	s16 =	sadd.s32 $0x3CA00, s17;
	s17 =	smax.u32 s19, $0x1  }
0x15: {  	s18 =	sshrl.u32 @!p0 s4, $0x3;
	s19 =	sshrl.u32 @!p0 s5, $0x3;
	s15 =	sadd.s32 $0x3D400, s15  }
.LBB2_9:
0x16: {  	_ =	swait.ge [sflag:s21], $0x4000  }
0x17: {  	[sflag:s21] =	ssyncset.done $0x0  }
0x18: {  	[sflag:s21] =	ssyncadd.s32 $0xFFFFC000  }
0x19: {  	_ =	swait.ge [sflag:s21], $0x80  }
0x1a: {  	[sflag:s21] =	ssyncset.done $0x0  }
0x1b: {  	[sflag:s21] =	ssyncadd.s32 $0xFFFFFF80  }
0x1c: {  	_ =	swait.ge [sflag:s22], $0x4000  }
0x1d: {  	[sflag:s22] =	ssyncset.done $0x0  }
0x1e: {  	[sflag:s22] =	ssyncadd.s32 $0xFFFFC000  }
0x1f: {  	_ =	swait.ge [sflag:s22], $0x80  }
0x20: {  	[sflag:s22] =	ssyncset.done $0x0  }
0x21: {  	s1 =	sshll.u32 @!p1 s7, $0x6;
	[sflag:s22] =	ssyncadd.s32 $0xFFFFFF80  }
0x22: {  	s1 =	sor.u32 @!p1 $0x1C07, s1;
	[bflag:$0x0] =	sbarrier.arrive $0xFFFF  }
0x23: {  	[hbm:s15], [sflag:s1] =	dma.local @!p1 [spmem:s23], $0x3E80  }
0x24: {  	s24 =	simm.s32 @!p2 $0x1;
	s1 =	simm.s32 @!p1 $0x7  }
0x25: {  	s25 =	simm.s32 @!p2 $0x20;
	s26 =	simm.s32 @!p2 $0x10;
	_ =	swait.ge @!p1 [sflag:s1], $0x3E80  }
0x26: {  	s28 =	simm.s32 @!p2 $0x1C07;
	s6 =	sadd.s32 $0x1, s6;
	[sflag:s1] =	ssyncset.done @!p1 $0x0  }
0x27: {  	p3 =	sne.s32 s6, s17;
	[sflag:s1] =	ssyncadd.s32 @!p1 $0xFFFFC180;
	s1 =	sshrl.u32 @!p2 s5, $0x3  }
0x28: {  	[hbm:s16@s25], [sflag:s28] =	dma.strided @!p2 [spmem:s1@s26], $0x4F0, s24, $0x10   }
.Ltmp1:
0x29: {  	_ = 	snop;
	(pc) =	sbr.rel @!p3 .LBB2_10-.Ltmp1, $4  }
0x2a: {  	s1 =	simm.s32 @!p2 $0x7  }
0x2b: {  	_ =	swait.ge @!p2 [sflag:s1], $0x4F0  }
0x2c: {  	[sflag:s1] =	ssyncset.done @!p2 $0x0  }
0x2d: {  	[sflag:s1] =	ssyncadd.s32 @!p2 $0xFFFFFB10  }
.LBB2_1:
0x2e: {  	s24 =	simm.s32 @!p0 $0x1C07;
	s25 =	simm.s32 @!p0 $0x7  }
0x2f: {  	[spmem:s18], [sflag:s24] =	dma.local @!p0 [hbm:s3], $0x27100  }
0x30: {  	_ =	swait.ge @!p0 [sflag:s25], $0x27100  }
0x31: {  	[sflag:s25] =	ssyncset.done @!p0 $0x0  }
0x32: {  	[sflag:s25] =	ssyncadd.s32 @!p0 $0xFFFD8F00  }
0x33: {  	[spmem:s19], [sflag:s24] =	dma.local @!p0 [hbm:s12], $0x4F0  }
.Ltmp2:
0x34: {  	_ =	swait.ge @!p0 [sflag:s25], $0x4F0;
	(pc) =	sbr.rel .LBB2_2-.Ltmp2, $4  }
0x35: {  	[sflag:s25] =	ssyncset.done @!p0 $0x0  }
0x36: {  	[sflag:s25] =	ssyncadd.s32 @!p0 $0xFFFFFB10  }
0x37: {  	[bflag:$0x0] =	sbarrier.arrive $0xFFFF  }
0x38: {  	s24 =	simm.s32 $0x0  }
.LBB2_8:
0x39: {  	s24 =	sadd.s32 $0x1, s24  }
0x3a: {  	p3 =	sne.s32 s24, $0x51  }
.Ltmp3:
0x3b: {  	_ = 	snop;
	(pc) =	sbr.rel @!p3 .LBB2_9-.Ltmp3, $1  }
0x3c: {  	_ =	sdelay $0x3  }
.LBB2_2:
0x3d: {  	p3 =	sgt.u32 s24, $0x4E  }
0x3e: {  	s25 =	sadd.s32 @!p3 s24, s13  }
0x3f: {  	p4 =	slt.s32 @!p3 s25, $0x9C3  }
0x40: {  	p4 =	por !p4, p3  }
0x41: {  	s26 =	sand.u32 @!p3 $0x1, s24;
	s25 =	simm.s32 @p4 $0x9C3  }
0x42: {  	s29 =	sshll.u32 @!p3 s24, $0xA;
	s30 =	simm.s32 @!p3 $0x1;
	s28 =	sshll.u32 @!p3 s26, $0x4;
	v0 =	vmov @!p3 s25  }
0x43: {  	s25 =	sor.u32 @!p3 $0x3000, s28;
	[tilespmem:s28+$0x3000] =	vst @!p3 v0;
	s28 =	sand.u32 @!p3 $0xC00, s29;
	s29 =	sadd.s32 @!p3 $0x1, s26  }
0x44: {  	[tilespmem:s28], [sflag:s29] =	stream.indirect.gather @!p3 [hbm4b:s8+s30], $0x80, s25, s30, $0xb8;
	[tilespmem:$0x1F078] =	vst v63  }
0x45: {  	s26 =	sor.u32 @!p3 $0x1000, s28  }
0x46: {  	[tilespmem:s26], [sflag:s29] =	stream.indirect.gather @!p3 [hbm4b:s9+s30], $0x80, s25, s30, $0xb8;
	[tilespmem:$0x1F078] =	vst v63  }
0x47: {  	s28 =	sor.u32 @!p3 $0x2000, s28;
	s26 =	sadd.s32 $0xFFFFFFFF, s24  }
0x48: {  	[tilespmem:s28], [sflag:s29] =	stream.indirect.gather @!p3 [hbm4b:s0+s30], $0x80, s25, s30, $0xb8;
	[tilespmem:$0x1F078] =	vst v63  }
0x49: {  	p3 =	sgt.u32 s26, $0x4E  }
.Ltmp4:
0x4a: {  	_ = 	snop;
	(pc) =	sbr.rel @p3 .LBB2_4-.Ltmp4, $1  }
0x4b: {  	_ =	sdelay $0x3  }
0x4c: {  	s25 =	sand.u32 $0x1, s26  }
0x4d: {  	s28 =	sadd.s32 $0x1, s25  }
0x4e: {  	_ =	swait.ge [sflag:s28], $0x80  }
0x4f: {  	[sflag:s28] =	ssyncset.done $0x0  }
0x50: {  	[sflag:s28] =	ssyncadd.s32 $0xFFFFFF80  }
0x51: {  	_ =	swait.ge [sflag:s28], $0x80  }
0x52: {  	[sflag:s28] =	ssyncset.done $0x0  }
0x53: {  	[sflag:s28] =	ssyncadd.s32 $0xFFFFFF80  }
0x54: {  	_ =	swait.ge [sflag:s28], $0x80  }
0x55: {  	p3 =	slt.u32 s24, $0x3;
	[sflag:s28] =	ssyncset.done $0x0  }
0x56: {  	[sflag:s28] =	ssyncadd.s32 $0xFFFFFF80;
	s28 =	sadd.s32 @!p3 $0x5, s25  }
0x57: {  	_ =	swait.ge @!p3 [sflag:s28], $0x4000  }
0x58: {  	[sflag:s28] =	ssyncset.done @!p3 $0x0  }
0x59: {  	[sflag:s28] =	ssyncadd.s32 @!p3 $0xFFFFC000  }
0x5a: {  	_ =	swait.ge @!p3 [sflag:s28], $0x80  }
0x5b: {  	s29 =	sshll.u32 s26, $0xA;
	[sflag:s28] =	ssyncset.done @!p3 $0x0  }
0x5c: {  	s26 =	sand.u32 $0xC00, s29;
	[sflag:s28] =	ssyncadd.s32 @!p3 $0xFFFFFF80  }
0x5d: {  	v0 =	vld [tilespmem:s26+$0x0]  }
0x5e: {  	v1 =	vld [tilespmem:s26+$0x1000]  }
0x5f: {  	v2 =	vld [tilespmem:s26+$0x2000];
	_ =	sdelay $0x3  }
0x60: {  	v0 =	vshll.u32 v0, $0x6  }
0x61: {  	s28 =	sshll.u32 s25, $0x7;
	v1 =	vshll.u32 v1, $0x6;
	v0 =	vadd.s32 v0, v2  }
0x62: {  	v42 =	vadd.s32 v2, v1;
	[tilespmem:s28+$0x3080] =	vst v0  }
0x63: {  	s29 =	sor.u32 $0x10, s26;
	[tilespmem:s28+$0x3180] =	vst v42  }
0x64: {  	s30 =	sor.u32 $0x1010, s26;
	v0 =	vld [tilespmem:s29+$0x0]  }
0x65: {  	s31 =	sor.u32 $0x2010, s26;
	v43 =	vld [tilespmem:s30+$0x0]  }
0x66: {  	v44 =	vld [tilespmem:s31+$0x0];
	_ =	sdelay $0x3  }
0x67: {  	v0 =	vshll.u32 v0, $0x6  }
0x68: {  	v1 =	vshll.u32 v43, $0x6;
	v0 =	vadd.s32 v0, v44  }
0x69: {  	v45 =	vadd.s32 v44, v1;
	[tilespmem:s28+$0x3090] =	vst v0  }
0x6a: {  	s1 =	sor.u32 $0x20, s26;
	[tilespmem:s28+$0x3190] =	vst v45  }
0x6b: {  	s30 =	sor.u32 $0x1020, s26;
	v0 =	vld [tilespmem:s1+$0x0]  }
0x6c: {  	s31 =	sor.u32 $0x2020, s26;
	v46 =	vld [tilespmem:s30+$0x0]  }
0x6d: {  	v47 =	vld [tilespmem:s31+$0x0];
	_ =	sdelay $0x3  }
0x6e: {  	v0 =	vshll.u32 v0, $0x6  }
0x6f: {  	v1 =	vshll.u32 v46, $0x6;
	v0 =	vadd.s32 v0, v47  }
0x70: {  	v48 =	vadd.s32 v47, v1;
	[tilespmem:s28+$0x30A0] =	vst v0  }
0x71: {  	s1 =	sor.u32 $0x30, s26;
	[tilespmem:s28+$0x31A0] =	vst v48  }
0x72: {  	s30 =	sor.u32 $0x1030, s26;
	v0 =	vld [tilespmem:s1+$0x0]  }
0x73: {  	s31 =	sor.u32 $0x2030, s26;
	v49 =	vld [tilespmem:s30+$0x0]  }
0x74: {  	v50 =	vld [tilespmem:s31+$0x0];
	_ =	sdelay $0x3  }
0x75: {  	v0 =	vshll.u32 v0, $0x6  }
0x76: {  	v1 =	vshll.u32 v49, $0x6;
	v0 =	vadd.s32 v0, v50  }
0x77: {  	v51 =	vadd.s32 v50, v1;
	[tilespmem:s28+$0x30B0] =	vst v0  }
0x78: {  	s1 =	sor.u32 $0x40, s26;
	[tilespmem:s28+$0x31B0] =	vst v51  }
0x79: {  	s30 =	sor.u32 $0x1040, s26;
	v0 =	vld [tilespmem:s1+$0x0]  }
0x7a: {  	s31 =	sor.u32 $0x2040, s26;
	v52 =	vld [tilespmem:s30+$0x0]  }
0x7b: {  	v53 =	vld [tilespmem:s31+$0x0];
	_ =	sdelay $0x3  }
0x7c: {  	v0 =	vshll.u32 v0, $0x6  }
0x7d: {  	v1 =	vshll.u32 v52, $0x6;
	v0 =	vadd.s32 v0, v53  }
0x7e: {  	v54 =	vadd.s32 v53, v1;
	[tilespmem:s28+$0x30C0] =	vst v0  }
0x7f: {  	s1 =	sor.u32 $0x50, s26;
	[tilespmem:s28+$0x31C0] =	vst v54  }
0x80: {  	s30 =	sor.u32 $0x1050, s26;
	v0 =	vld [tilespmem:s1+$0x0]  }
0x81: {  	s31 =	sor.u32 $0x2050, s26;
	v55 =	vld [tilespmem:s30+$0x0]  }
0x82: {  	v56 =	vld [tilespmem:s31+$0x0];
	_ =	sdelay $0x3  }
0x83: {  	v0 =	vshll.u32 v0, $0x6  }
0x84: {  	v1 =	vshll.u32 v55, $0x6;
	v0 =	vadd.s32 v0, v56  }
0x85: {  	v57 =	vadd.s32 v56, v1;
	[tilespmem:s28+$0x30D0] =	vst v0  }
0x86: {  	s1 =	sor.u32 $0x60, s26;
	[tilespmem:s28+$0x31D0] =	vst v57  }
0x87: {  	s30 =	sor.u32 $0x1060, s26;
	v0 =	vld [tilespmem:s1+$0x0]  }
0x88: {  	s31 =	sor.u32 $0x2060, s26;
	v58 =	vld [tilespmem:s30+$0x0]  }
0x89: {  	v59 =	vld [tilespmem:s31+$0x0];
	_ =	sdelay $0x3  }
0x8a: {  	v0 =	vshll.u32 v0, $0x6  }
0x8b: {  	v1 =	vshll.u32 v58, $0x6;
	v0 =	vadd.s32 v0, v59  }
0x8c: {  	v60 =	vadd.s32 v59, v1;
	[tilespmem:s28+$0x30E0] =	vst v0  }
0x8d: {  	s1 =	sor.u32 $0x70, s26;
	[tilespmem:s28+$0x31E0] =	vst v60  }
0x8e: {  	s30 =	sor.u32 $0x1070, s26;
	v0 =	vld [tilespmem:s1+$0x0]  }
0x8f: {  	s31 =	sor.u32 $0x2070, s26;
	v61 =	vld [tilespmem:s30+$0x0]  }
0x90: {  	v62 =	vld [tilespmem:s31+$0x0];
	_ =	sdelay $0x3  }
0x91: {  	v0 =	vshll.u32 v0, $0x6  }
0x92: {  	v1 =	vshll.u32 v61, $0x6;
	v0 =	vadd.s32 v0, v62  }
0x93: {  	v63 =	vadd.s32 v62, v1;
	[tilespmem:s28+$0x30F0] =	vst v0  }
0x94: {  	s1 =	sadd.s32 $0x3080, s28;
	s30 =	sadd.s32 $0x3280, s28;
	s31 =	sadd.s32 $0x3, s25;
	[tilespmem:s28+$0x31F0] =	vst v63  }
0x95: {  	[tilespmem:s30], [sflag:s31] =	stream.indirect.gather [hbm4b:s10+s20], $0x1, s1, s20, $0xb8;
	[tilespmem:$0x1F078] =	vst v63  }
0x96: {  	s25 =	sshll.u32 s25, $0xE;
	s30 =	sadd.s32 $0x3180, s28;
	s28 =	sadd.s32 $0x3380, s28  }
0x97: {  	[tilespmem:s28], [sflag:s31] =	stream.indirect.gather [hbm4b:s11+s20], $0x1, s30, s20, $0xb8;
	[tilespmem:$0x1F078] =	vst v63  }
0x98: {  	s26 =	sor.u32 $0x1000, s26;
	s25 =	sor.u32 $0x3480, s25  }
0x99: {  	[tilespmem:s25], [sflag:s31] =	stream.indirect.gather [hbm4b:s2+s20], $0x80, s26, s20, $0xb8;
	[tilespmem:$0x1F078] =	vst v63  }
.LBB2_4:
0x9a: {  	p3 =	slt.u32 s24, $0x2  }
.Ltmp5:
0x9b: {  	_ = 	snop;
	(pc) =	sbr.rel @p3 .LBB2_8-.Ltmp5, $1  }
0x9c: {  	_ =	sdelay $0x3  }
0x9d: {  	s25 =	sand.u32 $0x1, s24  }
0x9e: {  	s28 =	sadd.s32 $0x3, s25  }
0x9f: {  	_ =	swait.ge [sflag:s28], $0x80  }
0xa0: {  	[sflag:s28] =	ssyncset.done $0x0  }
0xa1: {  	[sflag:s28] =	ssyncadd.s32 $0xFFFFFF80  }
0xa2: {  	_ =	swait.ge [sflag:s28], $0x80  }
0xa3: {  	[sflag:s28] =	ssyncset.done $0x0  }
0xa4: {  	[sflag:s28] =	ssyncadd.s32 $0xFFFFFF80  }
0xa5: {  	_ =	swait.ge [sflag:s28], $0x4000  }
0xa6: {  	[sflag:s28] =	ssyncset.done $0x0  }
0xa7: {  	s26 =	sshll.u32 s25, $0x7;
	[sflag:s28] =	ssyncadd.s32 $0xFFFFC000  }
0xa8: {  	v0 =	vld [tilespmem:s26+$0x3280]  }
0xa9: {  	v1 =	vld [tilespmem:s26+$0x3380];
	_ =	sdelay $0x4  }
0xaa: {  	v0 =	vadd.f32 v1, v0;
	_ =	sdelay $0x1  }
0xab: {  	v0 =	vsub.f32 $0.0e+00, v0;
	_ =	sdelay $0x1  }
0xac: {  	v0 =	vmul.f32 $1.442695020e+00, v0;
	_ =	sdelay $0x1  }
0xad: {  	(erf) = vpow2.f32 v0  }
0xae: {  	v1 =	vld [tilespmem:s26+$0x3390]  }
0xaf: {  	v0 =	vld [tilespmem:s26+$0x3290];
	_ =	sdelay $0x4  }
0xb0: {  	v0 =	vadd.f32 v1, v0;
	_ =	sdelay $0x1  }
0xb1: {  	v0 =	vsub.f32 $0.0e+00, v0;
	v1 =	vpop (erf)  }
0xb2: {  	v1 =	vadd.f32 $1.000000000e+00, v1  }
0xb3: {  	v0 =	vmul.f32 $1.442695020e+00, v0  }
0xb4: {  	(erf) = vrcp.f32 v1  }
0xb5: {  	(erf) = vpow2.f32 v0  }
0xb6: {  	v1 =	vld [tilespmem:s26+$0x33A0]  }
0xb7: {  	v0 =	vld [tilespmem:s26+$0x32A0];
	_ =	sdelay $0x4  }
0xb8: {  	v0 =	vadd.f32 v1, v0  }
0xb9: {  	v1 =	vpop (erf)  }
0xba: {  	v0 =	vsub.f32 $0.0e+00, v0;
	v2 =	vpop (erf)  }
0xbb: {  	v2 =	vadd.f32 $1.000000000e+00, v2  }
0xbc: {  	v0 =	vmul.f32 $1.442695020e+00, v0  }
0xbd: {  	(erf) = vrcp.f32 v2  }
0xbe: {  	(erf) = vpow2.f32 v0  }
0xbf: {  	v2 =	vld [tilespmem:s26+$0x33B0]  }
0xc0: {  	v0 =	vld [tilespmem:s26+$0x32B0];
	_ =	sdelay $0x4  }
0xc1: {  	v0 =	vadd.f32 v2, v0  }
0xc2: {  	v2 =	vpop (erf)  }
0xc3: {  	v0 =	vsub.f32 $0.0e+00, v0;
	v3 =	vpop (erf)  }
0xc4: {  	v3 =	vadd.f32 $1.000000000e+00, v3  }
0xc5: {  	v0 =	vmul.f32 $1.442695020e+00, v0  }
0xc6: {  	(erf) = vrcp.f32 v3  }
0xc7: {  	(erf) = vpow2.f32 v0  }
0xc8: {  	v3 =	vld [tilespmem:s26+$0x33C0]  }
0xc9: {  	v0 =	vld [tilespmem:s26+$0x32C0];
	_ =	sdelay $0x4  }
0xca: {  	v0 =	vadd.f32 v3, v0  }
0xcb: {  	v3 =	vpop (erf)  }
0xcc: {  	v0 =	vsub.f32 $0.0e+00, v0;
	v4 =	vpop (erf)  }
0xcd: {  	v4 =	vadd.f32 $1.000000000e+00, v4  }
0xce: {  	v0 =	vmul.f32 $1.442695020e+00, v0  }
0xcf: {  	(erf) = vrcp.f32 v4  }
0xd0: {  	(erf) = vpow2.f32 v0  }
0xd1: {  	v56 =	vld [tilespmem:s26+$0x33D0]  }
0xd2: {  	v0 =	vld [tilespmem:s26+$0x32D0];
	_ =	sdelay $0x4  }
0xd3: {  	v0 =	vadd.f32 v56, v0  }
0xd4: {  	v57 =	vpop (erf)  }
0xd5: {  	v0 =	vsub.f32 $0.0e+00, v0;
	v5 =	vpop (erf)  }
0xd6: {  	v5 =	vadd.f32 $1.000000000e+00, v5  }
0xd7: {  	v0 =	vmul.f32 $1.442695020e+00, v0  }
0xd8: {  	(erf) = vrcp.f32 v5  }
0xd9: {  	(erf) = vpow2.f32 v0  }
0xda: {  	v58 =	vld [tilespmem:s26+$0x33E0]  }
0xdb: {  	v0 =	vld [tilespmem:s26+$0x32E0];
	_ =	sdelay $0x4  }
0xdc: {  	v0 =	vadd.f32 v58, v0  }
0xdd: {  	v59 =	vpop (erf)  }
0xde: {  	v0 =	vsub.f32 $0.0e+00, v0;
	v6 =	vpop (erf)  }
0xdf: {  	v6 =	vadd.f32 $1.000000000e+00, v6  }
0xe0: {  	v0 =	vmul.f32 $1.442695020e+00, v0  }
0xe1: {  	(erf) = vrcp.f32 v6  }
0xe2: {  	(erf) = vpow2.f32 v0  }
0xe3: {  	v60 =	vld [tilespmem:s26+$0x33F0]  }
0xe4: {  	v0 =	vld [tilespmem:s26+$0x32F0];
	_ =	sdelay $0x4  }
0xe5: {  	v0 =	vadd.f32 v60, v0  }
0xe6: {  	v61 =	vpop (erf)  }
0xe7: {  	v0 =	vsub.f32 $0.0e+00, v0;
	v7 =	vpop (erf)  }
0xe8: {  	v7 =	vadd.f32 $1.000000000e+00, v7  }
0xe9: {  	v0 =	vmul.f32 $1.442695020e+00, v0  }
0xea: {  	(erf) = vrcp.f32 v7  }
0xeb: {  	(erf) = vpow2.f32 v0;
	_ =	sdelay $0x4  }
0xec: {  	s28 =	sadd.s32 $0xFFFFFFFE, s24  }
0xed: {  	s29 =	simm.f32 $1.000000000e+00;
	p3 =	slt.s32 s28, s14  }
0xee: {  	s29 =	simm.s32 @!p3 $0x0  }
0xef: {  	v8 =	vmov s29;
	v1 =	vmul.f32 s29, v1;
	v0 =	vpop (erf)  }
0xf0: {  	[tilespmem:s26+$0xB480] =	vst v8;
	v62 =	vpop (erf)  }
0xf1: {  	[tilespmem:s26+$0x3280] =	vst v1;
	v1 =	vmul.f32 s29, v2;
	v2 =	vadd.f32 $1.000000000e+00, v62  }
0xf2: {  	[tilespmem:s26+$0xB490] =	vst v8  }
0xf3: {  	[tilespmem:s26+$0x3290] =	vst v1;
	v1 =	vmul.f32 s29, v3;
	(erf) = vrcp.f32 v2  }
0xf4: {  	[tilespmem:s26+$0xB4A0] =	vst v8  }
0xf5: {  	[tilespmem:s26+$0x32A0] =	vst v1;
	v1 =	vmul.f32 s29, v57  }
0xf6: {  	[tilespmem:s26+$0xB4B0] =	vst v8  }
0xf7: {  	[tilespmem:s26+$0x32B0] =	vst v1;
	v1 =	vmul.f32 s29, v59  }
0xf8: {  	[tilespmem:s26+$0xB4C0] =	vst v8  }
0xf9: {  	[tilespmem:s26+$0x32C0] =	vst v1;
	v1 =	vmul.f32 s29, v61  }
0xfa: {  	s30 =	sadd.s32 $0x3280, s26;
	[tilespmem:s26+$0xB4D0] =	vst v8  }
0xfb: {  	[tilespmem:s26+$0x32D0] =	vst v1;
	v1 =	vmul.f32 s29, v0;
	v0 =	vmov s30  }
0xfc: {  	[tilespmem:s26+$0xB4E0] =	vst v8;
	v2 =	vpop (erf)  }
0xfd: {  	[tilespmem:s26+$0x32E0] =	vst v1;
	v1 =	vmul.f32 s29, v2  }
0xfe: {  	[tilespmem:s26+$0xB4F0] =	vst v8  }
0xff: {  	s30 =	sadd.s32 $0x0, s26;
	s29 =	simm.s32 $0x0;
	[tilespmem:s26+$0x32F0] =	vst v1  }
0x100: {  	v1 =	vld.idx.msk [tilespmem:v0+s29+$0x0 ss:$0x1], $0xffff;
	s29 =	sshll.u32 s30, $0x7  }
0x101: {  	s29 =	sand.u32 $0x3FFFFF80, s29  }
0x102: {  	v2 =	vld [tilespmem:s29+$0x3480]  }
0x103: {  	v3 =	vld [tilespmem:s29+$0x3490]  }
0x104: {  	v63 =	vld [tilespmem:s29+$0x34A0]  }
0x105: {  	v13 =	vld [tilespmem:s29+$0x34B0];
	v12 =	vbroadcast v1, $0x0  }
0x106: {  	v14 =	vld [tilespmem:s29+$0x34C0]  }
0x107: {  	v8 =	vld [tilespmem:s29+$0x34D0];
	v2 =	vmul.f32 v12, v2  }
0x108: {  	v9 =	vld [tilespmem:s29+$0x34E0];
	v3 =	vmul.f32 v3, v12  }
0x109: {  	v4 =	vmul.f32 v63, v12;
	[tilespmem:s29+$0x3480] =	vst v2;
	v2 =	vld [tilespmem:s29+$0x34F0]  }
0x10a: {  	v19 =	vld [tilespmem:s29+$0x3550];
	v6 =	vmul.f32 v13, v12;
	[tilespmem:s29+$0x3490] =	vst v3  }
0x10b: {  	v7 =	vmul.f32 v14, v12;
	v3 =	vld [tilespmem:s29+$0x3500];
	[tilespmem:s29+$0x34A0] =	vst v4  }
0x10c: {  	v15 =	vld [tilespmem:s29+$0x3510];
	v8 =	vmul.f32 v8, v12;
	[tilespmem:s29+$0x34B0] =	vst v6  }
0x10d: {  	v16 =	vld [tilespmem:s29+$0x3520];
	v10 =	vbroadcast v1, $0x1;
	v9 =	vmul.f32 v9, v12;
	[tilespmem:s29+$0x34C0] =	vst v7  }
0x10e: {  	v17 =	vld [tilespmem:s29+$0x3530];
	[tilespmem:s29+$0x34D0] =	vst v8;
	v2 =	vmul.f32 v2, v12  }
0x10f: {  	v18 =	vld [tilespmem:s29+$0x3540];
	v5 =	vmul.f32 v19, v10;
	[tilespmem:s29+$0x34E0] =	vst v9  }
0x110: {  	v3 =	vmul.f32 v3, v10;
	[tilespmem:s29+$0x34F0] =	vst v2;
	v2 =	vld [tilespmem:s29+$0x3560]  }
0x111: {  	v24 =	vld [tilespmem:s29+$0x35C0];
	v4 =	vmul.f32 v15, v10;
	[tilespmem:s29+$0x3550] =	vst v5  }
0x112: {  	v6 =	vmul.f32 v16, v10;
	[tilespmem:s29+$0x3500] =	vst v3;
	v3 =	vld [tilespmem:s29+$0x3570]  }
0x113: {  	v20 =	vld [tilespmem:s29+$0x3580];
	v7 =	vmul.f32 v17, v10;
	[tilespmem:s29+$0x3510] =	vst v4  }
0x114: {  	v21 =	vld [tilespmem:s29+$0x3590];
	v25 =	vbroadcast v1, $0x2;
	v8 =	vmul.f32 v18, v10;
	[tilespmem:s29+$0x3520] =	vst v6  }
0x115: {  	v22 =	vld [tilespmem:s29+$0x35A0];
	[tilespmem:s29+$0x3530] =	vst v7;
	v2 =	vmul.f32 v2, v10  }
0x116: {  	v23 =	vld [tilespmem:s29+$0x35B0];
	v5 =	vmul.f32 v24, v25;
	[tilespmem:s29+$0x3540] =	vst v8  }
0x117: {  	v3 =	vmul.f32 v3, v10;
	[tilespmem:s29+$0x3560] =	vst v2;
	v2 =	vld [tilespmem:s29+$0x35D0]  }
0x118: {  	v30 =	vld [tilespmem:s29+$0x3630];
	v4 =	vmul.f32 v20, v25;
	[tilespmem:s29+$0x35C0] =	vst v5  }
0x119: {  	v6 =	vmul.f32 v21, v25;
	[tilespmem:s29+$0x3570] =	vst v3;
	v3 =	vld [tilespmem:s29+$0x35E0]  }
0x11a: {  	v26 =	vld [tilespmem:s29+$0x35F0];
	v7 =	vmul.f32 v22, v25;
	[tilespmem:s29+$0x3580] =	vst v4  }
0x11b: {  	v27 =	vld [tilespmem:s29+$0x3600];
	v31 =	vbroadcast v1, $0x3;
	v8 =	vmul.f32 v23, v25;
	[tilespmem:s29+$0x3590] =	vst v6  }
0x11c: {  	v28 =	vld [tilespmem:s29+$0x3610];
	[tilespmem:s29+$0x35A0] =	vst v7;
	v2 =	vmul.f32 v2, v25  }
0x11d: {  	v29 =	vld [tilespmem:s29+$0x3620];
	v5 =	vmul.f32 v30, v31;
	[tilespmem:s29+$0x35B0] =	vst v8  }
0x11e: {  	v3 =	vmul.f32 v3, v25;
	[tilespmem:s29+$0x35D0] =	vst v2;
	v2 =	vld [tilespmem:s29+$0x3640]  }
0x11f: {  	v36 =	vld [tilespmem:s29+$0x36A0];
	v4 =	vmul.f32 v26, v25;
	[tilespmem:s29+$0x3630] =	vst v5  }
0x120: {  	v6 =	vmul.f32 v27, v31;
	[tilespmem:s29+$0x35E0] =	vst v3;
	v3 =	vld [tilespmem:s29+$0x3650]  }
0x121: {  	v32 =	vld [tilespmem:s29+$0x3660];
	v7 =	vmul.f32 v28, v31;
	[tilespmem:s29+$0x35F0] =	vst v4  }
0x122: {  	v33 =	vld [tilespmem:s29+$0x3670];
	v37 =	vbroadcast v1, $0x4;
	v8 =	vmul.f32 v29, v31;
	[tilespmem:s29+$0x3600] =	vst v6  }
0x123: {  	v34 =	vld [tilespmem:s29+$0x3680];
	[tilespmem:s29+$0x3610] =	vst v7;
	v2 =	vmul.f32 v2, v31  }
0x124: {  	v35 =	vld [tilespmem:s29+$0x3690];
	v5 =	vmul.f32 v36, v37;
	[tilespmem:s29+$0x3620] =	vst v8  }
0x125: {  	v3 =	vmul.f32 v3, v31;
	[tilespmem:s29+$0x3640] =	vst v2;
	v2 =	vld [tilespmem:s29+$0x36B0]  }
0x126: {  	v42 =	vld [tilespmem:s29+$0x3710];
	v4 =	vmul.f32 v32, v31;
	[tilespmem:s29+$0x36A0] =	vst v5  }
0x127: {  	v6 =	vmul.f32 v33, v31;
	[tilespmem:s29+$0x3650] =	vst v3;
	v3 =	vld [tilespmem:s29+$0x36C0]  }
0x128: {  	v38 =	vld [tilespmem:s29+$0x36D0];
	v7 =	vmul.f32 v34, v37;
	[tilespmem:s29+$0x3660] =	vst v4  }
0x129: {  	v39 =	vld [tilespmem:s29+$0x36E0];
	v44 =	vbroadcast v1, $0x5;
	v8 =	vmul.f32 v35, v37;
	[tilespmem:s29+$0x3670] =	vst v6  }
0x12a: {  	v40 =	vld [tilespmem:s29+$0x36F0];
	[tilespmem:s29+$0x3680] =	vst v7;
	v2 =	vmul.f32 v2, v37  }
0x12b: {  	v41 =	vld [tilespmem:s29+$0x3700];
	v5 =	vmul.f32 v42, v44;
	[tilespmem:s29+$0x3690] =	vst v8  }
0x12c: {  	v3 =	vmul.f32 v3, v37;
	[tilespmem:s29+$0x36B0] =	vst v2;
	v2 =	vld [tilespmem:s29+$0x3720]  }
0x12d: {  	v48 =	vld [tilespmem:s29+$0x3780];
	v4 =	vmul.f32 v38, v37;
	[tilespmem:s29+$0x3710] =	vst v5  }
0x12e: {  	v6 =	vmul.f32 v39, v37;
	[tilespmem:s29+$0x36C0] =	vst v3;
	v3 =	vld [tilespmem:s29+$0x3730]  }
0x12f: {  	v43 =	vld [tilespmem:s29+$0x3740];
	v7 =	vmul.f32 v40, v37;
	[tilespmem:s29+$0x36D0] =	vst v4  }
0x130: {  	v45 =	vld [tilespmem:s29+$0x3750];
	v51 =	vbroadcast v1, $0x6;
	v8 =	vmul.f32 v41, v44;
	[tilespmem:s29+$0x36E0] =	vst v6  }
0x131: {  	v46 =	vld [tilespmem:s29+$0x3760];
	[tilespmem:s29+$0x36F0] =	vst v7;
	v2 =	vmul.f32 v2, v44  }
0x132: {  	v47 =	vld [tilespmem:s29+$0x3770];
	v5 =	vmul.f32 v48, v51;
	[tilespmem:s29+$0x3700] =	vst v8  }
0x133: {  	v3 =	vmul.f32 v3, v44;
	[tilespmem:s29+$0x3720] =	vst v2;
	v2 =	vld [tilespmem:s29+$0x3790]  }
0x134: {  	v54 =	vld [tilespmem:s29+$0x37F0];
	v4 =	vmul.f32 v43, v44;
	[tilespmem:s29+$0x3780] =	vst v5  }
0x135: {  	v6 =	vmul.f32 v45, v44;
	[tilespmem:s29+$0x3730] =	vst v3;
	v3 =	vld [tilespmem:s29+$0x37A0]  }
0x136: {  	v49 =	vld [tilespmem:s29+$0x37B0];
	v7 =	vmul.f32 v46, v44;
	[tilespmem:s29+$0x3740] =	vst v4  }
0x137: {  	v50 =	vld [tilespmem:s29+$0x37C0];
	v8 =	vmul.f32 v47, v44;
	[tilespmem:s29+$0x3750] =	vst v6  }
0x138: {  	v52 =	vld [tilespmem:s29+$0x37D0];
	[tilespmem:s29+$0x3760] =	vst v7;
	v2 =	vmul.f32 v2, v51  }
0x139: {  	v53 =	vld [tilespmem:s29+$0x37E0];
	v5 =	vmul.f32 v54, v51;
	[tilespmem:s29+$0x3770] =	vst v8  }
0x13a: {  	v3 =	vmul.f32 v3, v51;
	[tilespmem:s29+$0x3790] =	vst v2;
	v2 =	vld [tilespmem:s29+$0x3800]  }
0x13b: {  	v60 =	vld [tilespmem:s29+$0x3860];
	v4 =	vmul.f32 v49, v51;
	[tilespmem:s29+$0x37F0] =	vst v5  }
0x13c: {  	v6 =	vmul.f32 v50, v51;
	[tilespmem:s29+$0x37A0] =	vst v3;
	v3 =	vld [tilespmem:s29+$0x3810]  }
0x13d: {  	v55 =	vld [tilespmem:s29+$0x3820];
	v58 =	vbroadcast v1, $0x7;
	v7 =	vmul.f32 v52, v51;
	[tilespmem:s29+$0x37B0] =	vst v4  }
0x13e: {  	v56 =	vld [tilespmem:s29+$0x3830];
	v8 =	vmul.f32 v53, v51;
	[tilespmem:s29+$0x37C0] =	vst v6  }
0x13f: {  	v57 =	vld [tilespmem:s29+$0x3840];
	[tilespmem:s29+$0x37D0] =	vst v7;
	v2 =	vmul.f32 v2, v58  }
0x140: {  	v59 =	vld [tilespmem:s29+$0x3850];
	v5 =	vmul.f32 v60, v58;
	[tilespmem:s29+$0x37E0] =	vst v8  }
0x141: {  	v3 =	vmul.f32 v3, v58;
	[tilespmem:s29+$0x3800] =	vst v2;
	v2 =	vld [tilespmem:s29+$0x3870]  }
0x142: {  	v14 =	vld [tilespmem:s29+$0x38D0];
	v4 =	vmul.f32 v55, v58;
	[tilespmem:s29+$0x3860] =	vst v5  }
0x143: {  	v6 =	vmul.f32 v56, v58;
	[tilespmem:s29+$0x3810] =	vst v3;
	v3 =	vld [tilespmem:s29+$0x3880]  }
0x144: {  	v61 =	vld [tilespmem:s29+$0x3890];
	v7 =	vmul.f32 v57, v58;
	[tilespmem:s29+$0x3820] =	vst v4  }
0x145: {  	v62 =	vld [tilespmem:s29+$0x38A0];
	v13 =	vbroadcast v1, $0x8;
	v8 =	vmul.f32 v59, v58;
	[tilespmem:s29+$0x3830] =	vst v6  }
0x146: {  	v63 =	vld [tilespmem:s29+$0x38B0];
	[tilespmem:s29+$0x3840] =	vst v7;
	v2 =	vmul.f32 v2, v58  }
0x147: {  	v12 =	vld [tilespmem:s29+$0x38C0];
	v5 =	vmul.f32 v14, v13;
	[tilespmem:s29+$0x3850] =	vst v8  }
0x148: {  	v3 =	vmul.f32 v3, v13;
	[tilespmem:s29+$0x3870] =	vst v2;
	v2 =	vld [tilespmem:s29+$0x38E0]  }
0x149: {  	v19 =	vld [tilespmem:s29+$0x3940];
	v4 =	vmul.f32 v61, v13;
	[tilespmem:s29+$0x38D0] =	vst v5  }
0x14a: {  	v6 =	vmul.f32 v62, v13;
	[tilespmem:s29+$0x3880] =	vst v3;
	v3 =	vld [tilespmem:s29+$0x38F0]  }
0x14b: {  	v15 =	vld [tilespmem:s29+$0x3900];
	v7 =	vmul.f32 v63, v13;
	[tilespmem:s29+$0x3890] =	vst v4  }
0x14c: {  	v16 =	vld [tilespmem:s29+$0x3910];
	v20 =	vbroadcast v1, $0x9;
	v8 =	vmul.f32 v12, v13;
	[tilespmem:s29+$0x38A0] =	vst v6  }
0x14d: {  	v17 =	vld [tilespmem:s29+$0x3920];
	[tilespmem:s29+$0x38B0] =	vst v7;
	v2 =	vmul.f32 v2, v13  }
0x14e: {  	v18 =	vld [tilespmem:s29+$0x3930];
	v5 =	vmul.f32 v19, v20;
	[tilespmem:s29+$0x38C0] =	vst v8  }
0x14f: {  	v3 =	vmul.f32 v3, v13;
	[tilespmem:s29+$0x38E0] =	vst v2;
	v2 =	vld [tilespmem:s29+$0x3950]  }
0x150: {  	v21 =	vld [tilespmem:s29+$0x3970];
	v4 =	vmul.f32 v15, v20;
	[tilespmem:s29+$0x3940] =	vst v5  }
0x151: {  	v6 =	vmul.f32 v16, v20;
	[tilespmem:s29+$0x38F0] =	vst v3;
	v3 =	vld [tilespmem:s29+$0x3960]  }
0x152: {  	v22 =	vld [tilespmem:s29+$0x3980];
	v7 =	vmul.f32 v17, v20;
	[tilespmem:s29+$0x3900] =	vst v4  }
0x153: {  	v23 =	vld [tilespmem:s29+$0x3990];
	v8 =	vmul.f32 v18, v20;
	[tilespmem:s29+$0x3910] =	vst v6  }
0x154: {  	v24 =	vld [tilespmem:s29+$0x39A0];
	[tilespmem:s29+$0x3920] =	vst v7;
	v2 =	vmul.f32 v2, v20  }
0x155: {  	v26 =	vbroadcast v1, $0xA;
	v27 =	vld [tilespmem:s29+$0x39E0];
	[tilespmem:s29+$0x3930] =	vst v8;
	v4 =	vmul.f32 v21, v20  }
0x156: {  	v3 =	vmul.f32 v3, v20;
	[tilespmem:s29+$0x3950] =	vst v2;
	v2 =	vld [tilespmem:s29+$0x39C0]  }
0x157: {  	v28 =	vld [tilespmem:s29+$0x39F0];
	v6 =	vmul.f32 v22, v26;
	[tilespmem:s29+$0x3970] =	vst v4  }
0x158: {  	v7 =	vmul.f32 v23, v26;
	[tilespmem:s29+$0x3960] =	vst v3;
	v3 =	vld [tilespmem:s29+$0x39D0]  }
0x159: {  	v29 =	vld [tilespmem:s29+$0x3A00];
	v8 =	vmul.f32 v24, v26;
	[tilespmem:s29+$0x3980] =	vst v6  }
0x15a: {  	v30 =	vld [tilespmem:s29+$0x3A10];
	[tilespmem:s29+$0x3990] =	vst v7;
	v4 =	vmul.f32 v27, v26  }
0x15b: {  	v25 =	vld [tilespmem:s29+$0x39B0];
	[tilespmem:s29+$0x39A0] =	vst v8;
	v2 =	vmul.f32 v2, v26  }
0x15c: {  	v32 =	vbroadcast v1, $0xB;
	v33 =	vld [tilespmem:s29+$0x3A50];
	v6 =	vmul.f32 v28, v26;
	[tilespmem:s29+$0x39E0] =	vst v4  }
0x15d: {  	v3 =	vmul.f32 v3, v26;
	[tilespmem:s29+$0x39C0] =	vst v2;
	v2 =	vld [tilespmem:s29+$0x3A30]  }
0x15e: {  	v34 =	vld [tilespmem:s29+$0x3A60];
	v7 =	vmul.f32 v29, v32;
	[tilespmem:s29+$0x39F0] =	vst v6  }
0x15f: {  	v8 =	vmul.f32 v30, v32;
	[tilespmem:s29+$0x39D0] =	vst v3;
	v3 =	vld [tilespmem:s29+$0x3A40]  }
0x160: {  	v35 =	vld [tilespmem:s29+$0x3A70];
	v5 =	vmul.f32 v25, v26;
	[tilespmem:s29+$0x3A00] =	vst v7  }
0x161: {  	v36 =	vld [tilespmem:s29+$0x3A80];
	[tilespmem:s29+$0x3A10] =	vst v8;
	v4 =	vmul.f32 v33, v32  }
0x162: {  	v38 =	vld [tilespmem:s29+$0x3AC0];
	[tilespmem:s29+$0x39B0] =	vst v5;
	v2 =	vmul.f32 v2, v32  }
0x163: {  	v40 =	vld [tilespmem:s29+$0x3AD0];
	v6 =	vmul.f32 v34, v32;
	[tilespmem:s29+$0x3A50] =	vst v4  }
0x164: {  	v39 =	vbroadcast v1, $0xC;
	v3 =	vmul.f32 v3, v32;
	[tilespmem:s29+$0x3A30] =	vst v2;
	v2 =	vld [tilespmem:s29+$0x3AA0]  }
0x165: {  	v41 =	vld [tilespmem:s29+$0x3AE0];
	v7 =	vmul.f32 v35, v32;
	[tilespmem:s29+$0x3A60] =	vst v6  }
0x166: {  	v8 =	vmul.f32 v36, v39;
	[tilespmem:s29+$0x3A40] =	vst v3;
	v3 =	vld [tilespmem:s29+$0x3AB0]  }
0x167: {  	v42 =	vld [tilespmem:s29+$0x3AF0];
	[tilespmem:s29+$0x3A70] =	vst v7;
	v4 =	vmul.f32 v38, v39  }
0x168: {  	v45 =	vld [tilespmem:s29+$0x3B40];
	[tilespmem:s29+$0x3A80] =	vst v8;
	v6 =	vmul.f32 v40, v39  }
0x169: {  	v47 =	vld [tilespmem:s29+$0x3B50];
	[tilespmem:s29+$0x3AC0] =	vst v4;
	v2 =	vmul.f32 v2, v39  }
0x16a: {  	v48 =	vld [tilespmem:s29+$0x3B60];
	v7 =	vmul.f32 v41, v39;
	[tilespmem:s29+$0x3AD0] =	vst v6  }
0x16b: {  	v46 =	vbroadcast v1, $0xD;
	v3 =	vmul.f32 v3, v39;
	[tilespmem:s29+$0x3AA0] =	vst v2;
	v2 =	vld [tilespmem:s29+$0x3B10]  }
0x16c: {  	v31 =	vld [tilespmem:s29+$0x3A20];
	v8 =	vmul.f32 v42, v39;
	[tilespmem:s29+$0x3AE0] =	vst v7  }
0x16d: {  	v6 =	vmul.f32 v45, v46;
	[tilespmem:s29+$0x3AB0] =	vst v3;
	v3 =	vld [tilespmem:s29+$0x3B20]  }
0x16e: {  	v52 =	vld [tilespmem:s29+$0x3BC0];
	[tilespmem:s29+$0x3AF0] =	vst v8;
	v7 =	vmul.f32 v47, v46  }
0x16f: {  	v8 =	vmul.f32 v48, v46;
	[tilespmem:s29+$0x3B40] =	vst v6;
	v37 =	vld [tilespmem:s29+$0x3A90]  }
0x170: {  	v54 =	vld [tilespmem:s29+$0x3BD0];
	[tilespmem:s29+$0x3B50] =	vst v7;
	v2 =	vmul.f32 v2, v46  }
0x171: {  	v53 =	vbroadcast v1, $0xE;
	v43 =	vld [tilespmem:s29+$0x3B00];
	[tilespmem:s29+$0x3B60] =	vst v8;
	v5 =	vmul.f32 v31, v32  }
0x172: {  	v3 =	vmul.f32 v3, v46;
	[tilespmem:s29+$0x3B10] =	vst v2;
	v2 =	vld [tilespmem:s29+$0x3B80]  }
0x173: {  	v7 =	vmul.f32 v52, v53;
	[tilespmem:s29+$0x3A20] =	vst v5;
	v60 =	vld [tilespmem:s29+$0x3C50]  }
0x174: {  	v5 =	vmul.f32 v37, v39;
	[tilespmem:s29+$0x3B20] =	vst v3;
	v3 =	vld [tilespmem:s29+$0x3B90]  }
0x175: {  	v49 =	vld [tilespmem:s29+$0x3B70];
	[tilespmem:s29+$0x3BC0] =	vst v7;
	v8 =	vmul.f32 v54, v53  }
0x176: {  	v1 =	vbroadcast v1, $0xF;
	[tilespmem:s29+$0x3A90] =	vst v5;
	v44 =	vld [tilespmem:s29+$0x3B30];
	v5 =	vmul.f32 v43, v46  }
0x177: {  	v55 =	vld [tilespmem:s29+$0x3BE0];
	[tilespmem:s29+$0x3BD0] =	vst v8;
	v2 =	vmul.f32 v2, v53  }
0x178: {  	v50 =	vld [tilespmem:s29+$0x3BA0];
	v63 =	vmul.f32 v60, v1;
	[tilespmem:s29+$0x3B00] =	vst v5  }
0x179: {  	v3 =	vmul.f32 v3, v53;
	[tilespmem:s29+$0x3B80] =	vst v2;
	v2 =	vld [tilespmem:s29+$0x3BF0]  }
0x17a: {  	v56 =	vld [tilespmem:s29+$0x3C10];
	v5 =	vmul.f32 v49, v46;
	[tilespmem:s29+$0x3C50] =	vst v63  }
0x17b: {  	v4 =	vmul.f32 v44, v46;
	[tilespmem:s29+$0x3B90] =	vst v3;
	v3 =	vld [tilespmem:s29+$0x3C00]  }
0x17c: {  	[tilespmem:s29+$0x3B70] =	vst v5;
	v5 =	vmul.f32 v55, v53;
	v51 =	vld [tilespmem:s29+$0x3BB0]  }
0x17d: {  	v57 =	vld [tilespmem:s29+$0x3C20];
	[tilespmem:s29+$0x3B30] =	vst v4;
	v4 =	vmul.f32 v50, v53  }
0x17e: {  	[tilespmem:s29+$0x3BE0] =	vst v5;
	v58 =	vld [tilespmem:s29+$0x3C30];
	v2 =	vmul.f32 v2, v53  }
0x17f: {  	v59 =	vld [tilespmem:s29+$0x3C40];
	[tilespmem:s29+$0x3BA0] =	vst v4;
	v4 =	vmul.f32 v56, v1  }
0x180: {  	v3 =	vmul.f32 v3, v1;
	[tilespmem:s29+$0x3BF0] =	vst v2;
	v2 =	vld [tilespmem:s29+$0x3C60]  }
0x181: {  	v61 =	vld [tilespmem:s29+$0x3C70];
	[tilespmem:s29+$0x3C10] =	vst v4;
	v6 =	vmul.f32 v51, v53  }
0x182: {  	[tilespmem:s29+$0x3C00] =	vst v3;
	v3 =	vmul.f32 v57, v1  }
0x183: {  	[tilespmem:s29+$0x3BB0] =	vst v6;
	v62 =	vmul.f32 v58, v1  }
0x184: {  	[tilespmem:s29+$0x3C20] =	vst v3;
	v3 =	vmul.f32 v59, v1  }
0x185: {  	[tilespmem:s29+$0x3C30] =	vst v62;
	v2 =	vmul.f32 v2, v1  }
0x186: {  	[tilespmem:s29+$0x3C40] =	vst v3;
	v1 =	vmul.f32 v61, v1  }
0x187: {  	s31 =	simm.s32 $0x1;
	s30 =	sadd.s32 $0xB480, s26;
	[tilespmem:s29+$0x3C60] =	vst v2  }
.LBB2_6:
0x188: {  	s1 =	sshll.u32 s31, $0x4;
	p3 =	sne.s32 s31, $0x7;
	s31 =	sadd.s32 $0x1, s31;
	[tilespmem:s29+$0x3C70] =	vst v1  }
0x189: {  	s29 =	sadd.s32 s26, s1;
	v1 =	vld.idx.msk [tilespmem:v0+s1+$0x0 ss:$0x1], $0xffff  }
0x18a: {  	s1 =	sshll.u32 s29, $0x7  }
0x18b: {  	s29 =	sand.u32 $0x3FFFFF80, s1  }
0x18c: {  	v4 =	vld [tilespmem:s29+$0x3480]  }
0x18d: {  	v5 =	vld [tilespmem:s29+$0x3490]  }
0x18e: {  	v6 =	vld [tilespmem:s29+$0x34A0]  }
0x18f: {  	v7 =	vbroadcast v1, $0x0;
	v3 =	vbroadcast v1, $0x3;
	v8 =	vld [tilespmem:s29+$0x34B0]  }
0x190: {  	v2 =	vbroadcast v1, $0x5;
	v9 =	vld [tilespmem:s29+$0x34C0]  }
0x191: {  	v4 =	vmul.f32 v7, v4;
	v10 =	vld [tilespmem:s29+$0x34D0]  }
0x192: {  	v5 =	vmul.f32 v5, v7;
	v11 =	vld [tilespmem:s29+$0x34E0]  }
0x193: {  	[tilespmem:s29+$0x3480] =	vst v4;
	v4 =	vmul.f32 v6, v7;
	v6 =	vld [tilespmem:s29+$0x34F0]  }
0x194: {  	[tilespmem:s29+$0x3490] =	vst v5;
	v5 =	vmul.f32 v8, v7;
	v8 =	vld [tilespmem:s29+$0x3500]  }
0x195: {  	[tilespmem:s29+$0x34A0] =	vst v4;
	v4 =	vmul.f32 v9, v7;
	v9 =	vld [tilespmem:s29+$0x3510]  }
0x196: {  	[tilespmem:s29+$0x34B0] =	vst v5;
	v5 =	vmul.f32 v10, v7;
	v10 =	vld [tilespmem:s29+$0x3520]  }
0x197: {  	[tilespmem:s29+$0x34C0] =	vst v4;
	v4 =	vmul.f32 v11, v7;
	v11 =	vbroadcast v1, $0x1;
	v12 =	vld [tilespmem:s29+$0x3530]  }
0x198: {  	[tilespmem:s29+$0x34D0] =	vst v5;
	v5 =	vmul.f32 v6, v7;
	v6 =	vld [tilespmem:s29+$0x3540]  }
0x199: {  	[tilespmem:s29+$0x34E0] =	vst v4;
	v4 =	vmul.f32 v8, v11;
	v7 =	vld [tilespmem:s29+$0x3550]  }
0x19a: {  	[tilespmem:s29+$0x34F0] =	vst v5;
	v5 =	vmul.f32 v9, v11;
	v8 =	vld [tilespmem:s29+$0x3560]  }
0x19b: {  	[tilespmem:s29+$0x3500] =	vst v4;
	v4 =	vmul.f32 v10, v11;
	v9 =	vld [tilespmem:s29+$0x3570]  }
0x19c: {  	[tilespmem:s29+$0x3510] =	vst v5;
	v5 =	vmul.f32 v12, v11;
	v10 =	vld [tilespmem:s29+$0x3580]  }
0x19d: {  	[tilespmem:s29+$0x3520] =	vst v4;
	v4 =	vmul.f32 v6, v11;
	v6 =	vld [tilespmem:s29+$0x3590]  }
0x19e: {  	[tilespmem:s29+$0x3530] =	vst v5;
	v5 =	vmul.f32 v7, v11;
	v7 =	vld [tilespmem:s29+$0x35A0]  }
0x19f: {  	[tilespmem:s29+$0x3540] =	vst v4;
	v4 =	vmul.f32 v8, v11;
	v8 =	vbroadcast v1, $0x2;
	v12 =	vld [tilespmem:s29+$0x35B0]  }
0x1a0: {  	[tilespmem:s29+$0x3550] =	vst v5;
	v5 =	vmul.f32 v9, v11;
	v9 =	vld [tilespmem:s29+$0x35C0]  }
0x1a1: {  	[tilespmem:s29+$0x3560] =	vst v4;
	v4 =	vmul.f32 v10, v8;
	v10 =	vld [tilespmem:s29+$0x35D0]  }
0x1a2: {  	[tilespmem:s29+$0x3570] =	vst v5;
	v5 =	vmul.f32 v6, v8;
	v6 =	vld [tilespmem:s29+$0x35E0]  }
0x1a3: {  	[tilespmem:s29+$0x3580] =	vst v4;
	v4 =	vmul.f32 v7, v8;
	v7 =	vld [tilespmem:s29+$0x35F0]  }
0x1a4: {  	[tilespmem:s29+$0x3590] =	vst v5;
	v5 =	vmul.f32 v12, v8;
	v11 =	vld [tilespmem:s29+$0x3600]  }
0x1a5: {  	[tilespmem:s29+$0x35A0] =	vst v4;
	v4 =	vmul.f32 v9, v8;
	v9 =	vld [tilespmem:s29+$0x3610]  }
0x1a6: {  	[tilespmem:s29+$0x35B0] =	vst v5;
	v5 =	vmul.f32 v10, v8;
	v10 =	vld [tilespmem:s29+$0x3620]  }
0x1a7: {  	[tilespmem:s29+$0x35C0] =	vst v4;
	v4 =	vmul.f32 v6, v8;
	v6 =	vld [tilespmem:s29+$0x3630]  }
0x1a8: {  	[tilespmem:s29+$0x35D0] =	vst v5;
	v5 =	vmul.f32 v7, v8;
	v7 =	vld [tilespmem:s29+$0x3640]  }
0x1a9: {  	[tilespmem:s29+$0x35E0] =	vst v4;
	v4 =	vmul.f32 v11, v3;
	v8 =	vld [tilespmem:s29+$0x3650]  }
0x1aa: {  	[tilespmem:s29+$0x35F0] =	vst v5;
	v5 =	vmul.f32 v9, v3;
	v9 =	vld [tilespmem:s29+$0x3660]  }
0x1ab: {  	[tilespmem:s29+$0x3600] =	vst v4;
	v4 =	vmul.f32 v10, v3;
	v10 =	vld [tilespmem:s29+$0x3670]  }
0x1ac: {  	[tilespmem:s29+$0x3610] =	vst v5;
	v5 =	vmul.f32 v6, v3;
	v6 =	vld [tilespmem:s29+$0x3680]  }
0x1ad: {  	[tilespmem:s29+$0x3620] =	vst v4;
	v4 =	vmul.f32 v7, v3;
	v7 =	vld [tilespmem:s29+$0x3690]  }
0x1ae: {  	[tilespmem:s29+$0x3630] =	vst v5;
	v5 =	vmul.f32 v8, v3;
	v8 =	vld [tilespmem:s29+$0x36A0]  }
0x1af: {  	[tilespmem:s29+$0x3640] =	vst v4;
	v4 =	vmul.f32 v9, v3;
	v9 =	vbroadcast v1, $0x4;
	v11 =	vld [tilespmem:s29+$0x36B0]  }
0x1b0: {  	[tilespmem:s29+$0x3650] =	vst v5;
	v3 =	vmul.f32 v10, v3;
	v5 =	vld [tilespmem:s29+$0x36C0]  }
0x1b1: {  	[tilespmem:s29+$0x3660] =	vst v4;
	v4 =	vmul.f32 v6, v9;
	v6 =	vld [tilespmem:s29+$0x36D0]  }
0x1b2: {  	[tilespmem:s29+$0x3670] =	vst v3;
	v3 =	vmul.f32 v7, v9;
	v7 =	vld [tilespmem:s29+$0x36E0]  }
0x1b3: {  	[tilespmem:s29+$0x3680] =	vst v4;
	v4 =	vmul.f32 v8, v9;
	v8 =	vld [tilespmem:s29+$0x36F0]  }
0x1b4: {  	[tilespmem:s29+$0x3690] =	vst v3;
	v3 =	vmul.f32 v11, v9;
	v10 =	vld [tilespmem:s29+$0x3700]  }
0x1b5: {  	[tilespmem:s29+$0x36A0] =	vst v4;
	v4 =	vmul.f32 v5, v9;
	v5 =	vld [tilespmem:s29+$0x3710]  }
0x1b6: {  	[tilespmem:s29+$0x36B0] =	vst v3;
	v3 =	vmul.f32 v6, v9;
	v6 =	vld [tilespmem:s29+$0x3720]  }
0x1b7: {  	[tilespmem:s29+$0x36C0] =	vst v4;
	v4 =	vmul.f32 v7, v9;
	v7 =	vld [tilespmem:s29+$0x3730]  }
0x1b8: {  	[tilespmem:s29+$0x36D0] =	vst v3;
	v3 =	vmul.f32 v8, v9;
	v8 =	vld [tilespmem:s29+$0x3740]  }
0x1b9: {  	[tilespmem:s29+$0x36E0] =	vst v4;
	v4 =	vmul.f32 v10, v2;
	v9 =	vld [tilespmem:s29+$0x3750]  }
0x1ba: {  	[tilespmem:s29+$0x36F0] =	vst v3;
	v3 =	vmul.f32 v5, v2;
	v5 =	vld [tilespmem:s29+$0x3760]  }
0x1bb: {  	[tilespmem:s29+$0x3700] =	vst v4;
	v4 =	vmul.f32 v6, v2;
	v6 =	vld [tilespmem:s29+$0x3770]  }
0x1bc: {  	[tilespmem:s29+$0x3710] =	vst v3;
	v3 =	vmul.f32 v7, v2;
	v7 =	vld [tilespmem:s29+$0x3780]  }
0x1bd: {  	[tilespmem:s29+$0x3720] =	vst v4;
	v4 =	vmul.f32 v8, v2;
	v8 =	vld [tilespmem:s29+$0x3790]  }
0x1be: {  	[tilespmem:s29+$0x3730] =	vst v3;
	v3 =	vmul.f32 v9, v2;
	v9 =	vld [tilespmem:s29+$0x37A0]  }
0x1bf: {  	[tilespmem:s29+$0x3740] =	vst v4;
	v4 =	vmul.f32 v5, v2;
	v5 =	vbroadcast v1, $0x6;
	v10 =	vld [tilespmem:s29+$0x37B0]  }
0x1c0: {  	[tilespmem:s29+$0x3750] =	vst v3;
	v2 =	vmul.f32 v6, v2;
	v3 =	vld [tilespmem:s29+$0x37C0]  }
0x1c1: {  	[tilespmem:s29+$0x3760] =	vst v4;
	v4 =	vmul.f32 v7, v5;
	v6 =	vld [tilespmem:s29+$0x37D0]  }
0x1c2: {  	[tilespmem:s29+$0x3770] =	vst v2;
	v2 =	vmul.f32 v8, v5;
	v7 =	vld [tilespmem:s29+$0x37E0]  }
0x1c3: {  	[tilespmem:s29+$0x3780] =	vst v4;
	v4 =	vmul.f32 v9, v5;
	v8 =	vld [tilespmem:s29+$0x37F0]  }
0x1c4: {  	[tilespmem:s29+$0x3790] =	vst v2;
	v2 =	vmul.f32 v10, v5;
	v9 =	vld [tilespmem:s29+$0x3800]  }
0x1c5: {  	[tilespmem:s29+$0x37A0] =	vst v4;
	v3 =	vmul.f32 v3, v5;
	v4 =	vld [tilespmem:s29+$0x3810]  }
0x1c6: {  	[tilespmem:s29+$0x37B0] =	vst v2;
	v2 =	vmul.f32 v6, v5;
	v6 =	vld [tilespmem:s29+$0x3820]  }
0x1c7: {  	[tilespmem:s29+$0x37C0] =	vst v3;
	v3 =	vmul.f32 v7, v5;
	v7 =	vbroadcast v1, $0x7;
	v10 =	vld [tilespmem:s29+$0x3830]  }
0x1c8: {  	[tilespmem:s29+$0x37D0] =	vst v2;
	v2 =	vmul.f32 v8, v5;
	v5 =	vld [tilespmem:s29+$0x3840]  }
0x1c9: {  	[tilespmem:s29+$0x37E0] =	vst v3;
	v3 =	vmul.f32 v9, v7;
	v8 =	vld [tilespmem:s29+$0x3850]  }
0x1ca: {  	[tilespmem:s29+$0x37F0] =	vst v2;
	v2 =	vmul.f32 v4, v7;
	v4 =	vld [tilespmem:s29+$0x3860]  }
0x1cb: {  	[tilespmem:s29+$0x3800] =	vst v3;
	v3 =	vmul.f32 v6, v7;
	v6 =	vld [tilespmem:s29+$0x3870]  }
0x1cc: {  	[tilespmem:s29+$0x3810] =	vst v2;
	v2 =	vmul.f32 v10, v7;
	v9 =	vld [tilespmem:s29+$0x3880]  }
0x1cd: {  	[tilespmem:s29+$0x3820] =	vst v3;
	v3 =	vmul.f32 v5, v7;
	v5 =	vld [tilespmem:s29+$0x3890]  }
0x1ce: {  	[tilespmem:s29+$0x3830] =	vst v2;
	v2 =	vmul.f32 v8, v7;
	v8 =	vld [tilespmem:s29+$0x38A0]  }
0x1cf: {  	[tilespmem:s29+$0x3840] =	vst v3;
	v3 =	vmul.f32 v4, v7;
	v4 =	vbroadcast v1, $0x8;
	v10 =	vld [tilespmem:s29+$0x38B0]  }
0x1d0: {  	[tilespmem:s29+$0x3850] =	vst v2;
	v2 =	vmul.f32 v6, v7;
	v6 =	vld [tilespmem:s29+$0x38C0]  }
0x1d1: {  	[tilespmem:s29+$0x3860] =	vst v3;
	v3 =	vmul.f32 v9, v4;
	v7 =	vld [tilespmem:s29+$0x38D0]  }
0x1d2: {  	[tilespmem:s29+$0x3870] =	vst v2;
	v2 =	vmul.f32 v5, v4;
	v5 =	vld [tilespmem:s29+$0x38E0]  }
0x1d3: {  	[tilespmem:s29+$0x3880] =	vst v3;
	v3 =	vmul.f32 v8, v4;
	v8 =	vld [tilespmem:s29+$0x38F0]  }
0x1d4: {  	[tilespmem:s29+$0x3890] =	vst v2;
	v2 =	vmul.f32 v10, v4;
	v9 =	vld [tilespmem:s29+$0x3900]  }
0x1d5: {  	[tilespmem:s29+$0x38A0] =	vst v3;
	v3 =	vmul.f32 v6, v4;
	v6 =	vld [tilespmem:s29+$0x3910]  }
0x1d6: {  	[tilespmem:s29+$0x38B0] =	vst v2;
	v2 =	vmul.f32 v7, v4;
	v7 =	vld [tilespmem:s29+$0x3920]  }
0x1d7: {  	[tilespmem:s29+$0x38C0] =	vst v3;
	v3 =	vmul.f32 v5, v4;
	v5 =	vbroadcast v1, $0x9;
	v10 =	vld [tilespmem:s29+$0x3930]  }
0x1d8: {  	[tilespmem:s29+$0x38D0] =	vst v2;
	v2 =	vmul.f32 v8, v4;
	v4 =	vld [tilespmem:s29+$0x3940]  }
0x1d9: {  	[tilespmem:s29+$0x38E0] =	vst v3;
	v3 =	vmul.f32 v9, v5;
	v8 =	vld [tilespmem:s29+$0x3950]  }
0x1da: {  	[tilespmem:s29+$0x38F0] =	vst v2;
	v2 =	vmul.f32 v6, v5;
	v6 =	vld [tilespmem:s29+$0x3960]  }
0x1db: {  	[tilespmem:s29+$0x3900] =	vst v3;
	v3 =	vmul.f32 v7, v5;
	v7 =	vld [tilespmem:s29+$0x3970]  }
0x1dc: {  	[tilespmem:s29+$0x3910] =	vst v2;
	v2 =	vmul.f32 v10, v5;
	v9 =	vld [tilespmem:s29+$0x3980]  }
0x1dd: {  	[tilespmem:s29+$0x3920] =	vst v3;
	v3 =	vmul.f32 v4, v5;
	v4 =	vld [tilespmem:s29+$0x3990]  }
0x1de: {  	[tilespmem:s29+$0x3930] =	vst v2;
	v2 =	vmul.f32 v8, v5;
	v8 =	vld [tilespmem:s29+$0x39A0]  }
0x1df: {  	[tilespmem:s29+$0x3940] =	vst v3;
	v3 =	vmul.f32 v6, v5;
	v6 =	vbroadcast v1, $0xA;
	v10 =	vld [tilespmem:s29+$0x39B0]  }
0x1e0: {  	[tilespmem:s29+$0x3950] =	vst v2;
	v2 =	vmul.f32 v7, v5;
	v5 =	vld [tilespmem:s29+$0x39C0]  }
0x1e1: {  	[tilespmem:s29+$0x3960] =	vst v3;
	v3 =	vmul.f32 v9, v6;
	v7 =	vld [tilespmem:s29+$0x39D0]  }
0x1e2: {  	[tilespmem:s29+$0x3970] =	vst v2;
	v2 =	vmul.f32 v4, v6;
	v4 =	vld [tilespmem:s29+$0x39E0]  }
0x1e3: {  	[tilespmem:s29+$0x3980] =	vst v3;
	v3 =	vmul.f32 v8, v6;
	v8 =	vld [tilespmem:s29+$0x39F0]  }
0x1e4: {  	[tilespmem:s29+$0x3990] =	vst v2;
	v2 =	vmul.f32 v10, v6;
	v9 =	vld [tilespmem:s29+$0x3A00]  }
0x1e5: {  	[tilespmem:s29+$0x39A0] =	vst v3;
	v3 =	vmul.f32 v5, v6;
	v5 =	vld [tilespmem:s29+$0x3A10]  }
0x1e6: {  	[tilespmem:s29+$0x39B0] =	vst v2;
	v2 =	vmul.f32 v7, v6;
	v7 =	vld [tilespmem:s29+$0x3A20]  }
0x1e7: {  	[tilespmem:s29+$0x39C0] =	vst v3;
	v3 =	vmul.f32 v4, v6;
	v4 =	vbroadcast v1, $0xB;
	v10 =	vld [tilespmem:s29+$0x3A30]  }
0x1e8: {  	[tilespmem:s29+$0x39D0] =	vst v2;
	v2 =	vmul.f32 v8, v6;
	v6 =	vld [tilespmem:s29+$0x3A40]  }
0x1e9: {  	[tilespmem:s29+$0x39E0] =	vst v3;
	v3 =	vmul.f32 v9, v4;
	v8 =	vld [tilespmem:s29+$0x3A50]  }
0x1ea: {  	[tilespmem:s29+$0x39F0] =	vst v2;
	v2 =	vmul.f32 v5, v4;
	v5 =	vld [tilespmem:s29+$0x3A60]  }
0x1eb: {  	[tilespmem:s29+$0x3A00] =	vst v3;
	v3 =	vmul.f32 v7, v4;
	v7 =	vld [tilespmem:s29+$0x3A70]  }
0x1ec: {  	[tilespmem:s29+$0x3A10] =	vst v2;
	v2 =	vmul.f32 v10, v4;
	v9 =	vld [tilespmem:s29+$0x3A80]  }
0x1ed: {  	[tilespmem:s29+$0x3A20] =	vst v3;
	v3 =	vmul.f32 v6, v4;
	v6 =	vld [tilespmem:s29+$0x3A90]  }
0x1ee: {  	[tilespmem:s29+$0x3A30] =	vst v2;
	v2 =	vmul.f32 v8, v4;
	v8 =	vld [tilespmem:s29+$0x3AA0]  }
0x1ef: {  	[tilespmem:s29+$0x3A40] =	vst v3;
	v3 =	vmul.f32 v5, v4;
	v5 =	vbroadcast v1, $0xC;
	v10 =	vld [tilespmem:s29+$0x3AB0]  }
0x1f0: {  	[tilespmem:s29+$0x3A50] =	vst v2;
	v2 =	vmul.f32 v7, v4;
	v4 =	vld [tilespmem:s29+$0x3AC0]  }
0x1f1: {  	[tilespmem:s29+$0x3A60] =	vst v3;
	v3 =	vmul.f32 v9, v5;
	v7 =	vld [tilespmem:s29+$0x3AD0]  }
0x1f2: {  	[tilespmem:s29+$0x3A70] =	vst v2;
	v2 =	vmul.f32 v6, v5;
	v6 =	vld [tilespmem:s29+$0x3AE0]  }
0x1f3: {  	[tilespmem:s29+$0x3A80] =	vst v3;
	v3 =	vmul.f32 v8, v5;
	v8 =	vld [tilespmem:s29+$0x3AF0]  }
0x1f4: {  	[tilespmem:s29+$0x3A90] =	vst v2;
	v2 =	vmul.f32 v10, v5;
	v9 =	vld [tilespmem:s29+$0x3B00]  }
0x1f5: {  	[tilespmem:s29+$0x3AA0] =	vst v3;
	v3 =	vmul.f32 v4, v5;
	v4 =	vld [tilespmem:s29+$0x3B10]  }
0x1f6: {  	[tilespmem:s29+$0x3AB0] =	vst v2;
	v2 =	vmul.f32 v7, v5;
	v7 =	vld [tilespmem:s29+$0x3B20]  }
0x1f7: {  	[tilespmem:s29+$0x3AC0] =	vst v3;
	v3 =	vmul.f32 v6, v5;
	v6 =	vbroadcast v1, $0xD;
	v10 =	vld [tilespmem:s29+$0x3B30]  }
0x1f8: {  	[tilespmem:s29+$0x3AD0] =	vst v2;
	v2 =	vmul.f32 v8, v5;
	v5 =	vld [tilespmem:s29+$0x3B40]  }
0x1f9: {  	[tilespmem:s29+$0x3AE0] =	vst v3;
	v3 =	vmul.f32 v9, v6;
	v8 =	vld [tilespmem:s29+$0x3B50]  }
0x1fa: {  	[tilespmem:s29+$0x3AF0] =	vst v2;
	v2 =	vmul.f32 v4, v6;
	v4 =	vld [tilespmem:s29+$0x3B60]  }
0x1fb: {  	[tilespmem:s29+$0x3B00] =	vst v3;
	v3 =	vmul.f32 v7, v6;
	v7 =	vld [tilespmem:s29+$0x3B70]  }
0x1fc: {  	[tilespmem:s29+$0x3B10] =	vst v2;
	v2 =	vmul.f32 v10, v6;
	v9 =	vld [tilespmem:s29+$0x3B80]  }
0x1fd: {  	[tilespmem:s29+$0x3B20] =	vst v3;
	v3 =	vmul.f32 v5, v6;
	v5 =	vld [tilespmem:s29+$0x3B90]  }
0x1fe: {  	[tilespmem:s29+$0x3B30] =	vst v2;
	v2 =	vmul.f32 v8, v6;
	v8 =	vld [tilespmem:s29+$0x3BA0]  }
0x1ff: {  	[tilespmem:s29+$0x3B40] =	vst v3;
	v3 =	vmul.f32 v4, v6;
	v4 =	vbroadcast v1, $0xE;
	v10 =	vld [tilespmem:s29+$0x3BB0]  }
0x200: {  	[tilespmem:s29+$0x3B50] =	vst v2;
	v2 =	vmul.f32 v7, v6;
	v6 =	vld [tilespmem:s29+$0x3BC0]  }
0x201: {  	[tilespmem:s29+$0x3B60] =	vst v3;
	v3 =	vmul.f32 v9, v4;
	v7 =	vld [tilespmem:s29+$0x3BD0]  }
0x202: {  	[tilespmem:s29+$0x3B70] =	vst v2;
	v2 =	vmul.f32 v5, v4;
	v5 =	vld [tilespmem:s29+$0x3BE0]  }
0x203: {  	[tilespmem:s29+$0x3B80] =	vst v3;
	v3 =	vmul.f32 v8, v4;
	v8 =	vld [tilespmem:s29+$0x3BF0]  }
0x204: {  	[tilespmem:s29+$0x3B90] =	vst v2;
	v2 =	vmul.f32 v10, v4;
	v9 =	vld [tilespmem:s29+$0x3C00]  }
0x205: {  	[tilespmem:s29+$0x3BA0] =	vst v3;
	v3 =	vmul.f32 v6, v4;
	v6 =	vld [tilespmem:s29+$0x3C10]  }
0x206: {  	[tilespmem:s29+$0x3BB0] =	vst v2;
	v2 =	vmul.f32 v7, v4;
	v7 =	vld [tilespmem:s29+$0x3C20]  }
0x207: {  	v1 =	vbroadcast v1, $0xF;
	[tilespmem:s29+$0x3BC0] =	vst v3;
	v3 =	vmul.f32 v5, v4;
	v5 =	vld [tilespmem:s29+$0x3C30]  }
0x208: {  	[tilespmem:s29+$0x3BD0] =	vst v2;
	v2 =	vmul.f32 v8, v4;
	v4 =	vld [tilespmem:s29+$0x3C40]  }
0x209: {  	[tilespmem:s29+$0x3BE0] =	vst v3;
	v3 =	vmul.f32 v9, v1;
	v8 =	vld [tilespmem:s29+$0x3C50]  }
0x20a: {  	[tilespmem:s29+$0x3BF0] =	vst v2;
	v2 =	vmul.f32 v6, v1;
	v6 =	vld [tilespmem:s29+$0x3C60]  }
0x20b: {  	[tilespmem:s29+$0x3C00] =	vst v3;
	v3 =	vmul.f32 v7, v1;
	v7 =	vld [tilespmem:s29+$0x3C70]  }
0x20c: {  	[tilespmem:s29+$0x3C10] =	vst v2;
	v2 =	vmul.f32 v5, v1  }
.Ltmp6:
0x20d: {  	[tilespmem:s29+$0x3C20] =	vst v3;
	v3 =	vmul.f32 v4, v1;
	(pc) =	sbr.rel @p3 .LBB2_6-.Ltmp6, $4  }
0x20e: {  	[tilespmem:s29+$0x3C30] =	vst v2;
	v2 =	vmul.f32 v8, v1  }
0x20f: {  	[tilespmem:s29+$0x3C40] =	vst v3;
	v3 =	vmul.f32 v6, v1  }
0x210: {  	[tilespmem:s29+$0x3C50] =	vst v2;
	v1 =	vmul.f32 v7, v1  }
0x211: {  	[tilespmem:s29+$0x3C60] =	vst v3  }
.Ltmp7:
0x212: {  	s1 =	sshll.u32 s25, $0xE;
	s26 =	sshll.u32 s28, $0xA;
	(pc) =	sbr.rel .LBB2_8-.Ltmp7, $4  }
0x213: {  	[tilespmem:s29+$0x3C70] =	vst v1;
	s31 =	sadd.s32 $0x5, s25;
	s1 =	sor.u32 $0x3480, s1;
	s26 =	sand.u32 $0xC00, s26  }
0x214: {  	[spmem:s4] =	stream.indirect.scatter.add.f32 [tilespmem:s1], [sflag:s31], $0x80, s26, s20, $0xb8;
	[tilespmem:$0x1F078] =	vst v63  }
0x215: {  	_ = 	snop  }
0x216: {  	[spmem:s5] =	stream.indirect.scatter.add.f32 [tilespmem:s30], [sflag:s31], $0x1, s26, s20, $0xb8;
	[tilespmem:$0x1F078] =	vst v63  }
.LBB2_10:
0x217: {  	_ =	sfence.sel $0x180000  }
0x218: {  	[bflag:$0x0] =	sbarrier.arrive $0xFFFF  }
0x219: {  	_ =	strace $0x90000047  }
0x21a: {  	[bflag:$0x2] =	sbarrier.arrive $0xFFFF  }
0x21b: {  	s0 =	rddreg [dreg:$0x6]  }
0x21c: {  	s0 =	sadd.s32 @!p0 $0x100000, s0  }
0x21d: {  	[sflag:s0] =	ssyncadd.tile.s32 @!p0 $0x1;
	_ =	shalt  }
.Lfunc_end2:
_tile_overlayer_lowered:
.L_overlay_start_2:
0x21e: {  	(tag) =	ssettag $0x2  }
0x21f: {  	s0 =	rddreg [dreg:$0x0];
	s2 =	stileid.u32  }
0x220: {  	s1 =	rddreg [dreg:$0x1];
	p0 =	sne.s32 s2, $0x0  }
0x221: {  	s3 =	rddreg [dreg:$0x2];
	[bflag:$0x3] =	sbarrier.arrive $0xFFFF;
	s2 =	simm.s32 @!p0 $0x1C07  }
0x222: {  	[timem:s3], [sflag:s2] =	dma.local @!p0 [hbm:s0], s1  }
0x223: {  	s0 =	simm.s32 @!p0 $0x7  }
0x224: {  	_ =	swait.ge @!p0 [sflag:s0], s1  }
0x225: {  	s1 =	ssub.s32 @!p0 $0x0, s1;
	[sflag:s0] =	ssyncset.done @!p0 $0x0  }
0x226: {  	[sflag:s0] =	ssyncadd.s32 @!p0 s1  }
0x227: {  	[bflag:$0x3] =	sbarrier.arrive $0xFFFF  }
0x228: {  	_ =	shalt  }

</sc_bundles>
